<compile_context>
chip_gen: v7x
topology: tpu7x:2x2x1
jax: 0.10.2.dev20260603
libtpu: 0.0.44.dev20260713+nightly
codegen_flags: <defaults>
</compile_context>

<pallas_src>
import jax
import jax.numpy as jnp
from jax import lax
from jax.experimental import pallas as pl
from jax.experimental.pallas import tpu as pltpu
from jax.experimental.pallas import tpu_sc as plsc

NUM_FEATS = 128
DIM = 2 * NUM_FEATS
H = 100
W = 100
Z = 8
WZ = W * Z
WZ_PAD = 896
LANES = 16
D_PER_TILE = DIM // 32
ROW_PAD = 128


def _body(rowT_hbm, colT_hbm, zz_hbm, out_hbm, row_v, col_v, zz_v, cz_v,
          out_v, sem0, sem1):
    sems = (sem0, sem1)
    wid = lax.axis_index("c") * 16 + lax.axis_index("s")
    d0 = wid * D_PER_TILE

    pltpu.sync_copy(rowT_hbm.at[pl.ds(d0, D_PER_TILE)], row_v)
    pltpu.sync_copy(colT_hbm.at[pl.ds(d0, D_PER_TILE)], col_v)
    pltpu.sync_copy(zz_hbm.at[pl.ds(d0, D_PER_TILE)], zz_v)

    lane = lax.iota(jnp.int32, LANES)
    in_lo = lane < Z

    for i in range(D_PER_TILE):
        zvec = zz_v[i, :]

        def cz_body(yc, _, i=i, zvec=zvec):
            cvec = col_v[i, pl.ds(yc * LANES, LANES)]
            for k in range(Z):
                pair = jnp.where(
                    in_lo,
                    jnp.full((LANES,), cvec[2 * k]),
                    jnp.full((LANES,), cvec[2 * k + 1]),
                )
                off = yc * (Z * LANES) + k * LANES
                cz_v[i, pl.ds(off, LANES)] = pair + zvec
            return 0

        lax.fori_loop(0, 7, cz_body, 0)

    out2d = out_hbm

    def x_body(xs, _):
        rpair = [row_v[i, pl.ds(2 * xs, LANES)] for i in range(D_PER_TILE)]
        for u in range(2):
            x = 2 * xs + u
            dst = out2d.at[pl.ds(d0, D_PER_TILE), x]
            cp = pltpu.make_async_copy(out_v.at[u], dst, sems[u])

            @pl.when(xs >= 1)
            def _():
                pltpu.make_async_copy(out_v.at[u], dst, sems[u]).wait()

            rv = [jnp.full((LANES,), rpair[i][u]) for i in range(D_PER_TILE)]

            def j_body(j, _, u=u, rv=rv):
                for i in range(D_PER_TILE):
                    for t in range(2):
                        off = j * 2 * LANES + t * LANES
                        out_v[u, i, pl.ds(off, LANES)] = (
                            cz_v[i, pl.ds(off, LANES)] + rv[i])
                return 0

            lax.fori_loop(0, WZ // (2 * LANES), j_body, 0)
            cp.start()
        return 0

    lax.fori_loop(0, H // 2, x_body, 0)

    for u in range(2):
        dst = out2d.at[pl.ds(d0, D_PER_TILE), H - 2 + u]
        pltpu.make_async_copy(out_v.at[u], dst, sems[u]).wait()


def kernel(mask, row_embed, col_embed, z_embed):
    h, w, z = mask.shape[-3], mask.shape[-2], mask.shape[-1]
    assert (h, w, z) == (H, W, Z)
    pad = jnp.zeros((DIM, ROW_PAD - H), dtype=jnp.float32)
    rowT = jnp.concatenate([row_embed.T, pad], axis=1)
    colT = jnp.concatenate([col_embed.T, pad], axis=1)
    zT = z_embed.T
    zz = jnp.concatenate([zT, zT], axis=1)

    mesh = plsc.VectorSubcoreMesh(core_axis_name="c", subcore_axis_name="s")
    out = pl.kernel(
        _body,
        out_type=jax.ShapeDtypeStruct((DIM, H, WZ), jnp.float32),
        mesh=mesh,
        scratch_types=[
            pltpu.VMEM((D_PER_TILE, ROW_PAD), jnp.float32),
            pltpu.VMEM((D_PER_TILE, ROW_PAD), jnp.float32),
            pltpu.VMEM((D_PER_TILE, LANES), jnp.float32),
            pltpu.VMEM((D_PER_TILE, WZ_PAD), jnp.float32),
            pltpu.VMEM((2, D_PER_TILE, WZ), jnp.float32),
            pltpu.SemaphoreType.DMA,
            pltpu.SemaphoreType.DMA,
        ],
    )(rowT, colT, zz)
    return out.reshape(1, DIM, H, W, Z)

# --- scband reference (transcript-rebuilt; emitter-appended) ---
"""Pipeline reference for scband-learned3-dpositional-encoding-30124900614212 (READ-ONLY COPY).

The authoritative reference and input builder live on the scoring server;
editing this copy changes nothing except your own understanding.
"""

import jax, jax.numpy as jnp
import numpy as np

NUM_FEATS = 128
ROW_NUM_EMBED = 100
COL_NUM_EMBED = 100
Z_NUM_EMBED = 8
DIM = 2 * NUM_FEATS  # 256


def setup_inputs(seed: int = 0) -> dict:
    key = jax.random.key(seed)
    k1, k2, k3 = jax.random.split(key, 3)
    mask = jnp.zeros((1, 100, 100, 8), dtype=jnp.bool_)
    # uniform_init on nn.Embedding weights -> U[0, 1)
    row_embed = jax.random.uniform(k1, (ROW_NUM_EMBED, DIM), dtype=jnp.float32)
    col_embed = jax.random.uniform(k2, (COL_NUM_EMBED, DIM), dtype=jnp.float32)
    z_embed = jax.random.uniform(k3, (Z_NUM_EMBED, DIM), dtype=jnp.float32)
    return {"mask": mask, "row_embed": row_embed, "col_embed": col_embed, "z_embed": z_embed}


def reference(mask, row_embed, col_embed, z_embed):
    h, w, z = mask.shape[-3], mask.shape[-2], mask.shape[-1]
    x = jnp.arange(h)
    y = jnp.arange(w)
    zz = jnp.arange(z)
    x_embed = jnp.take(row_embed, x, axis=0)  # [h, DIM]
    y_embed = jnp.take(col_embed, y, axis=0)  # [w, DIM]
    zz_embed = jnp.take(z_embed, zz, axis=0)  # [z, DIM]
    pos3d = (
        x_embed.reshape(h, 1, 1, DIM)
        + y_embed.reshape(1, w, 1, DIM)
        + zz_embed.reshape(1, 1, z, DIM)
    )  # [h, w, z, DIM] via broadcasting (equivalent to expand+add)
    pos3d = jnp.transpose(pos3d, (3, 0, 1, 2))[None]  # [1, DIM, h, w, z]
    return pos3d

if __name__ == "__main__":
    import jax
    _d = setup_inputs()
    print(jax.jit(kernel)(*tuple(_d.values())))

</pallas_src>

<mosaic_0001>
#map = affine_map<(d0, d1) -> (0, 0)>
#map1 = affine_map<(d0, d1) -> (0, 0, 0)>
module attributes {stable_mosaic.version = 14 : i64} {
  func.func @_body(%arg0: i32, %arg1: i32, %arg2: memref<256x128xf32, #tpu.memory_space<hbm>>, %arg3: memref<256x128xf32, #tpu.memory_space<hbm>>, %arg4: memref<256x16xf32, #tpu.memory_space<hbm>>, %arg5: memref<256x100x800xf32, #tpu.memory_space<hbm>>, %arg6: memref<8x128xf32, #tpu.memory_space<vmem>>, %arg7: memref<8x128xf32, #tpu.memory_space<vmem>>, %arg8: memref<8x16xf32, #tpu.memory_space<vmem>>, %arg9: memref<8x896xf32, #tpu.memory_space<vmem>>, %arg10: memref<2x8x800xf32, #tpu.memory_space<vmem>>, %arg11: memref<!tpu.dma_semaphore, #tpu.memory_space<semaphore_mem>>, %arg12: memref<!tpu.dma_semaphore, #tpu.memory_space<semaphore_mem>>) attributes {dimension_semantics = [#tpu.dimension_semantics<core_parallel>, #tpu.dimension_semantics<subcore_parallel>], iteration_bounds = array<i64: 2, 16>, scalar_prefetch = 0 : i64, scratch_operands = 7 : i64, tpu.core_type = #tpu.core_type<sc_vector_subcore>, window_params = [{transform_indices = #map}, {transform_indices = #map}, {transform_indices = #map}, {transform_indices = #map1}]} {
    %mul3A = arith.constant 16 : i32
    %mul3A_0 = arith.muli %arg0, %mul3A : i32
    %add3A = arith.addi %mul3A_0, %arg1 : i32
    %mul3A_1 = arith.constant 8 : i32
    %mul3A_2 = arith.muli %add3A, %mul3A_1 : i32
    "tpu.region"() ({
      %run_scoped3A = tpu.sem_alloc : memref<!tpu.dma_semaphore, #tpu.memory_space<semaphore_mem>>
      %dma_start3A = arith.constant 0 : i32
      %dma_start3A_137 = tpu.memref_slice %arg2[%mul3A_2, %dma_start3A] : memref<256x128xf32, #tpu.memory_space<hbm>> -> memref<8x128xf32, #tpu.memory_space<hbm>>
      %dma_start3A_138 = arith.constant 0 : i32
      %dma_start3A_139 = tpu.memref_slice %arg2[%mul3A_2, %dma_start3A_138] : memref<256x128xf32, #tpu.memory_space<hbm>> -> memref<8x128xf32, #tpu.memory_space<hbm>>
      tpu.enqueue_dma source(%dma_start3A_139 : memref<8x128xf32, #tpu.memory_space<hbm>>) target(%arg6 : memref<8x128xf32, #tpu.memory_space<vmem>>) target_semaphore(%run_scoped3A : memref<!tpu.dma_semaphore, #tpu.memory_space<semaphore_mem>>)
      %dma_wait3A_140 = arith.constant 0 : i32
      %dma_wait3A_141 = tpu.memref_slice %arg2[%mul3A_2, %dma_wait3A_140] : memref<256x128xf32, #tpu.memory_space<hbm>> -> memref<8x128xf32, #tpu.memory_space<hbm>>
      %dma_wait3A_142 = arith.constant 0 : i32
      %dma_wait3A_143 = tpu.memref_slice %arg2[%mul3A_2, %dma_wait3A_142] : memref<256x128xf32, #tpu.memory_space<hbm>> -> memref<8x128xf32, #tpu.memory_space<hbm>>
      tpu.wait_dma2 semaphore(%run_scoped3A : memref<!tpu.dma_semaphore, #tpu.memory_space<semaphore_mem>>) src(%dma_wait3A_143 : memref<8x128xf32, #tpu.memory_space<hbm>>) dst(%arg6 : memref<8x128xf32, #tpu.memory_space<vmem>>)
      tpu.yield
    }) : () -> ()
    "tpu.region"() ({
      %run_scoped3A = tpu.sem_alloc : memref<!tpu.dma_semaphore, #tpu.memory_space<semaphore_mem>>
      %dma_start3A = arith.constant 0 : i32
      %dma_start3A_137 = tpu.memref_slice %arg3[%mul3A_2, %dma_start3A] : memref<256x128xf32, #tpu.memory_space<hbm>> -> memref<8x128xf32, #tpu.memory_space<hbm>>
      %dma_start3A_138 = arith.constant 0 : i32
      %dma_start3A_139 = tpu.memref_slice %arg3[%mul3A_2, %dma_start3A_138] : memref<256x128xf32, #tpu.memory_space<hbm>> -> memref<8x128xf32, #tpu.memory_space<hbm>>
      tpu.enqueue_dma source(%dma_start3A_139 : memref<8x128xf32, #tpu.memory_space<hbm>>) target(%arg7 : memref<8x128xf32, #tpu.memory_space<vmem>>) target_semaphore(%run_scoped3A : memref<!tpu.dma_semaphore, #tpu.memory_space<semaphore_mem>>)
      %dma_wait3A_140 = arith.constant 0 : i32
      %dma_wait3A_141 = tpu.memref_slice %arg3[%mul3A_2, %dma_wait3A_140] : memref<256x128xf32, #tpu.memory_space<hbm>> -> memref<8x128xf32, #tpu.memory_space<hbm>>
      %dma_wait3A_142 = arith.constant 0 : i32
      %dma_wait3A_143 = tpu.memref_slice %arg3[%mul3A_2, %dma_wait3A_142] : memref<256x128xf32, #tpu.memory_space<hbm>> -> memref<8x128xf32, #tpu.memory_space<hbm>>
      tpu.wait_dma2 semaphore(%run_scoped3A : memref<!tpu.dma_semaphore, #tpu.memory_space<semaphore_mem>>) src(%dma_wait3A_143 : memref<8x128xf32, #tpu.memory_space<hbm>>) dst(%arg7 : memref<8x128xf32, #tpu.memory_space<vmem>>)
      tpu.yield
    }) : () -> ()
    "tpu.region"() ({
      %run_scoped3A = tpu.sem_alloc : memref<!tpu.dma_semaphore, #tpu.memory_space<semaphore_mem>>
      %dma_start3A = arith.constant 0 : i32
      %dma_start3A_137 = tpu.memref_slice %arg4[%mul3A_2, %dma_start3A] : memref<256x16xf32, #tpu.memory_space<hbm>> -> memref<8x16xf32, #tpu.memory_space<hbm>>
      %dma_start3A_138 = arith.constant 0 : i32
      %dma_start3A_139 = tpu.memref_slice %arg4[%mul3A_2, %dma_start3A_138] : memref<256x16xf32, #tpu.memory_space<hbm>> -> memref<8x16xf32, #tpu.memory_space<hbm>>
      tpu.enqueue_dma source(%dma_start3A_139 : memref<8x16xf32, #tpu.memory_space<hbm>>) target(%arg8 : memref<8x16xf32, #tpu.memory_space<vmem>>) target_semaphore(%run_scoped3A : memref<!tpu.dma_semaphore, #tpu.memory_space<semaphore_mem>>)
      %dma_wait3A_140 = arith.constant 0 : i32
      %dma_wait3A_141 = tpu.memref_slice %arg4[%mul3A_2, %dma_wait3A_140] : memref<256x16xf32, #tpu.memory_space<hbm>> -> memref<8x16xf32, #tpu.memory_space<hbm>>
      %dma_wait3A_142 = arith.constant 0 : i32
      %dma_wait3A_143 = tpu.memref_slice %arg4[%mul3A_2, %dma_wait3A_142] : memref<256x16xf32, #tpu.memory_space<hbm>> -> memref<8x16xf32, #tpu.memory_space<hbm>>
      tpu.wait_dma2 semaphore(%run_scoped3A : memref<!tpu.dma_semaphore, #tpu.memory_space<semaphore_mem>>) src(%dma_wait3A_143 : memref<8x16xf32, #tpu.memory_space<hbm>>) dst(%arg8 : memref<8x16xf32, #tpu.memory_space<vmem>>)
      tpu.yield
    }) : () -> ()
    %iota3A = tpu.iota {dimensions = array<i32: 0>} : vector<16xi32>
    %lt3A = arith.constant 8 : i32
    %lt3A_3 = vector.broadcast %lt3A : i32 to vector<16xi32>
    %lt3A_4 = arith.cmpi slt, %iota3A, %lt3A_3 : vector<16xi32>
    %get3A = arith.constant 0 : i32
    %get3A_5 = arith.index_cast %get3A : i32 to index
    %get3A_6 = arith.constant 0 : index
    %get3A_7 = tpu.vector_load %arg8[%get3A_5, %get3A_6] {strides = array<i32>} : memref<8x16xf32, #tpu.memory_space<vmem>>, vector<1x16xf32>,
    %get3A_8 = vector.shape_cast %get3A_7 : vector<1x16xf32> to vector<16xf32>
    %scan3A = arith.constant 0 : i32
    %scan3A_9 = arith.constant 0 : i32
    %scan3A_10 = arith.constant 7 : i32
    %scan3A_11 = arith.addi %scan3A_9, %scan3A_10 : i32
    %scan3A_12 = arith.constant 1 : i32
    %scan3A_13 = scf.for %scan3A_137 = %scan3A_9 to %scan3A_11 step %scan3A_12 iter_args(%scan3A_138 = %scan3A) -> (i32)  : i32 {
      %mul3A_139 = arith.constant 16 : i32
      %mul3A_140 = arith.muli %scan3A_137, %mul3A_139 : i32
      %get3A_141 = arith.constant 0 : i32
      %get3A_142 = arith.index_cast %get3A_141 : i32 to index
      %get3A_143 = arith.index_cast %mul3A_140 : i32 to index
      %get3A_144 = tpu.vector_load %arg7[%get3A_142, %get3A_143] {strides = array<i32>} : memref<8x128xf32, #tpu.memory_space<vmem>>, vector<1x16xf32>,
      %get3A_145 = vector.shape_cast %get3A_144 : vector<1x16xf32> to vector<16xf32>
      %slice3A = vector.extract_strided_slice %get3A_145 {offsets = [0], sizes = [1], strides = [1]} : vector<16xf32> to vector<1xf32>
      %squeeze3A = vector.extract %slice3A[0] : f32 from vector<1xf32>
      %broadcast_in_dim3A = vector.broadcast %squeeze3A : f32 to vector<16xf32>
      %slice3A_146 = vector.extract_strided_slice %get3A_145 {offsets = [1], sizes = [1], strides = [1]} : vector<16xf32> to vector<1xf32>
      %squeeze3A_147 = vector.extract %slice3A_146[0] : f32 from vector<1xf32>
      %broadcast_in_dim3A_148 = vector.broadcast %squeeze3A_147 : f32 to vector<16xf32>
      %select_n3A = arith.select %lt3A_4, %broadcast_in_dim3A, %broadcast_in_dim3A_148 : vector<16xi1>, vector<16xf32>
      %mul3A_149 = arith.constant 128 : i32
      %mul3A_150 = arith.muli %scan3A_137, %mul3A_149 : i32
      %add3A_151 = arith.constant 0 : i32
      %add3A_152 = arith.addi %mul3A_150, %add3A_151 : i32
      %add3A_153 = arith.addf %select_n3A, %get3A_8 : vector<16xf32>
      %swap3A = arith.constant 0 : i32
      %swap3A_154 = arith.index_cast %swap3A : i32 to index
      %swap3A_155 = arith.index_cast %add3A_152 : i32 to index
      %swap3A_156 = tpu.vector_load %arg9[%swap3A_154, %swap3A_155] {strides = array<i32>} : memref<8x896xf32, #tpu.memory_space<vmem>>, vector<1x16xf32>,
      %swap3A_157 = vector.shape_cast %swap3A_156 : vector<1x16xf32> to vector<16xf32>
      %swap3A_158 = vector.shape_cast %add3A_153 : vector<16xf32> to vector<1x16xf32>
      tpu.vector_store %arg9[%swap3A_154, %swap3A_155], %swap3A_158 {strides = array<i32>} : memref<8x896xf32, #tpu.memory_space<vmem>>, vector<1x16xf32>,
      %slice3A_159 = vector.extract_strided_slice %get3A_145 {offsets = [2], sizes = [1], strides = [1]} : vector<16xf32> to vector<1xf32>
      %squeeze3A_160 = vector.extract %slice3A_159[0] : f32 from vector<1xf32>
      %broadcast_in_dim3A_161 = vector.broadcast %squeeze3A_160 : f32 to vector<16xf32>
      %slice3A_162 = vector.extract_strided_slice %get3A_145 {offsets = [3], sizes = [1], strides = [1]} : vector<16xf32> to vector<1xf32>
      %squeeze3A_163 = vector.extract %slice3A_162[0] : f32 from vector<1xf32>
      %broadcast_in_dim3A_164 = vector.broadcast %squeeze3A_163 : f32 to vector<16xf32>
      %select_n3A_165 = arith.select %lt3A_4, %broadcast_in_dim3A_161, %broadcast_in_dim3A_164 : vector<16xi1>, vector<16xf32>
      %mul3A_166 = arith.constant 128 : i32
      %mul3A_167 = arith.muli %scan3A_137, %mul3A_166 : i32
      %add3A_168 = arith.constant 16 : i32
      %add3A_169 = arith.addi %mul3A_167, %add3A_168 : i32
      %add3A_170 = arith.addf %select_n3A_165, %get3A_8 : vector<16xf32>
      %swap3A_171 = arith.constant 0 : i32
      %swap3A_172 = arith.index_cast %swap3A_171 : i32 to index
      %swap3A_173 = arith.index_cast %add3A_169 : i32 to index
      %swap3A_174 = tpu.vector_load %arg9[%swap3A_172, %swap3A_173] {strides = array<i32>} : memref<8x896xf32, #tpu.memory_space<vmem>>, vector<1x16xf32>,
      %swap3A_175 = vector.shape_cast %swap3A_174 : vector<1x16xf32> to vector<16xf32>
      %swap3A_176 = vector.shape_cast %add3A_170 : vector<16xf32> to vector<1x16xf32>
      tpu.vector_store %arg9[%swap3A_172, %swap3A_173], %swap3A_176 {strides = array<i32>} : memref<8x896xf32, #tpu.memory_space<vmem>>, vector<1x16xf32>,
      %slice3A_177 = vector.extract_strided_slice %get3A_145 {offsets = [4], sizes = [1], strides = [1]} : vector<16xf32> to vector<1xf32>
      %squeeze3A_178 = vector.extract %slice3A_177[0] : f32 from vector<1xf32>
      %broadcast_in_dim3A_179 = vector.broadcast %squeeze3A_178 : f32 to vector<16xf32>
      %slice3A_180 = vector.extract_strided_slice %get3A_145 {offsets = [5], sizes = [1], strides = [1]} : vector<16xf32> to vector<1xf32>
      %squeeze3A_181 = vector.extract %slice3A_180[0] : f32 from vector<1xf32>
      %broadcast_in_dim3A_182 = vector.broadcast %squeeze3A_181 : f32 to vector<16xf32>
      %select_n3A_183 = arith.select %lt3A_4, %broadcast_in_dim3A_179, %broadcast_in_dim3A_182 : vector<16xi1>, vector<16xf32>
      %mul3A_184 = arith.constant 128 : i32
      %mul3A_185 = arith.muli %scan3A_137, %mul3A_184 : i32
      %add3A_186 = arith.constant 32 : i32
      %add3A_187 = arith.addi %mul3A_185, %add3A_186 : i32
      %add3A_188 = arith.addf %select_n3A_183, %get3A_8 : vector<16xf32>
      %swap3A_189 = arith.constant 0 : i32
      %swap3A_190 = arith.index_cast %swap3A_189 : i32 to index
      %swap3A_191 = arith.index_cast %add3A_187 : i32 to index
      %swap3A_192 = tpu.vector_load %arg9[%swap3A_190, %swap3A_191] {strides = array<i32>} : memref<8x896xf32, #tpu.memory_space<vmem>>, vector<1x16xf32>,
      %swap3A_193 = vector.shape_cast %swap3A_192 : vector<1x16xf32> to vector<16xf32>
      %swap3A_194 = vector.shape_cast %add3A_188 : vector<16xf32> to vector<1x16xf32>
      tpu.vector_store %arg9[%swap3A_190, %swap3A_191], %swap3A_194 {strides = array<i32>} : memref<8x896xf32, #tpu.memory_space<vmem>>, vector<1x16xf32>,
      %slice3A_195 = vector.extract_strided_slice %get3A_145 {offsets = [6], sizes = [1], strides = [1]} : vector<16xf32> to vector<1xf32>
      %squeeze3A_196 = vector.extract %slice3A_195[0] : f32 from vector<1xf32>
      %broadcast_in_dim3A_197 = vector.broadcast %squeeze3A_196 : f32 to vector<16xf32>
      %slice3A_198 = vector.extract_strided_slice %get3A_145 {offsets = [7], sizes = [1], strides = [1]} : vector<16xf32> to vector<1xf32>
      %squeeze3A_199 = vector.extract %slice3A_198[0] : f32 from vector<1xf32>
      %broadcast_in_dim3A_200 = vector.broadcast %squeeze3A_199 : f32 to vector<16xf32>
      %select_n3A_201 = arith.select %lt3A_4, %broadcast_in_dim3A_197, %broadcast_in_dim3A_200 : vector<16xi1>, vector<16xf32>
      %mul3A_202 = arith.constant 128 : i32
      %mul3A_203 = arith.muli %scan3A_137, %mul3A_202 : i32
      %add3A_204 = arith.constant 48 : i32
      %add3A_205 = arith.addi %mul3A_203, %add3A_204 : i32
      %add3A_206 = arith.addf %select_n3A_201, %get3A_8 : vector<16xf32>
      %swap3A_207 = arith.constant 0 : i32
      %swap3A_208 = arith.index_cast %swap3A_207 : i32 to index
      %swap3A_209 = arith.index_cast %add3A_205 : i32 to index
      %swap3A_210 = tpu.vector_load %arg9[%swap3A_208, %swap3A_209] {strides = array<i32>} : memref<8x896xf32, #tpu.memory_space<vmem>>, vector<1x16xf32>,
      %swap3A_211 = vector.shape_cast %swap3A_210 : vector<1x16xf32> to vector<16xf32>
      %swap3A_212 = vector.shape_cast %add3A_206 : vector<16xf32> to vector<1x16xf32>
      tpu.vector_store %arg9[%swap3A_208, %swap3A_209], %swap3A_212 {strides = array<i32>} : memref<8x896xf32, #tpu.memory_space<vmem>>, vector<1x16xf32>,
      %slice3A_213 = vector.extract_strided_slice %get3A_145 {offsets = [8], sizes = [1], strides = [1]} : vector<16xf32> to vector<1xf32>
      %squeeze3A_214 = vector.extract %slice3A_213[0] : f32 from vector<1xf32>
      %broadcast_in_dim3A_215 = vector.broadcast %squeeze3A_214 : f32 to vector<16xf32>
      %slice3A_216 = vector.extract_strided_slice %get3A_145 {offsets = [9], sizes = [1], strides = [1]} : vector<16xf32> to vector<1xf32>
      %squeeze3A_217 = vector.extract %slice3A_216[0] : f32 from vector<1xf32>
      %broadcast_in_dim3A_218 = vector.broadcast %squeeze3A_217 : f32 to vector<16xf32>
      %select_n3A_219 = arith.select %lt3A_4, %broadcast_in_dim3A_215, %broadcast_in_dim3A_218 : vector<16xi1>, vector<16xf32>
      %mul3A_220 = arith.constant 128 : i32
      %mul3A_221 = arith.muli %scan3A_137, %mul3A_220 : i32
      %add3A_222 = arith.constant 64 : i32
      %add3A_223 = arith.addi %mul3A_221, %add3A_222 : i32
      %add3A_224 = arith.addf %select_n3A_219, %get3A_8 : vector<16xf32>
      %swap3A_225 = arith.constant 0 : i32
      %swap3A_226 = arith.index_cast %swap3A_225 : i32 to index
      %swap3A_227 = arith.index_cast %add3A_223 : i32 to index
      %swap3A_228 = tpu.vector_load %arg9[%swap3A_226, %swap3A_227] {strides = array<i32>} : memref<8x896xf32, #tpu.memory_space<vmem>>, vector<1x16xf32>,
      %swap3A_229 = vector.shape_cast %swap3A_228 : vector<1x16xf32> to vector<16xf32>
      %swap3A_230 = vector.shape_cast %add3A_224 : vector<16xf32> to vector<1x16xf32>
      tpu.vector_store %arg9[%swap3A_226, %swap3A_227], %swap3A_230 {strides = array<i32>} : memref<8x896xf32, #tpu.memory_space<vmem>>, vector<1x16xf32>,
      %slice3A_231 = vector.extract_strided_slice %get3A_145 {offsets = [10], sizes = [1], strides = [1]} : vector<16xf32> to vector<1xf32>
      %squeeze3A_232 = vector.extract %slice3A_231[0] : f32 from vector<1xf32>
      %broadcast_in_dim3A_233 = vector.broadcast %squeeze3A_232 : f32 to vector<16xf32>
      %slice3A_234 = vector.extract_strided_slice %get3A_145 {offsets = [11], sizes = [1], strides = [1]} : vector<16xf32> to vector<1xf32>
      %squeeze3A_235 = vector.extract %slice3A_234[0] : f32 from vector<1xf32>
      %broadcast_in_dim3A_236 = vector.broadcast %squeeze3A_235 : f32 to vector<16xf32>
      %select_n3A_237 = arith.select %lt3A_4, %broadcast_in_dim3A_233, %broadcast_in_dim3A_236 : vector<16xi1>, vector<16xf32>
      %mul3A_238 = arith.constant 128 : i32
      %mul3A_239 = arith.muli %scan3A_137, %mul3A_238 : i32
      %add3A_240 = arith.constant 80 : i32
      %add3A_241 = arith.addi %mul3A_239, %add3A_240 : i32
      %add3A_242 = arith.addf %select_n3A_237, %get3A_8 : vector<16xf32>
      %swap3A_243 = arith.constant 0 : i32
      %swap3A_244 = arith.index_cast %swap3A_243 : i32 to index
      %swap3A_245 = arith.index_cast %add3A_241 : i32 to index
      %swap3A_246 = tpu.vector_load %arg9[%swap3A_244, %swap3A_245] {strides = array<i32>} : memref<8x896xf32, #tpu.memory_space<vmem>>, vector<1x16xf32>,
      %swap3A_247 = vector.shape_cast %swap3A_246 : vector<1x16xf32> to vector<16xf32>
      %swap3A_248 = vector.shape_cast %add3A_242 : vector<16xf32> to vector<1x16xf32>
      tpu.vector_store %arg9[%swap3A_244, %swap3A_245], %swap3A_248 {strides = array<i32>} : memref<8x896xf32, #tpu.memory_space<vmem>>, vector<1x16xf32>,
      %slice3A_249 = vector.extract_strided_slice %get3A_145 {offsets = [12], sizes = [1], strides = [1]} : vector<16xf32> to vector<1xf32>
      %squeeze3A_250 = vector.extract %slice3A_249[0] : f32 from vector<1xf32>
      %broadcast_in_dim3A_251 = vector.broadcast %squeeze3A_250 : f32 to vector<16xf32>
      %slice3A_252 = vector.extract_strided_slice %get3A_145 {offsets = [13], sizes = [1], strides = [1]} : vector<16xf32> to vector<1xf32>
      %squeeze3A_253 = vector.extract %slice3A_252[0] : f32 from vector<1xf32>
      %broadcast_in_dim3A_254 = vector.broadcast %squeeze3A_253 : f32 to vector<16xf32>
      %select_n3A_255 = arith.select %lt3A_4, %broadcast_in_dim3A_251, %broadcast_in_dim3A_254 : vector<16xi1>, vector<16xf32>
      %mul3A_256 = arith.constant 128 : i32
      %mul3A_257 = arith.muli %scan3A_137, %mul3A_256 : i32
      %add3A_258 = arith.constant 96 : i32
      %add3A_259 = arith.addi %mul3A_257, %add3A_258 : i32
      %add3A_260 = arith.addf %select_n3A_255, %get3A_8 : vector<16xf32>
      %swap3A_261 = arith.constant 0 : i32
      %swap3A_262 = arith.index_cast %swap3A_261 : i32 to index
      %swap3A_263 = arith.index_cast %add3A_259 : i32 to index
      %swap3A_264 = tpu.vector_load %arg9[%swap3A_262, %swap3A_263] {strides = array<i32>} : memref<8x896xf32, #tpu.memory_space<vmem>>, vector<1x16xf32>,
      %swap3A_265 = vector.shape_cast %swap3A_264 : vector<1x16xf32> to vector<16xf32>
      %swap3A_266 = vector.shape_cast %add3A_260 : vector<16xf32> to vector<1x16xf32>
      tpu.vector_store %arg9[%swap3A_262, %swap3A_263], %swap3A_266 {strides = array<i32>} : memref<8x896xf32, #tpu.memory_space<vmem>>, vector<1x16xf32>,
      %slice3A_267 = vector.extract_strided_slice %get3A_145 {offsets = [14], sizes = [1], strides = [1]} : vector<16xf32> to vector<1xf32>
      %squeeze3A_268 = vector.extract %slice3A_267[0] : f32 from vector<1xf32>
      %broadcast_in_dim3A_269 = vector.broadcast %squeeze3A_268 : f32 to vector<16xf32>
      %slice3A_270 = vector.extract_strided_slice %get3A_145 {offsets = [15], sizes = [1], strides = [1]} : vector<16xf32> to vector<1xf32>
      %squeeze3A_271 = vector.extract %slice3A_270[0] : f32 from vector<1xf32>
      %broadcast_in_dim3A_272 = vector.broadcast %squeeze3A_271 : f32 to vector<16xf32>
      %select_n3A_273 = arith.select %lt3A_4, %broadcast_in_dim3A_269, %broadcast_in_dim3A_272 : vector<16xi1>, vector<16xf32>
      %mul3A_274 = arith.constant 128 : i32
      %mul3A_275 = arith.muli %scan3A_137, %mul3A_274 : i32
      %add3A_276 = arith.constant 112 : i32
      %add3A_277 = arith.addi %mul3A_275, %add3A_276 : i32
      %add3A_278 = arith.addf %select_n3A_273, %get3A_8 : vector<16xf32>
      %swap3A_279 = arith.constant 0 : i32
      %swap3A_280 = arith.index_cast %swap3A_279 : i32 to index
      %swap3A_281 = arith.index_cast %add3A_277 : i32 to index
      %swap3A_282 = tpu.vector_load %arg9[%swap3A_280, %swap3A_281] {strides = array<i32>} : memref<8x896xf32, #tpu.memory_space<vmem>>, vector<1x16xf32>,
      %swap3A_283 = vector.shape_cast %swap3A_282 : vector<1x16xf32> to vector<16xf32>
      %swap3A_284 = vector.shape_cast %add3A_278 : vector<16xf32> to vector<1x16xf32>
      tpu.vector_store %arg9[%swap3A_280, %swap3A_281], %swap3A_284 {strides = array<i32>} : memref<8x896xf32, #tpu.memory_space<vmem>>, vector<1x16xf32>,
      %scan3A_285 = arith.constant 0 : i32
      scf.yield %scan3A_285 : i32
    }
    %scan3A_14 = arith.constant 7 : i32
    %get3A_15 = arith.constant 1 : i32
    %get3A_16 = arith.index_cast %get3A_15 : i32 to index
    %get3A_17 = arith.constant 0 : index
    %get3A_18 = tpu.vector_load %arg8[%get3A_16, %get3A_17] {strides = array<i32>} : memref<8x16xf32, #tpu.memory_space<vmem>>, vector<1x16xf32>,
    %get3A_19 = vector.shape_cast %get3A_18 : vector<1x16xf32> to vector<16xf32>
    %scan3A_20 = arith.constant 0 : i32
    %scan3A_21 = arith.constant 0 : i32
    %scan3A_22 = arith.constant 7 : i32
    %scan3A_23 = arith.addi %scan3A_21, %scan3A_22 : i32
    %scan3A_24 = arith.constant 1 : i32
    %scan3A_25 = scf.for %scan3A_137 = %scan3A_21 to %scan3A_23 step %scan3A_24 iter_args(%scan3A_138 = %scan3A_20) -> (i32)  : i32 {
      %mul3A_139 = arith.constant 16 : i32
      %mul3A_140 = arith.muli %scan3A_137, %mul3A_139 : i32
      %get3A_141 = arith.constant 1 : i32
      %get3A_142 = arith.index_cast %get3A_141 : i32 to index
      %get3A_143 = arith.index_cast %mul3A_140 : i32 to index
      %get3A_144 = tpu.vector_load %arg7[%get3A_142, %get3A_143] {strides = array<i32>} : memref<8x128xf32, #tpu.memory_space<vmem>>, vector<1x16xf32>,
      %get3A_145 = vector.shape_cast %get3A_144 : vector<1x16xf32> to vector<16xf32>
      %slice3A = vector.extract_strided_slice %get3A_145 {offsets = [0], sizes = [1], strides = [1]} : vector<16xf32> to vector<1xf32>
      %squeeze3A = vector.extract %slice3A[0] : f32 from vector<1xf32>
      %broadcast_in_dim3A = vector.broadcast %squeeze3A : f32 to vector<16xf32>
      %slice3A_146 = vector.extract_strided_slice %get3A_145 {offsets = [1], sizes = [1], strides = [1]} : vector<16xf32> to vector<1xf32>
      %squeeze3A_147 = vector.extract %slice3A_146[0] : f32 from vector<1xf32>
      %broadcast_in_dim3A_148 = vector.broadcast %squeeze3A_147 : f32 to vector<16xf32>
      %select_n3A = arith.select %lt3A_4, %broadcast_in_dim3A, %broadcast_in_dim3A_148 : vector<16xi1>, vector<16xf32>
      %mul3A_149 = arith.constant 128 : i32
      %mul3A_150 = arith.muli %scan3A_137, %mul3A_149 : i32
      %add3A_151 = arith.constant 0 : i32
      %add3A_152 = arith.addi %mul3A_150, %add3A_151 : i32
      %add3A_153 = arith.addf %select_n3A, %get3A_19 : vector<16xf32>
      %swap3A = arith.constant 1 : i32
      %swap3A_154 = arith.index_cast %swap3A : i32 to index
      %swap3A_155 = arith.index_cast %add3A_152 : i32 to index
      %swap3A_156 = tpu.vector_load %arg9[%swap3A_154, %swap3A_155] {strides = array<i32>} : memref<8x896xf32, #tpu.memory_space<vmem>>, vector<1x16xf32>,
      %swap3A_157 = vector.shape_cast %swap3A_156 : vector<1x16xf32> to vector<16xf32>
      %swap3A_158 = vector.shape_cast %add3A_153 : vector<16xf32> to vector<1x16xf32>
      tpu.vector_store %arg9[%swap3A_154, %swap3A_155], %swap3A_158 {strides = array<i32>} : memref<8x896xf32, #tpu.memory_space<vmem>>, vector<1x16xf32>,
      %slice3A_159 = vector.extract_strided_slice %get3A_145 {offsets = [2], sizes = [1], strides = [1]} : vector<16xf32> to vector<1xf32>
      %squeeze3A_160 = vector.extract %slice3A_159[0] : f32 from vector<1xf32>
      %broadcast_in_dim3A_161 = vector.broadcast %squeeze3A_160 : f32 to vector<16xf32>
      %slice3A_162 = vector.extract_strided_slice %get3A_145 {offsets = [3], sizes = [1], strides = [1]} : vector<16xf32> to vector<1xf32>
      %squeeze3A_163 = vector.extract %slice3A_162[0] : f32 from vector<1xf32>
      %broadcast_in_dim3A_164 = vector.broadcast %squeeze3A_163 : f32 to vector<16xf32>
      %select_n3A_165 = arith.select %lt3A_4, %broadcast_in_dim3A_161, %broadcast_in_dim3A_164 : vector<16xi1>, vector<16xf32>
      %mul3A_166 = arith.constant 128 : i32
      %mul3A_167 = arith.muli %scan3A_137, %mul3A_166 : i32
      %add3A_168 = arith.constant 16 : i32
      %add3A_169 = arith.addi %mul3A_167, %add3A_168 : i32
      %add3A_170 = arith.addf %select_n3A_165, %get3A_19 : vector<16xf32>
      %swap3A_171 = arith.constant 1 : i32
      %swap3A_172 = arith.index_cast %swap3A_171 : i32 to index
      %swap3A_173 = arith.index_cast %add3A_169 : i32 to index
      %swap3A_174 = tpu.vector_load %arg9[%swap3A_172, %swap3A_173] {strides = array<i32>} : memref<8x896xf32, #tpu.memory_space<vmem>>, vector<1x16xf32>,
      %swap3A_175 = vector.shape_cast %swap3A_174 : vector<1x16xf32> to vector<16xf32>
      %swap3A_176 = vector.shape_cast %add3A_170 : vector<16xf32> to vector<1x16xf32>
      tpu.vector_store %arg9[%swap3A_172, %swap3A_173], %swap3A_176 {strides = array<i32>} : memref<8x896xf32, #tpu.memory_space<vmem>>, vector<1x16xf32>,
      %slice3A_177 = vector.extract_strided_slice %get3A_145 {offsets = [4], sizes = [1], strides = [1]} : vector<16xf32> to vector<1xf32>
      %squeeze3A_178 = vector.extract %slice3A_177[0] : f32 from vector<1xf32>
      %broadcast_in_dim3A_179 = vector.broadcast %squeeze3A_178 : f32 to vector<16xf32>
      %slice3A_180 = vector.extract_strided_slice %get3A_145 {offsets = [5], sizes = [1], strides = [1]} : vector<16xf32> to vector<1xf32>
      %squeeze3A_181 = vector.extract %slice3A_180[0] : f32 from vector<1xf32>
      %broadcast_in_dim3A_182 = vector.broadcast %squeeze3A_181 : f32 to vector<16xf32>
      %select_n3A_183 = arith.select %lt3A_4, %broadcast_in_dim3A_179, %broadcast_in_dim3A_182 : vector<16xi1>, vector<16xf32>
      %mul3A_184 = arith.constant 128 : i32
      %mul3A_185 = arith.muli %scan3A_137, %mul3A_184 : i32
      %add3A_186 = arith.constant 32 : i32
      %add3A_187 = arith.addi %mul3A_185, %add3A_186 : i32
      %add3A_188 = arith.addf %select_n3A_183, %get3A_19 : vector<16xf32>
      %swap3A_189 = arith.constant 1 : i32
      %swap3A_190 = arith.index_cast %swap3A_189 : i32 to index
      %swap3A_191 = arith.index_cast %add3A_187 : i32 to index
      %swap3A_192 = tpu.vector_load %arg9[%swap3A_190, %swap3A_191] {strides = array<i32>} : memref<8x896xf32, #tpu.memory_space<vmem>>, vector<1x16xf32>,
      %swap3A_193 = vector.shape_cast %swap3A_192 : vector<1x16xf32> to vector<16xf32>
      %swap3A_194 = vector.shape_cast %add3A_188 : vector<16xf32> to vector<1x16xf32>
      tpu.vector_store %arg9[%swap3A_190, %swap3A_191], %swap3A_194 {strides = array<i32>} : memref<8x896xf32, #tpu.memory_space<vmem>>, vector<1x16xf32>,
      %slice3A_195 = vector.extract_strided_slice %get3A_145 {offsets = [6], sizes = [1], strides = [1]} : vector<16xf32> to vector<1xf32>
      %squeeze3A_196 = vector.extract %slice3A_195[0] : f32 from vector<1xf32>
      %broadcast_in_dim3A_197 = vector.broadcast %squeeze3A_196 : f32 to vector<16xf32>
      %slice3A_198 = vector.extract_strided_slice %get3A_145 {offsets = [7], sizes = [1], strides = [1]} : vector<16xf32> to vector<1xf32>
      %squeeze3A_199 = vector.extract %slice3A_198[0] : f32 from vector<1xf32>
      %broadcast_in_dim3A_200 = vector.broadcast %squeeze3A_199 : f32 to vector<16xf32>
      %select_n3A_201 = arith.select %lt3A_4, %broadcast_in_dim3A_197, %broadcast_in_dim3A_200 : vector<16xi1>, vector<16xf32>
      %mul3A_202 = arith.constant 128 : i32
      %mul3A_203 = arith.muli %scan3A_137, %mul3A_202 : i32
      %add3A_204 = arith.constant 48 : i32
      %add3A_205 = arith.addi %mul3A_203, %add3A_204 : i32
      %add3A_206 = arith.addf %select_n3A_201, %get3A_19 : vector<16xf32>
      %swap3A_207 = arith.constant 1 : i32
      %swap3A_208 = arith.index_cast %swap3A_207 : i32 to index
      %swap3A_209 = arith.index_cast %add3A_205 : i32 to index
      %swap3A_210 = tpu.vector_load %arg9[%swap3A_208, %swap3A_209] {strides = array<i32>} : memref<8x896xf32, #tpu.memory_space<vmem>>, vector<1x16xf32>,
      %swap3A_211 = vector.shape_cast %swap3A_210 : vector<1x16xf32> to vector<16xf32>
      %swap3A_212 = vector.shape_cast %add3A_206 : vector<16xf32> to vector<1x16xf32>
      tpu.vector_store %arg9[%swap3A_208, %swap3A_209], %swap3A_212 {strides = array<i32>} : memref<8x896xf32, #tpu.memory_space<vmem>>, vector<1x16xf32>,
      %slice3A_213 = vector.extract_strided_slice %get3A_145 {offsets = [8], sizes = [1], strides = [1]} : vector<16xf32> to vector<1xf32>
      %squeeze3A_214 = vector.extract %slice3A_213[0] : f32 from vector<1xf32>
      %broadcast_in_dim3A_215 = vector.broadcast %squeeze3A_214 : f32 to vector<16xf32>
      %slice3A_216 = vector.extract_strided_slice %get3A_145 {offsets = [9], sizes = [1], strides = [1]} : vector<16xf32> to vector<1xf32>
      %squeeze3A_217 = vector.extract %slice3A_216[0] : f32 from vector<1xf32>
      %broadcast_in_dim3A_218 = vector.broadcast %squeeze3A_217 : f32 to vector<16xf32>
      %select_n3A_219 = arith.select %lt3A_4, %broadcast_in_dim3A_215, %broadcast_in_dim3A_218 : vector<16xi1>, vector<16xf32>
      %mul3A_220 = arith.constant 128 : i32
      %mul3A_221 = arith.muli %scan3A_137, %mul3A_220 : i32
      %add3A_222 = arith.constant 64 : i32
      %add3A_223 = arith.addi %mul3A_221, %add3A_222 : i32
      %add3A_224 = arith.addf %select_n3A_219, %get3A_19 : vector<16xf32>
      %swap3A_225 = arith.constant 1 : i32
      %swap3A_226 = arith.index_cast %swap3A_225 : i32 to index
      %swap3A_227 = arith.index_cast %add3A_223 : i32 to index
      %swap3A_228 = tpu.vector_load %arg9[%swap3A_226, %swap3A_227] {strides = array<i32>} : memref<8x896xf32, #tpu.memory_space<vmem>>, vector<1x16xf32>,
      %swap3A_229 = vector.shape_cast %swap3A_228 : vector<1x16xf32> to vector<16xf32>
      %swap3A_230 = vector.shape_cast %add3A_224 : vector<16xf32> to vector<1x16xf32>
      tpu.vector_store %arg9[%swap3A_226, %swap3A_227], %swap3A_230 {strides = array<i32>} : memref<8x896xf32, #tpu.memory_space<vmem>>, vector<1x16xf32>,
      %slice3A_231 = vector.extract_strided_slice %get3A_145 {offsets = [10], sizes = [1], strides = [1]} : vector<16xf32> to vector<1xf32>
      %squeeze3A_232 = vector.extract %slice3A_231[0] : f32 from vector<1xf32>
      %broadcast_in_dim3A_233 = vector.broadcast %squeeze3A_232 : f32 to vector<16xf32>
      %slice3A_234 = vector.extract_strided_slice %get3A_145 {offsets = [11], sizes = [1], strides = [1]} : vector<16xf32> to vector<1xf32>
      %squeeze3A_235 = vector.extract %slice3A_234[0] : f32 from vector<1xf32>
      %broadcast_in_dim3A_236 = vector.broadcast %squeeze3A_235 : f32 to vector<16xf32>
      %select_n3A_237 = arith.select %lt3A_4, %broadcast_in_dim3A_233, %broadcast_in_dim3A_236 : vector<16xi1>, vector<16xf32>
      %mul3A_238 = arith.constant 128 : i32
      %mul3A_239 = arith.muli %scan3A_137, %mul3A_238 : i32
      %add3A_240 = arith.constant 80 : i32
      %add3A_241 = arith.addi %mul3A_239, %add3A_240 : i32
      %add3A_242 = arith.addf %select_n3A_237, %get3A_19 : vector<16xf32>
      %swap3A_243 = arith.constant 1 : i32
      %swap3A_244 = arith.index_cast %swap3A_243 : i32 to index
      %swap3A_245 = arith.index_cast %add3A_241 : i32 to index
      %swap3A_246 = tpu.vector_load %arg9[%swap3A_244, %swap3A_245] {strides = array<i32>} : memref<8x896xf32, #tpu.memory_space<vmem>>, vector<1x16xf32>,
      %swap3A_247 = vector.shape_cast %swap3A_246 : vector<1x16xf32> to vector<16xf32>
      %swap3A_248 = vector.shape_cast %add3A_242 : vector<16xf32> to vector<1x16xf32>
      tpu.vector_store %arg9[%swap3A_244, %swap3A_245], %swap3A_248 {strides = array<i32>} : memref<8x896xf32, #tpu.memory_space<vmem>>, vector<1x16xf32>,
      %slice3A_249 = vector.extract_strided_slice %get3A_145 {offsets = [12], sizes = [1], strides = [1]} : vector<16xf32> to vector<1xf32>
      %squeeze3A_250 = vector.extract %slice3A_249[0] : f32 from vector<1xf32>
      %broadcast_in_dim3A_251 = vector.broadcast %squeeze3A_250 : f32 to vector<16xf32>
      %slice3A_252 = vector.extract_strided_slice %get3A_145 {offsets = [13], sizes = [1], strides = [1]} : vector<16xf32> to vector<1xf32>
      %squeeze3A_253 = vector.extract %slice3A_252[0] : f32 from vector<1xf32>
      %broadcast_in_dim3A_254 = vector.broadcast %squeeze3A_253 : f32 to vector<16xf32>
      %select_n3A_255 = arith.select %lt3A_4, %broadcast_in_dim3A_251, %broadcast_in_dim3A_254 : vector<16xi1>, vector<16xf32>
      %mul3A_256 = arith.constant 128 : i32
      %mul3A_257 = arith.muli %scan3A_137, %mul3A_256 : i32
      %add3A_258 = arith.constant 96 : i32
      %add3A_259 = arith.addi %mul3A_257, %add3A_258 : i32
      %add3A_260 = arith.addf %select_n3A_255, %get3A_19 : vector<16xf32>
      %swap3A_261 = arith.constant 1 : i32
      %swap3A_262 = arith.index_cast %swap3A_261 : i32 to index
      %swap3A_263 = arith.index_cast %add3A_259 : i32 to index
      %swap3A_264 = tpu.vector_load %arg9[%swap3A_262, %swap3A_263] {strides = array<i32>} : memref<8x896xf32, #tpu.memory_space<vmem>>, vector<1x16xf32>,
      %swap3A_265 = vector.shape_cast %swap3A_264 : vector<1x16xf32> to vector<16xf32>
      %swap3A_266 = vector.shape_cast %add3A_260 : vector<16xf32> to vector<1x16xf32>
      tpu.vector_store %arg9[%swap3A_262, %swap3A_263], %swap3A_266 {strides = array<i32>} : memref<8x896xf32, #tpu.memory_space<vmem>>, vector<1x16xf32>,
      %slice3A_267 = vector.extract_strided_slice %get3A_145 {offsets = [14], sizes = [1], strides = [1]} : vector<16xf32> to vector<1xf32>
      %squeeze3A_268 = vector.extract %slice3A_267[0] : f32 from vector<1xf32>
      %broadcast_in_dim3A_269 = vector.broadcast %squeeze3A_268 : f32 to vector<16xf32>
      %slice3A_270 = vector.extract_strided_slice %get3A_145 {offsets = [15], sizes = [1], strides = [1]} : vector<16xf32> to vector<1xf32>
      %squeeze3A_271 = vector.extract %slice3A_270[0] : f32 from vector<1xf32>
      %broadcast_in_dim3A_272 = vector.broadcast %squeeze3A_271 : f32 to vector<16xf32>
      %select_n3A_273 = arith.select %lt3A_4, %broadcast_in_dim3A_269, %broadcast_in_dim3A_272 : vector<16xi1>, vector<16xf32>
      %mul3A_274 = arith.constant 128 : i32
      %mul3A_275 = arith.muli %scan3A_137, %mul3A_274 : i32
      %add3A_276 = arith.constant 112 : i32
      %add3A_277 = arith.addi %mul3A_275, %add3A_276 : i32
      %add3A_278 = arith.addf %select_n3A_273, %get3A_19 : vector<16xf32>
      %swap3A_279 = arith.constant 1 : i32
      %swap3A_280 = arith.index_cast %swap3A_279 : i32 to index
      %swap3A_281 = arith.index_cast %add3A_277 : i32 to index
      %swap3A_282 = tpu.vector_load %arg9[%swap3A_280, %swap3A_281] {strides = array<i32>} : memref<8x896xf32, #tpu.memory_space<vmem>>, vector<1x16xf32>,
      %swap3A_283 = vector.shape_cast %swap3A_282 : vector<1x16xf32> to vector<16xf32>
      %swap3A_284 = vector.shape_cast %add3A_278 : vector<16xf32> to vector<1x16xf32>
      tpu.vector_store %arg9[%swap3A_280, %swap3A_281], %swap3A_284 {strides = array<i32>} : memref<8x896xf32, #tpu.memory_space<vmem>>, vector<1x16xf32>,
      %scan3A_285 = arith.constant 0 : i32
      scf.yield %scan3A_285 : i32
    }
    %scan3A_26 = arith.constant 7 : i32
    %get3A_27 = arith.constant 2 : i32
    %get3A_28 = arith.index_cast %get3A_27 : i32 to index
    %get3A_29 = arith.constant 0 : index
    %get3A_30 = tpu.vector_load %arg8[%get3A_28, %get3A_29] {strides = array<i32>} : memref<8x16xf32, #tpu.memory_space<vmem>>, vector<1x16xf32>,
    %get3A_31 = vector.shape_cast %get3A_30 : vector<1x16xf32> to vector<16xf32>
    %scan3A_32 = arith.constant 0 : i32
    %scan3A_33 = arith.constant 0 : i32
    %scan3A_34 = arith.constant 7 : i32
    %scan3A_35 = arith.addi %scan3A_33, %scan3A_34 : i32
    %scan3A_36 = arith.constant 1 : i32
    %scan3A_37 = scf.for %scan3A_137 = %scan3A_33 to %scan3A_35 step %scan3A_36 iter_args(%scan3A_138 = %scan3A_32) -> (i32)  : i32 {
      %mul3A_139 = arith.constant 16 : i32
      %mul3A_140 = arith.muli %scan3A_137, %mul3A_139 : i32
      %get3A_141 = arith.constant 2 : i32
      %get3A_142 = arith.index_cast %get3A_141 : i32 to index
      %get3A_143 = arith.index_cast %mul3A_140 : i32 to index
      %get3A_144 = tpu.vector_load %arg7[%get3A_142, %get3A_143] {strides = array<i32>} : memref<8x128xf32, #tpu.memory_space<vmem>>, vector<1x16xf32>,
      %get3A_145 = vector.shape_cast %get3A_144 : vector<1x16xf32> to vector<16xf32>
      %slice3A = vector.extract_strided_slice %get3A_145 {offsets = [0], sizes = [1], strides = [1]} : vector<16xf32> to vector<1xf32>
      %squeeze3A = vector.extract %slice3A[0] : f32 from vector<1xf32>
      %broadcast_in_dim3A = vector.broadcast %squeeze3A : f32 to vector<16xf32>
      %slice3A_146 = vector.extract_strided_slice %get3A_145 {offsets = [1], sizes = [1], strides = [1]} : vector<16xf32> to vector<1xf32>
      %squeeze3A_147 = vector.extract %slice3A_146[0] : f32 from vector<1xf32>
      %broadcast_in_dim3A_148 = vector.broadcast %squeeze3A_147 : f32 to vector<16xf32>
      %select_n3A = arith.select %lt3A_4, %broadcast_in_dim3A, %broadcast_in_dim3A_148 : vector<16xi1>, vector<16xf32>
      %mul3A_149 = arith.constant 128 : i32
      %mul3A_150 = arith.muli %scan3A_137, %mul3A_149 : i32
      %add3A_151 = arith.constant 0 : i32
      %add3A_152 = arith.addi %mul3A_150, %add3A_151 : i32
      %add3A_153 = arith.addf %select_n3A, %get3A_31 : vector<16xf32>
      %swap3A = arith.constant 2 : i32
      %swap3A_154 = arith.index_cast %swap3A : i32 to index
      %swap3A_155 = arith.index_cast %add3A_152 : i32 to index
      %swap3A_156 = tpu.vector_load %arg9[%swap3A_154, %swap3A_155] {strides = array<i32>} : memref<8x896xf32, #tpu.memory_space<vmem>>, vector<1x16xf32>,
      %swap3A_157 = vector.shape_cast %swap3A_156 : vector<1x16xf32> to vector<16xf32>
      %swap3A_158 = vector.shape_cast %add3A_153 : vector<16xf32> to vector<1x16xf32>
      tpu.vector_store %arg9[%swap3A_154, %swap3A_155], %swap3A_158 {strides = array<i32>} : memref<8x896xf32, #tpu.memory_space<vmem>>, vector<1x16xf32>,
      %slice3A_159 = vector.extract_strided_slice %get3A_145 {offsets = [2], sizes = [1], strides = [1]} : vector<16xf32> to vector<1xf32>
      %squeeze3A_160 = vector.extract %slice3A_159[0] : f32 from vector<1xf32>
      %broadcast_in_dim3A_161 = vector.broadcast %squeeze3A_160 : f32 to vector<16xf32>
      %slice3A_162 = vector.extract_strided_slice %get3A_145 {offsets = [3], sizes = [1], strides = [1]} : vector<16xf32> to vector<1xf32>
      %squeeze3A_163 = vector.extract %slice3A_162[0] : f32 from vector<1xf32>
      %broadcast_in_dim3A_164 = vector.broadcast %squeeze3A_163 : f32 to vector<16xf32>
      %select_n3A_165 = arith.select %lt3A_4, %broadcast_in_dim3A_161, %broadcast_in_dim3A_164 : vector<16xi1>, vector<16xf32>
      %mul3A_166 = arith.constant 128 : i32
      %mul3A_167 = arith.muli %scan3A_137, %mul3A_166 : i32
      %add3A_168 = arith.constant 16 : i32
      %add3A_169 = arith.addi %mul3A_167, %add3A_168 : i32
      %add3A_170 = arith.addf %select_n3A_165, %get3A_31 : vector<16xf32>
      %swap3A_171 = arith.constant 2 : i32
      %swap3A_172 = arith.index_cast %swap3A_171 : i32 to index
      %swap3A_173 = arith.index_cast %add3A_169 : i32 to index
      %swap3A_174 = tpu.vector_load %arg9[%swap3A_172, %swap3A_173] {strides = array<i32>} : memref<8x896xf32, #tpu.memory_space<vmem>>, vector<1x16xf32>,
      %swap3A_175 = vector.shape_cast %swap3A_174 : vector<1x16xf32> to vector<16xf32>
      %swap3A_176 = vector.shape_cast %add3A_170 : vector<16xf32> to vector<1x16xf32>
      tpu.vector_store %arg9[%swap3A_172, %swap3A_173], %swap3A_176 {strides = array<i32>} : memref<8x896xf32, #tpu.memory_space<vmem>>, vector<1x16xf32>,
      %slice3A_177 = vector.extract_strided_slice %get3A_145 {offsets = [4], sizes = [1], strides = [1]} : vector<16xf32> to vector<1xf32>
      %squeeze3A_178 = vector.extract %slice3A_177[0] : f32 from vector<1xf32>
      %broadcast_in_dim3A_179 = vector.broadcast %squeeze3A_178 : f32 to vector<16xf32>
      %slice3A_180 = vector.extract_strided_slice %get3A_145 {offsets = [5], sizes = [1], strides = [1]} : vector<16xf32> to vector<1xf32>
      %squeeze3A_181 = vector.extract %slice3A_180[0] : f32 from vector<1xf32>
      %broadcast_in_dim3A_182 = vector.broadcast %squeeze3A_181 : f32 to vector<16xf32>
      %select_n3A_183 = arith.select %lt3A_4, %broadcast_in_dim3A_179, %broadcast_in_dim3A_182 : vector<16xi1>, vector<16xf32>
      %mul3A_184 = arith.constant 128 : i32
      %mul3A_185 = arith.muli %scan3A_137, %mul3A_184 : i32
      %add3A_186 = arith.constant 32 : i32
      %add3A_187 = arith.addi %mul3A_185, %add3A_186 : i32
      %add3A_188 = arith.addf %select_n3A_183, %get3A_31 : vector<16xf32>
      %swap3A_189 = arith.constant 2 : i32
      %swap3A_190 = arith.index_cast %swap3A_189 : i32 to index
      %swap3A_191 = arith.index_cast %add3A_187 : i32 to index
      %swap3A_192 = tpu.vector_load %arg9[%swap3A_190, %swap3A_191] {strides = array<i32>} : memref<8x896xf32, #tpu.memory_space<vmem>>, vector<1x16xf32>,
      %swap3A_193 = vector.shape_cast %swap3A_192 : vector<1x16xf32> to vector<16xf32>
      %swap3A_194 = vector.shape_cast %add3A_188 : vector<16xf32> to vector<1x16xf32>
      tpu.vector_store %arg9[%swap3A_190, %swap3A_191], %swap3A_194 {strides = array<i32>} : memref<8x896xf32, #tpu.memory_space<vmem>>, vector<1x16xf32>,
      %slice3A_195 = vector.extract_strided_slice %get3A_145 {offsets = [6], sizes = [1], strides = [1]} : vector<16xf32> to vector<1xf32>
      %squeeze3A_196 = vector.extract %slice3A_195[0] : f32 from vector<1xf32>
      %broadcast_in_dim3A_197 = vector.broadcast %squeeze3A_196 : f32 to vector<16xf32>
      %slice3A_198 = vector.extract_strided_slice %get3A_145 {offsets = [7], sizes = [1], strides = [1]} : vector<16xf32> to vector<1xf32>
      %squeeze3A_199 = vector.extract %slice3A_198[0] : f32 from vector<1xf32>
      %broadcast_in_dim3A_200 = vector.broadcast %squeeze3A_199 : f32 to vector<16xf32>
      %select_n3A_201 = arith.select %lt3A_4, %broadcast_in_dim3A_197, %broadcast_in_dim3A_200 : vector<16xi1>, vector<16xf32>
      %mul3A_202 = arith.constant 128 : i32
      %mul3A_203 = arith.muli %scan3A_137, %mul3A_202 : i32
      %add3A_204 = arith.constant 48 : i32
      %add3A_205 = arith.addi %mul3A_203, %add3A_204 : i32
      %add3A_206 = arith.addf %select_n3A_201, %get3A_31 : vector<16xf32>
      %swap3A_207 = arith.constant 2 : i32
      %swap3A_208 = arith.index_cast %swap3A_207 : i32 to index
      %swap3A_209 = arith.index_cast %add3A_205 : i32 to index
      %swap3A_210 = tpu.vector_load %arg9[%swap3A_208, %swap3A_209] {strides = array<i32>} : memref<8x896xf32, #tpu.memory_space<vmem>>, vector<1x16xf32>,
      %swap3A_211 = vector.shape_cast %swap3A_210 : vector<1x16xf32> to vector<16xf32>
      %swap3A_212 = vector.shape_cast %add3A_206 : vector<16xf32> to vector<1x16xf32>
      tpu.vector_store %arg9[%swap3A_208, %swap3A_209], %swap3A_212 {strides = array<i32>} : memref<8x896xf32, #tpu.memory_space<vmem>>, vector<1x16xf32>,
      %slice3A_213 = vector.extract_strided_slice %get3A_145 {offsets = [8], sizes = [1], strides = [1]} : vector<16xf32> to vector<1xf32>
      %squeeze3A_214 = vector.extract %slice3A_213[0] : f32 from vector<1xf32>
      %broadcast_in_dim3A_215 = vector.broadcast %squeeze3A_214 : f32 to vector<16xf32>
      %slice3A_216 = vector.extract_strided_slice %get3A_145 {offsets = [9], sizes = [1], strides = [1]} : vector<16xf32> to vector<1xf32>
      %squeeze3A_217 = vector.extract %slice3A_216[0] : f32 from vector<1xf32>
      %broadcast_in_dim3A_218 = vector.broadcast %squeeze3A_217 : f32 to vector<16xf32>
      %select_n3A_219 = arith.select %lt3A_4, %broadcast_in_dim3A_215, %broadcast_in_dim3A_218 : vector<16xi1>, vector<16xf32>
      %mul3A_220 = arith.constant 128 : i32
      %mul3A_221 = arith.muli %scan3A_137, %mul3A_220 : i32
      %add3A_222 = arith.constant 64 : i32
      %add3A_223 = arith.addi %mul3A_221, %add3A_222 : i32
      %add3A_224 = arith.addf %select_n3A_219, %get3A_31 : vector<16xf32>
      %swap3A_225 = arith.constant 2 : i32
      %swap3A_226 = arith.index_cast %swap3A_225 : i32 to index
      %swap3A_227 = arith.index_cast %add3A_223 : i32 to index
      %swap3A_228 = tpu.vector_load %arg9[%swap3A_226, %swap3A_227] {strides = array<i32>} : memref<8x896xf32, #tpu.memory_space<vmem>>, vector<1x16xf32>,
      %swap3A_229 = vector.shape_cast %swap3A_228 : vector<1x16xf32> to vector<16xf32>
      %swap3A_230 = vector.shape_cast %add3A_224 : vector<16xf32> to vector<1x16xf32>
      tpu.vector_store %arg9[%swap3A_226, %swap3A_227], %swap3A_230 {strides = array<i32>} : memref<8x896xf32, #tpu.memory_space<vmem>>, vector<1x16xf32>,
      %slice3A_231 = vector.extract_strided_slice %get3A_145 {offsets = [10], sizes = [1], strides = [1]} : vector<16xf32> to vector<1xf32>
      %squeeze3A_232 = vector.extract %slice3A_231[0] : f32 from vector<1xf32>
      %broadcast_in_dim3A_233 = vector.broadcast %squeeze3A_232 : f32 to vector<16xf32>
      %slice3A_234 = vector.extract_strided_slice %get3A_145 {offsets = [11], sizes = [1], strides = [1]} : vector<16xf32> to vector<1xf32>
      %squeeze3A_235 = vector.extract %slice3A_234[0] : f32 from vector<1xf32>
      %broadcast_in_dim3A_236 = vector.broadcast %squeeze3A_235 : f32 to vector<16xf32>
      %select_n3A_237 = arith.select %lt3A_4, %broadcast_in_dim3A_233, %broadcast_in_dim3A_236 : vector<16xi1>, vector<16xf32>
      %mul3A_238 = arith.constant 128 : i32
      %mul3A_239 = arith.muli %scan3A_137, %mul3A_238 : i32
      %add3A_240 = arith.constant 80 : i32
      %add3A_241 = arith.addi %mul3A_239, %add3A_240 : i32
      %add3A_242 = arith.addf %select_n3A_237, %get3A_31 : vector<16xf32>
      %swap3A_243 = arith.constant 2 : i32
      %swap3A_244 = arith.index_cast %swap3A_243 : i32 to index
      %swap3A_245 = arith.index_cast %add3A_241 : i32 to index
      %swap3A_246 = tpu.vector_load %arg9[%swap3A_244, %swap3A_245] {strides = array<i32>} : memref<8x896xf32, #tpu.memory_space<vmem>>, vector<1x16xf32>,
      %swap3A_247 = vector.shape_cast %swap3A_246 : vector<1x16xf32> to vector<16xf32>
      %swap3A_248 = vector.shape_cast %add3A_242 : vector<16xf32> to vector<1x16xf32>
      tpu.vector_store %arg9[%swap3A_244, %swap3A_245], %swap3A_248 {strides = array<i32>} : memref<8x896xf32, #tpu.memory_space<vmem>>, vector<1x16xf32>,
      %slice3A_249 = vector.extract_strided_slice %get3A_145 {offsets = [12], sizes = [1], strides = [1]} : vector<16xf32> to vector<1xf32>
      %squeeze3A_250 = vector.extract %slice3A_249[0] : f32 from vector<1xf32>
      %broadcast_in_dim3A_251 = vector.broadcast %squeeze3A_250 : f32 to vector<16xf32>
      %slice3A_252 = vector.extract_strided_slice %get3A_145 {offsets = [13], sizes = [1], strides = [1]} : vector<16xf32> to vector<1xf32>
      %squeeze3A_253 = vector.extract %slice3A_252[0] : f32 from vector<1xf32>
      %broadcast_in_dim3A_254 = vector.broadcast %squeeze3A_253 : f32 to vector<16xf32>
      %select_n3A_255 = arith.select %lt3A_4, %broadcast_in_dim3A_251, %broadcast_in_dim3A_254 : vector<16xi1>, vector<16xf32>
      %mul3A_256 = arith.constant 128 : i32
      %mul3A_257 = arith.muli %scan3A_137, %mul3A_256 : i32
      %add3A_258 = arith.constant 96 : i32
      %add3A_259 = arith.addi %mul3A_257, %add3A_258 : i32
      %add3A_260 = arith.addf %select_n3A_255, %get3A_31 : vector<16xf32>
      %swap3A_261 = arith.constant 2 : i32
      %swap3A_262 = arith.index_cast %swap3A_261 : i32 to index
      %swap3A_263 = arith.index_cast %add3A_259 : i32 to index
      %swap3A_264 = tpu.vector_load %arg9[%swap3A_262, %swap3A_263] {strides = array<i32>} : memref<8x896xf32, #tpu.memory_space<vmem>>, vector<1x16xf32>,
      %swap3A_265 = vector.shape_cast %swap3A_264 : vector<1x16xf32> to vector<16xf32>
      %swap3A_266 = vector.shape_cast %add3A_260 : vector<16xf32> to vector<1x16xf32>
      tpu.vector_store %arg9[%swap3A_262, %swap3A_263], %swap3A_266 {strides = array<i32>} : memref<8x896xf32, #tpu.memory_space<vmem>>, vector<1x16xf32>,
      %slice3A_267 = vector.extract_strided_slice %get3A_145 {offsets = [14], sizes = [1], strides = [1]} : vector<16xf32> to vector<1xf32>
      %squeeze3A_268 = vector.extract %slice3A_267[0] : f32 from vector<1xf32>
      %broadcast_in_dim3A_269 = vector.broadcast %squeeze3A_268 : f32 to vector<16xf32>
      %slice3A_270 = vector.extract_strided_slice %get3A_145 {offsets = [15], sizes = [1], strides = [1]} : vector<16xf32> to vector<1xf32>
      %squeeze3A_271 = vector.extract %slice3A_270[0] : f32 from vector<1xf32>
      %broadcast_in_dim3A_272 = vector.broadcast %squeeze3A_271 : f32 to vector<16xf32>
      %select_n3A_273 = arith.select %lt3A_4, %broadcast_in_dim3A_269, %broadcast_in_dim3A_272 : vector<16xi1>, vector<16xf32>
      %mul3A_274 = arith.constant 128 : i32
      %mul3A_275 = arith.muli %scan3A_137, %mul3A_274 : i32
      %add3A_276 = arith.constant 112 : i32
      %add3A_277 = arith.addi %mul3A_275, %add3A_276 : i32
      %add3A_278 = arith.addf %select_n3A_273, %get3A_31 : vector<16xf32>
      %swap3A_279 = arith.constant 2 : i32
      %swap3A_280 = arith.index_cast %swap3A_279 : i32 to index
      %swap3A_281 = arith.index_cast %add3A_277 : i32 to index
      %swap3A_282 = tpu.vector_load %arg9[%swap3A_280, %swap3A_281] {strides = array<i32>} : memref<8x896xf32, #tpu.memory_space<vmem>>, vector<1x16xf32>,
      %swap3A_283 = vector.shape_cast %swap3A_282 : vector<1x16xf32> to vector<16xf32>
      %swap3A_284 = vector.shape_cast %add3A_278 : vector<16xf32> to vector<1x16xf32>
      tpu.vector_store %arg9[%swap3A_280, %swap3A_281], %swap3A_284 {strides = array<i32>} : memref<8x896xf32, #tpu.memory_space<vmem>>, vector<1x16xf32>,
      %scan3A_285 = arith.constant 0 : i32
      scf.yield %scan3A_285 : i32
    }
    %scan3A_38 = arith.constant 7 : i32
    %get3A_39 = arith.constant 3 : i32
    %get3A_40 = arith.index_cast %get3A_39 : i32 to index
    %get3A_41 = arith.constant 0 : index
    %get3A_42 = tpu.vector_load %arg8[%get3A_40, %get3A_41] {strides = array<i32>} : memref<8x16xf32, #tpu.memory_space<vmem>>, vector<1x16xf32>,
    %get3A_43 = vector.shape_cast %get3A_42 : vector<1x16xf32> to vector<16xf32>
    %scan3A_44 = arith.constant 0 : i32
    %scan3A_45 = arith.constant 0 : i32
    %scan3A_46 = arith.constant 7 : i32
    %scan3A_47 = arith.addi %scan3A_45, %scan3A_46 : i32
    %scan3A_48 = arith.constant 1 : i32
    %scan3A_49 = scf.for %scan3A_137 = %scan3A_45 to %scan3A_47 step %scan3A_48 iter_args(%scan3A_138 = %scan3A_44) -> (i32)  : i32 {
      %mul3A_139 = arith.constant 16 : i32
      %mul3A_140 = arith.muli %scan3A_137, %mul3A_139 : i32
      %get3A_141 = arith.constant 3 : i32
      %get3A_142 = arith.index_cast %get3A_141 : i32 to index
      %get3A_143 = arith.index_cast %mul3A_140 : i32 to index
      %get3A_144 = tpu.vector_load %arg7[%get3A_142, %get3A_143] {strides = array<i32>} : memref<8x128xf32, #tpu.memory_space<vmem>>, vector<1x16xf32>,
      %get3A_145 = vector.shape_cast %get3A_144 : vector<1x16xf32> to vector<16xf32>
      %slice3A = vector.extract_strided_slice %get3A_145 {offsets = [0], sizes = [1], strides = [1]} : vector<16xf32> to vector<1xf32>
      %squeeze3A = vector.extract %slice3A[0] : f32 from vector<1xf32>
      %broadcast_in_dim3A = vector.broadcast %squeeze3A : f32 to vector<16xf32>
      %slice3A_146 = vector.extract_strided_slice %get3A_145 {offsets = [1], sizes = [1], strides = [1]} : vector<16xf32> to vector<1xf32>
      %squeeze3A_147 = vector.extract %slice3A_146[0] : f32 from vector<1xf32>
      %broadcast_in_dim3A_148 = vector.broadcast %squeeze3A_147 : f32 to vector<16xf32>
      %select_n3A = arith.select %lt3A_4, %broadcast_in_dim3A, %broadcast_in_dim3A_148 : vector<16xi1>, vector<16xf32>
      %mul3A_149 = arith.constant 128 : i32
      %mul3A_150 = arith.muli %scan3A_137, %mul3A_149 : i32
      %add3A_151 = arith.constant 0 : i32
      %add3A_152 = arith.addi %mul3A_150, %add3A_151 : i32
      %add3A_153 = arith.addf %select_n3A, %get3A_43 : vector<16xf32>
      %swap3A = arith.constant 3 : i32
      %swap3A_154 = arith.index_cast %swap3A : i32 to index
      %swap3A_155 = arith.index_cast %add3A_152 : i32 to index
      %swap3A_156 = tpu.vector_load %arg9[%swap3A_154, %swap3A_155] {strides = array<i32>} : memref<8x896xf32, #tpu.memory_space<vmem>>, vector<1x16xf32>,
      %swap3A_157 = vector.shape_cast %swap3A_156 : vector<1x16xf32> to vector<16xf32>
      %swap3A_158 = vector.shape_cast %add3A_153 : vector<16xf32> to vector<1x16xf32>
      tpu.vector_store %arg9[%swap3A_154, %swap3A_155], %swap3A_158 {strides = array<i32>} : memref<8x896xf32, #tpu.memory_space<vmem>>, vector<1x16xf32>,
      %slice3A_159 = vector.extract_strided_slice %get3A_145 {offsets = [2], sizes = [1], strides = [1]} : vector<16xf32> to vector<1xf32>
      %squeeze3A_160 = vector.extract %slice3A_159[0] : f32 from vector<1xf32>
      %broadcast_in_dim3A_161 = vector.broadcast %squeeze3A_160 : f32 to vector<16xf32>
      %slice3A_162 = vector.extract_strided_slice %get3A_145 {offsets = [3], sizes = [1], strides = [1]} : vector<16xf32> to vector<1xf32>
      %squeeze3A_163 = vector.extract %slice3A_162[0] : f32 from vector<1xf32>
      %broadcast_in_dim3A_164 = vector.broadcast %squeeze3A_163 : f32 to vector<16xf32>
      %select_n3A_165 = arith.select %lt3A_4, %broadcast_in_dim3A_161, %broadcast_in_dim3A_164 : vector<16xi1>, vector<16xf32>
      %mul3A_166 = arith.constant 128 : i32
      %mul3A_167 = arith.muli %scan3A_137, %mul3A_166 : i32
      %add3A_168 = arith.constant 16 : i32
      %add3A_169 = arith.addi %mul3A_167, %add3A_168 : i32
      %add3A_170 = arith.addf %select_n3A_165, %get3A_43 : vector<16xf32>
      %swap3A_171 = arith.constant 3 : i32
      %swap3A_172 = arith.index_cast %swap3A_171 : i32 to index
      %swap3A_173 = arith.index_cast %add3A_169 : i32 to index
      %swap3A_174 = tpu.vector_load %arg9[%swap3A_172, %swap3A_173] {strides = array<i32>} : memref<8x896xf32, #tpu.memory_space<vmem>>, vector<1x16xf32>,
      %swap3A_175 = vector.shape_cast %swap3A_174 : vector<1x16xf32> to vector<16xf32>
      %swap3A_176 = vector.shape_cast %add3A_170 : vector<16xf32> to vector<1x16xf32>
      tpu.vector_store %arg9[%swap3A_172, %swap3A_173], %swap3A_176 {strides = array<i32>} : memref<8x896xf32, #tpu.memory_space<vmem>>, vector<1x16xf32>,
      %slice3A_177 = vector.extract_strided_slice %get3A_145 {offsets = [4], sizes = [1], strides = [1]} : vector<16xf32> to vector<1xf32>
      %squeeze3A_178 = vector.extract %slice3A_177[0] : f32 from vector<1xf32>
      %broadcast_in_dim3A_179 = vector.broadcast %squeeze3A_178 : f32 to vector<16xf32>
      %slice3A_180 = vector.extract_strided_slice %get3A_145 {offsets = [5], sizes = [1], strides = [1]} : vector<16xf32> to vector<1xf32>
      %squeeze3A_181 = vector.extract %slice3A_180[0] : f32 from vector<1xf32>
      %broadcast_in_dim3A_182 = vector.broadcast %squeeze3A_181 : f32 to vector<16xf32>
      %select_n3A_183 = arith.select %lt3A_4, %broadcast_in_dim3A_179, %broadcast_in_dim3A_182 : vector<16xi1>, vector<16xf32>
      %mul3A_184 = arith.constant 128 : i32
      %mul3A_185 = arith.muli %scan3A_137, %mul3A_184 : i32
      %add3A_186 = arith.constant 32 : i32
      %add3A_187 = arith.addi %mul3A_185, %add3A_186 : i32
      %add3A_188 = arith.addf %select_n3A_183, %get3A_43 : vector<16xf32>
      %swap3A_189 = arith.constant 3 : i32
      %swap3A_190 = arith.index_cast %swap3A_189 : i32 to index
      %swap3A_191 = arith.index_cast %add3A_187 : i32 to index
      %swap3A_192 = tpu.vector_load %arg9[%swap3A_190, %swap3A_191] {strides = array<i32>} : memref<8x896xf32, #tpu.memory_space<vmem>>, vector<1x16xf32>,
      %swap3A_193 = vector.shape_cast %swap3A_192 : vector<1x16xf32> to vector<16xf32>
      %swap3A_194 = vector.shape_cast %add3A_188 : vector<16xf32> to vector<1x16xf32>
      tpu.vector_store %arg9[%swap3A_190, %swap3A_191], %swap3A_194 {strides = array<i32>} : memref<8x896xf32, #tpu.memory_space<vmem>>, vector<1x16xf32>,
      %slice3A_195 = vector.extract_strided_slice %get3A_145 {offsets = [6], sizes = [1], strides = [1]} : vector<16xf32> to vector<1xf32>
      %squeeze3A_196 = vector.extract %slice3A_195[0] : f32 from vector<1xf32>
      %broadcast_in_dim3A_197 = vector.broadcast %squeeze3A_196 : f32 to vector<16xf32>
      %slice3A_198 = vector.extract_strided_slice %get3A_145 {offsets = [7], sizes = [1], strides = [1]} : vector<16xf32> to vector<1xf32>
      %squeeze3A_199 = vector.extract %slice3A_198[0] : f32 from vector<1xf32>
      %broadcast_in_dim3A_200 = vector.broadcast %squeeze3A_199 : f32 to vector<16xf32>
      %select_n3A_201 = arith.select %lt3A_4, %broadcast_in_dim3A_197, %broadcast_in_dim3A_200 : vector<16xi1>, vector<16xf32>
      %mul3A_202 = arith.constant 128 : i32
      %mul3A_203 = arith.muli %scan3A_137, %mul3A_202 : i32
      %add3A_204 = arith.constant 48 : i32
      %add3A_205 = arith.addi %mul3A_203, %add3A_204 : i32
      %add3A_206 = arith.addf %select_n3A_201, %get3A_43 : vector<16xf32>
      %swap3A_207 = arith.constant 3 : i32
      %swap3A_208 = arith.index_cast %swap3A_207 : i32 to index
      %swap3A_209 = arith.index_cast %add3A_205 : i32 to index
      %swap3A_210 = tpu.vector_load %arg9[%swap3A_208, %swap3A_209] {strides = array<i32>} : memref<8x896xf32, #tpu.memory_space<vmem>>, vector<1x16xf32>,
      %swap3A_211 = vector.shape_cast %swap3A_210 : vector<1x16xf32> to vector<16xf32>
      %swap3A_212 = vector.shape_cast %add3A_206 : vector<16xf32> to vector<1x16xf32>
      tpu.vector_store %arg9[%swap3A_208, %swap3A_209], %swap3A_212 {strides = array<i32>} : memref<8x896xf32, #tpu.memory_space<vmem>>, vector<1x16xf32>,
      %slice3A_213 = vector.extract_strided_slice %get3A_145 {offsets = [8], sizes = [1], strides = [1]} : vector<16xf32> to vector<1xf32>
      %squeeze3A_214 = vector.extract %slice3A_213[0] : f32 from vector<1xf32>
      %broadcast_in_dim3A_215 = vector.broadcast %squeeze3A_214 : f32 to vector<16xf32>
      %slice3A_216 = vector.extract_strided_slice %get3A_145 {offsets = [9], sizes = [1], strides = [1]} : vector<16xf32> to vector<1xf32>
      %squeeze3A_217 = vector.extract %slice3A_216[0] : f32 from vector<1xf32>
      %broadcast_in_dim3A_218 = vector.broadcast %squeeze3A_217 : f32 to vector<16xf32>
      %select_n3A_219 = arith.select %lt3A_4, %broadcast_in_dim3A_215, %broadcast_in_dim3A_218 : vector<16xi1>, vector<16xf32>
      %mul3A_220 = arith.constant 128 : i32
      %mul3A_221 = arith.muli %scan3A_137, %mul3A_220 : i32
      %add3A_222 = arith.constant 64 : i32
      %add3A_223 = arith.addi %mul3A_221, %add3A_222 : i32
      %add3A_224 = arith.addf %select_n3A_219, %get3A_43 : vector<16xf32>
      %swap3A_225 = arith.constant 3 : i32
      %swap3A_226 = arith.index_cast %swap3A_225 : i32 to index
      %swap3A_227 = arith.index_cast %add3A_223 : i32 to index
      %swap3A_228 = tpu.vector_load %arg9[%swap3A_226, %swap3A_227] {strides = array<i32>} : memref<8x896xf32, #tpu.memory_space<vmem>>, vector<1x16xf32>,
      %swap3A_229 = vector.shape_cast %swap3A_228 : vector<1x16xf32> to vector<16xf32>
      %swap3A_230 = vector.shape_cast %add3A_224 : vector<16xf32> to vector<1x16xf32>
      tpu.vector_store %arg9[%swap3A_226, %swap3A_227], %swap3A_230 {strides = array<i32>} : memref<8x896xf32, #tpu.memory_space<vmem>>, vector<1x16xf32>,
      %slice3A_231 = vector.extract_strided_slice %get3A_145 {offsets = [10], sizes = [1], strides = [1]} : vector<16xf32> to vector<1xf32>
      %squeeze3A_232 = vector.extract %slice3A_231[0] : f32 from vector<1xf32>
      %broadcast_in_dim3A_233 = vector.broadcast %squeeze3A_232 : f32 to vector<16xf32>
      %slice3A_234 = vector.extract_strided_slice %get3A_145 {offsets = [11], sizes = [1], strides = [1]} : vector<16xf32> to vector<1xf32>
      %squeeze3A_235 = vector.extract %slice3A_234[0] : f32 from vector<1xf32>
      %broadcast_in_dim3A_236 = vector.broadcast %squeeze3A_235 : f32 to vector<16xf32>
      %select_n3A_237 = arith.select %lt3A_4, %broadcast_in_dim3A_233, %broadcast_in_dim3A_236 : vector<16xi1>, vector<16xf32>
      %mul3A_238 = arith.constant 128 : i32
      %mul3A_239 = arith.muli %scan3A_137, %mul3A_238 : i32
      %add3A_240 = arith.constant 80 : i32
      %add3A_241 = arith.addi %mul3A_239, %add3A_240 : i32
      %add3A_242 = arith.addf %select_n3A_237, %get3A_43 : vector<16xf32>
      %swap3A_243 = arith.constant 3 : i32
      %swap3A_244 = arith.index_cast %swap3A_243 : i32 to index
      %swap3A_245 = arith.index_cast %add3A_241 : i32 to index
      %swap3A_246 = tpu.vector_load %arg9[%swap3A_244, %swap3A_245] {strides = array<i32>} : memref<8x896xf32, #tpu.memory_space<vmem>>, vector<1x16xf32>,
      %swap3A_247 = vector.shape_cast %swap3A_246 : vector<1x16xf32> to vector<16xf32>
      %swap3A_248 = vector.shape_cast %add3A_242 : vector<16xf32> to vector<1x16xf32>
      tpu.vector_store %arg9[%swap3A_244, %swap3A_245], %swap3A_248 {strides = array<i32>} : memref<8x896xf32, #tpu.memory_space<vmem>>, vector<1x16xf32>,
      %slice3A_249 = vector.extract_strided_slice %get3A_145 {offsets = [12], sizes = [1], strides = [1]} : vector<16xf32> to vector<1xf32>
      %squeeze3A_250 = vector.extract %slice3A_249[0] : f32 from vector<1xf32>
      %broadcast_in_dim3A_251 = vector.broadcast %squeeze3A_250 : f32 to vector<16xf32>
      %slice3A_252 = vector.extract_strided_slice %get3A_145 {offsets = [13], sizes = [1], strides = [1]} : vector<16xf32> to vector<1xf32>
      %squeeze3A_253 = vector.extract %slice3A_252[0] : f32 from vector<1xf32>
      %broadcast_in_dim3A_254 = vector.broadcast %squeeze3A_253 : f32 to vector<16xf32>
      %select_n3A_255 = arith.select %lt3A_4, %broadcast_in_dim3A_251, %broadcast_in_dim3A_254 : vector<16xi1>, vector<16xf32>
      %mul3A_256 = arith.constant 128 : i32
      %mul3A_257 = arith.muli %scan3A_137, %mul3A_256 : i32
      %add3A_258 = arith.constant 96 : i32
      %add3A_259 = arith.addi %mul3A_257, %add3A_258 : i32
      %add3A_260 = arith.addf %select_n3A_255, %get3A_43 : vector<16xf32>
      %swap3A_261 = arith.constant 3 : i32
      %swap3A_262 = arith.index_cast %swap3A_261 : i32 to index
      %swap3A_263 = arith.index_cast %add3A_259 : i32 to index
      %swap3A_264 = tpu.vector_load %arg9[%swap3A_262, %swap3A_263] {strides = array<i32>} : memref<8x896xf32, #tpu.memory_space<vmem>>, vector<1x16xf32>,
      %swap3A_265 = vector.shape_cast %swap3A_264 : vector<1x16xf32> to vector<16xf32>
      %swap3A_266 = vector.shape_cast %add3A_260 : vector<16xf32> to vector<1x16xf32>
      tpu.vector_store %arg9[%swap3A_262, %swap3A_263], %swap3A_266 {strides = array<i32>} : memref<8x896xf32, #tpu.memory_space<vmem>>, vector<1x16xf32>,
      %slice3A_267 = vector.extract_strided_slice %get3A_145 {offsets = [14], sizes = [1], strides = [1]} : vector<16xf32> to vector<1xf32>
      %squeeze3A_268 = vector.extract %slice3A_267[0] : f32 from vector<1xf32>
      %broadcast_in_dim3A_269 = vector.broadcast %squeeze3A_268 : f32 to vector<16xf32>
      %slice3A_270 = vector.extract_strided_slice %get3A_145 {offsets = [15], sizes = [1], strides = [1]} : vector<16xf32> to vector<1xf32>
      %squeeze3A_271 = vector.extract %slice3A_270[0] : f32 from vector<1xf32>
      %broadcast_in_dim3A_272 = vector.broadcast %squeeze3A_271 : f32 to vector<16xf32>
      %select_n3A_273 = arith.select %lt3A_4, %broadcast_in_dim3A_269, %broadcast_in_dim3A_272 : vector<16xi1>, vector<16xf32>
      %mul3A_274 = arith.constant 128 : i32
      %mul3A_275 = arith.muli %scan3A_137, %mul3A_274 : i32
      %add3A_276 = arith.constant 112 : i32
      %add3A_277 = arith.addi %mul3A_275, %add3A_276 : i32
      %add3A_278 = arith.addf %select_n3A_273, %get3A_43 : vector<16xf32>
      %swap3A_279 = arith.constant 3 : i32
      %swap3A_280 = arith.index_cast %swap3A_279 : i32 to index
      %swap3A_281 = arith.index_cast %add3A_277 : i32 to index
      %swap3A_282 = tpu.vector_load %arg9[%swap3A_280, %swap3A_281] {strides = array<i32>} : memref<8x896xf32, #tpu.memory_space<vmem>>, vector<1x16xf32>,
      %swap3A_283 = vector.shape_cast %swap3A_282 : vector<1x16xf32> to vector<16xf32>
      %swap3A_284 = vector.shape_cast %add3A_278 : vector<16xf32> to vector<1x16xf32>
      tpu.vector_store %arg9[%swap3A_280, %swap3A_281], %swap3A_284 {strides = array<i32>} : memref<8x896xf32, #tpu.memory_space<vmem>>, vector<1x16xf32>,
      %scan3A_285 = arith.constant 0 : i32
      scf.yield %scan3A_285 : i32
    }
    %scan3A_50 = arith.constant 7 : i32
    %get3A_51 = arith.constant 4 : i32
    %get3A_52 = arith.index_cast %get3A_51 : i32 to index
    %get3A_53 = arith.constant 0 : index
    %get3A_54 = tpu.vector_load %arg8[%get3A_52, %get3A_53] {strides = array<i32>} : memref<8x16xf32, #tpu.memory_space<vmem>>, vector<1x16xf32>,
    %get3A_55 = vector.shape_cast %get3A_54 : vector<1x16xf32> to vector<16xf32>
    %scan3A_56 = arith.constant 0 : i32
    %scan3A_57 = arith.constant 0 : i32
    %scan3A_58 = arith.constant 7 : i32
    %scan3A_59 = arith.addi %scan3A_57, %scan3A_58 : i32
    %scan3A_60 = arith.constant 1 : i32
    %scan3A_61 = scf.for %scan3A_137 = %scan3A_57 to %scan3A_59 step %scan3A_60 iter_args(%scan3A_138 = %scan3A_56) -> (i32)  : i32 {
      %mul3A_139 = arith.constant 16 : i32
      %mul3A_140 = arith.muli %scan3A_137, %mul3A_139 : i32
      %get3A_141 = arith.constant 4 : i32
      %get3A_142 = arith.index_cast %get3A_141 : i32 to index
      %get3A_143 = arith.index_cast %mul3A_140 : i32 to index
      %get3A_144 = tpu.vector_load %arg7[%get3A_142, %get3A_143] {strides = array<i32>} : memref<8x128xf32, #tpu.memory_space<vmem>>, vector<1x16xf32>,
      %get3A_145 = vector.shape_cast %get3A_144 : vector<1x16xf32> to vector<16xf32>
      %slice3A = vector.extract_strided_slice %get3A_145 {offsets = [0], sizes = [1], strides = [1]} : vector<16xf32> to vector<1xf32>
      %squeeze3A = vector.extract %slice3A[0] : f32 from vector<1xf32>
      %broadcast_in_dim3A = vector.broadcast %squeeze3A : f32 to vector<16xf32>
      %slice3A_146 = vector.extract_strided_slice %get3A_145 {offsets = [1], sizes = [1], strides = [1]} : vector<16xf32> to vector<1xf32>
      %squeeze3A_147 = vector.extract %slice3A_146[0] : f32 from vector<1xf32>
      %broadcast_in_dim3A_148 = vector.broadcast %squeeze3A_147 : f32 to vector<16xf32>
      %select_n3A = arith.select %lt3A_4, %broadcast_in_dim3A, %broadcast_in_dim3A_148 : vector<16xi1>, vector<16xf32>
      %mul3A_149 = arith.constant 128 : i32
      %mul3A_150 = arith.muli %scan3A_137, %mul3A_149 : i32
      %add3A_151 = arith.constant 0 : i32
      %add3A_152 = arith.addi %mul3A_150, %add3A_151 : i32
      %add3A_153 = arith.addf %select_n3A, %get3A_55 : vector<16xf32>
      %swap3A = arith.constant 4 : i32
      %swap3A_154 = arith.index_cast %swap3A : i32 to index
      %swap3A_155 = arith.index_cast %add3A_152 : i32 to index
      %swap3A_156 = tpu.vector_load %arg9[%swap3A_154, %swap3A_155] {strides = array<i32>} : memref<8x896xf32, #tpu.memory_space<vmem>>, vector<1x16xf32>,
      %swap3A_157 = vector.shape_cast %swap3A_156 : vector<1x16xf32> to vector<16xf32>
      %swap3A_158 = vector.shape_cast %add3A_153 : vector<16xf32> to vector<1x16xf32>
      tpu.vector_store %arg9[%swap3A_154, %swap3A_155], %swap3A_158 {strides = array<i32>} : memref<8x896xf32, #tpu.memory_space<vmem>>, vector<1x16xf32>,
      %slice3A_159 = vector.extract_strided_slice %get3A_145 {offsets = [2], sizes = [1], strides = [1]} : vector<16xf32> to vector<1xf32>
      %squeeze3A_160 = vector.extract %slice3A_159[0] : f32 from vector<1xf32>
      %broadcast_in_dim3A_161 = vector.broadcast %squeeze3A_160 : f32 to vector<16xf32>
      %slice3A_162 = vector.extract_strided_slice %get3A_145 {offsets = [3], sizes = [1], strides = [1]} : vector<16xf32> to vector<1xf32>
      %squeeze3A_163 = vector.extract %slice3A_162[0] : f32 from vector<1xf32>
      %broadcast_in_dim3A_164 = vector.broadcast %squeeze3A_163 : f32 to vector<16xf32>
      %select_n3A_165 = arith.select %lt3A_4, %broadcast_in_dim3A_161, %broadcast_in_dim3A_164 : vector<16xi1>, vector<16xf32>
      %mul3A_166 = arith.constant 128 : i32
      %mul3A_167 = arith.muli %scan3A_137, %mul3A_166 : i32
      %add3A_168 = arith.constant 16 : i32
      %add3A_169 = arith.addi %mul3A_167, %add3A_168 : i32
      %add3A_170 = arith.addf %select_n3A_165, %get3A_55 : vector<16xf32>
      %swap3A_171 = arith.constant 4 : i32
      %swap3A_172 = arith.index_cast %swap3A_171 : i32 to index
      %swap3A_173 = arith.index_cast %add3A_169 : i32 to index
      %swap3A_174 = tpu.vector_load %arg9[%swap3A_172, %swap3A_173] {strides = array<i32>} : memref<8x896xf32, #tpu.memory_space<vmem>>, vector<1x16xf32>,
      %swap3A_175 = vector.shape_cast %swap3A_174 : vector<1x16xf32> to vector<16xf32>
      %swap3A_176 = vector.shape_cast %add3A_170 : vector<16xf32> to vector<1x16xf32>
      tpu.vector_store %arg9[%swap3A_172, %swap3A_173], %swap3A_176 {strides = array<i32>} : memref<8x896xf32, #tpu.memory_space<vmem>>, vector<1x16xf32>,
      %slice3A_177 = vector.extract_strided_slice %get3A_145 {offsets = [4], sizes = [1], strides = [1]} : vector<16xf32> to vector<1xf32>
      %squeeze3A_178 = vector.extract %slice3A_177[0] : f32 from vector<1xf32>
      %broadcast_in_dim3A_179 = vector.broadcast %squeeze3A_178 : f32 to vector<16xf32>
      %slice3A_180 = vector.extract_strided_slice %get3A_145 {offsets = [5], sizes = [1], strides = [1]} : vector<16xf32> to vector<1xf32>
      %squeeze3A_181 = vector.extract %slice3A_180[0] : f32 from vector<1xf32>
      %broadcast_in_dim3A_182 = vector.broadcast %squeeze3A_181 : f32 to vector<16xf32>
      %select_n3A_183 = arith.select %lt3A_4, %broadcast_in_dim3A_179, %broadcast_in_dim3A_182 : vector<16xi1>, vector<16xf32>
      %mul3A_184 = arith.constant 128 : i32
      %mul3A_185 = arith.muli %scan3A_137, %mul3A_184 : i32
      %add3A_186 = arith.constant 32 : i32
      %add3A_187 = arith.addi %mul3A_185, %add3A_186 : i32
      %add3A_188 = arith.addf %select_n3A_183, %get3A_55 : vector<16xf32>
      %swap3A_189 = arith.constant 4 : i32
      %swap3A_190 = arith.index_cast %swap3A_189 : i32 to index
      %swap3A_191 = arith.index_cast %add3A_187 : i32 to index
      %swap3A_192 = tpu.vector_load %arg9[%swap3A_190, %swap3A_191] {strides = array<i32>} : memref<8x896xf32, #tpu.memory_space<vmem>>, vector<1x16xf32>,
      %swap3A_193 = vector.shape_cast %swap3A_192 : vector<1x16xf32> to vector<16xf32>
      %swap3A_194 = vector.shape_cast %add3A_188 : vector<16xf32> to vector<1x16xf32>
      tpu.vector_store %arg9[%swap3A_190, %swap3A_191], %swap3A_194 {strides = array<i32>} : memref<8x896xf32, #tpu.memory_space<vmem>>, vector<1x16xf32>,
      %slice3A_195 = vector.extract_strided_slice %get3A_145 {offsets = [6], sizes = [1], strides = [1]} : vector<16xf32> to vector<1xf32>
      %squeeze3A_196 = vector.extract %slice3A_195[0] : f32 from vector<1xf32>
      %broadcast_in_dim3A_197 = vector.broadcast %squeeze3A_196 : f32 to vector<16xf32>
      %slice3A_198 = vector.extract_strided_slice %get3A_145 {offsets = [7], sizes = [1], strides = [1]} : vector<16xf32> to vector<1xf32>
      %squeeze3A_199 = vector.extract %slice3A_198[0] : f32 from vector<1xf32>
      %broadcast_in_dim3A_200 = vector.broadcast %squeeze3A_199 : f32 to vector<16xf32>
      %select_n3A_201 = arith.select %lt3A_4, %broadcast_in_dim3A_197, %broadcast_in_dim3A_200 : vector<16xi1>, vector<16xf32>
      %mul3A_202 = arith.constant 128 : i32
      %mul3A_203 = arith.muli %scan3A_137, %mul3A_202 : i32
      %add3A_204 = arith.constant 48 : i32
      %add3A_205 = arith.addi %mul3A_203, %add3A_204 : i32
      %add3A_206 = arith.addf %select_n3A_201, %get3A_55 : vector<16xf32>
      %swap3A_207 = arith.constant 4 : i32
      %swap3A_208 = arith.index_cast %swap3A_207 : i32 to index
      %swap3A_209 = arith.index_cast %add3A_205 : i32 to index
      %swap3A_210 = tpu.vector_load %arg9[%swap3A_208, %swap3A_209] {strides = array<i32>} : memref<8x896xf32, #tpu.memory_space<vmem>>, vector<1x16xf32>,
      %swap3A_211 = vector.shape_cast %swap3A_210 : vector<1x16xf32> to vector<16xf32>
      %swap3A_212 = vector.shape_cast %add3A_206 : vector<16xf32> to vector<1x16xf32>
      tpu.vector_store %arg9[%swap3A_208, %swap3A_209], %swap3A_212 {strides = array<i32>} : memref<8x896xf32, #tpu.memory_space<vmem>>, vector<1x16xf32>,
      %slice3A_213 = vector.extract_strided_slice %get3A_145 {offsets = [8], sizes = [1], strides = [1]} : vector<16xf32> to vector<1xf32>
      %squeeze3A_214 = vector.extract %slice3A_213[0] : f32 from vector<1xf32>
      %broadcast_in_dim3A_215 = vector.broadcast %squeeze3A_214 : f32 to vector<16xf32>
      %slice3A_216 = vector.extract_strided_slice %get3A_145 {offsets = [9], sizes = [1], strides = [1]} : vector<16xf32> to vector<1xf32>
      %squeeze3A_217 = vector.extract %slice3A_216[0] : f32 from vector<1xf32>
      %broadcast_in_dim3A_218 = vector.broadcast %squeeze3A_217 : f32 to vector<16xf32>
      %select_n3A_219 = arith.select %lt3A_4, %broadcast_in_dim3A_215, %broadcast_in_dim3A_218 : vector<16xi1>, vector<16xf32>
      %mul3A_220 = arith.constant 128 : i32
      %mul3A_221 = arith.muli %scan3A_137, %mul3A_220 : i32
      %add3A_222 = arith.constant 64 : i32
      %add3A_223 = arith.addi %mul3A_221, %add3A_222 : i32
      %add3A_224 = arith.addf %select_n3A_219, %get3A_55 : vector<16xf32>
      %swap3A_225 = arith.constant 4 : i32
      %swap3A_226 = arith.index_cast %swap3A_225 : i32 to index
      %swap3A_227 = arith.index_cast %add3A_223 : i32 to index
      %swap3A_228 = tpu.vector_load %arg9[%swap3A_226, %swap3A_227] {strides = array<i32>} : memref<8x896xf32, #tpu.memory_space<vmem>>, vector<1x16xf32>,
      %swap3A_229 = vector.shape_cast %swap3A_228 : vector<1x16xf32> to vector<16xf32>
      %swap3A_230 = vector.shape_cast %add3A_224 : vector<16xf32> to vector<1x16xf32>
      tpu.vector_store %arg9[%swap3A_226, %swap3A_227], %swap3A_230 {strides = array<i32>} : memref<8x896xf32, #tpu.memory_space<vmem>>, vector<1x16xf32>,
      %slice3A_231 = vector.extract_strided_slice %get3A_145 {offsets = [10], sizes = [1], strides = [1]} : vector<16xf32> to vector<1xf32>
      %squeeze3A_232 = vector.extract %slice3A_231[0] : f32 from vector<1xf32>
      %broadcast_in_dim3A_233 = vector.broadcast %squeeze3A_232 : f32 to vector<16xf32>
      %slice3A_234 = vector.extract_strided_slice %get3A_145 {offsets = [11], sizes = [1], strides = [1]} : vector<16xf32> to vector<1xf32>
      %squeeze3A_235 = vector.extract %slice3A_234[0] : f32 from vector<1xf32>
      %broadcast_in_dim3A_236 = vector.broadcast %squeeze3A_235 : f32 to vector<16xf32>
      %select_n3A_237 = arith.select %lt3A_4, %broadcast_in_dim3A_233, %broadcast_in_dim3A_236 : vector<16xi1>, vector<16xf32>
      %mul3A_238 = arith.constant 128 : i32
      %mul3A_239 = arith.muli %scan3A_137, %mul3A_238 : i32
      %add3A_240 = arith.constant 80 : i32
      %add3A_241 = arith.addi %mul3A_239, %add3A_240 : i32
      %add3A_242 = arith.addf %select_n3A_237, %get3A_55 : vector<16xf32>
      %swap3A_243 = arith.constant 4 : i32
      %swap3A_244 = arith.index_cast %swap3A_243 : i32 to index
      %swap3A_245 = arith.index_cast %add3A_241 : i32 to index
      %swap3A_246 = tpu.vector_load %arg9[%swap3A_244, %swap3A_245] {strides = array<i32>} : memref<8x896xf32, #tpu.memory_space<vmem>>, vector<1x16xf32>,
      %swap3A_247 = vector.shape_cast %swap3A_246 : vector<1x16xf32> to vector<16xf32>
      %swap3A_248 = vector.shape_cast %add3A_242 : vector<16xf32> to vector<1x16xf32>
      tpu.vector_store %arg9[%swap3A_244, %swap3A_245], %swap3A_248 {strides = array<i32>} : memref<8x896xf32, #tpu.memory_space<vmem>>, vector<1x16xf32>,
      %slice3A_249 = vector.extract_strided_slice %get3A_145 {offsets = [12], sizes = [1], strides = [1]} : vector<16xf32> to vector<1xf32>
      %squeeze3A_250 = vector.extract %slice3A_249[0] : f32 from vector<1xf32>
      %broadcast_in_dim3A_251 = vector.broadcast %squeeze3A_250 : f32 to vector<16xf32>
      %slice3A_252 = vector.extract_strided_slice %get3A_145 {offsets = [13], sizes = [1], strides = [1]} : vector<16xf32> to vector<1xf32>
      %squeeze3A_253 = vector.extract %slice3A_252[0] : f32 from vector<1xf32>
      %broadcast_in_dim3A_254 = vector.broadcast %squeeze3A_253 : f32 to vector<16xf32>
      %select_n3A_255 = arith.select %lt3A_4, %broadcast_in_dim3A_251, %broadcast_in_dim3A_254 : vector<16xi1>, vector<16xf32>
      %mul3A_256 = arith.constant 128 : i32
      %mul3A_257 = arith.muli %scan3A_137, %mul3A_256 : i32
      %add3A_258 = arith.constant 96 : i32
      %add3A_259 = arith.addi %mul3A_257, %add3A_258 : i32
      %add3A_260 = arith.addf %select_n3A_255, %get3A_55 : vector<16xf32>
      %swap3A_261 = arith.constant 4 : i32
      %swap3A_262 = arith.index_cast %swap3A_261 : i32 to index
      %swap3A_263 = arith.index_cast %add3A_259 : i32 to index
      %swap3A_264 = tpu.vector_load %arg9[%swap3A_262, %swap3A_263] {strides = array<i32>} : memref<8x896xf32, #tpu.memory_space<vmem>>, vector<1x16xf32>,
      %swap3A_265 = vector.shape_cast %swap3A_264 : vector<1x16xf32> to vector<16xf32>
      %swap3A_266 = vector.shape_cast %add3A_260 : vector<16xf32> to vector<1x16xf32>
      tpu.vector_store %arg9[%swap3A_262, %swap3A_263], %swap3A_266 {strides = array<i32>} : memref<8x896xf32, #tpu.memory_space<vmem>>, vector<1x16xf32>,
      %slice3A_267 = vector.extract_strided_slice %get3A_145 {offsets = [14], sizes = [1], strides = [1]} : vector<16xf32> to vector<1xf32>
      %squeeze3A_268 = vector.extract %slice3A_267[0] : f32 from vector<1xf32>
      %broadcast_in_dim3A_269 = vector.broadcast %squeeze3A_268 : f32 to vector<16xf32>
      %slice3A_270 = vector.extract_strided_slice %get3A_145 {offsets = [15], sizes = [1], strides = [1]} : vector<16xf32> to vector<1xf32>
      %squeeze3A_271 = vector.extract %slice3A_270[0] : f32 from vector<1xf32>
      %broadcast_in_dim3A_272 = vector.broadcast %squeeze3A_271 : f32 to vector<16xf32>
      %select_n3A_273 = arith.select %lt3A_4, %broadcast_in_dim3A_269, %broadcast_in_dim3A_272 : vector<16xi1>, vector<16xf32>
      %mul3A_274 = arith.constant 128 : i32
      %mul3A_275 = arith.muli %scan3A_137, %mul3A_274 : i32
      %add3A_276 = arith.constant 112 : i32
      %add3A_277 = arith.addi %mul3A_275, %add3A_276 : i32
      %add3A_278 = arith.addf %select_n3A_273, %get3A_55 : vector<16xf32>
      %swap3A_279 = arith.constant 4 : i32
      %swap3A_280 = arith.index_cast %swap3A_279 : i32 to index
      %swap3A_281 = arith.index_cast %add3A_277 : i32 to index
      %swap3A_282 = tpu.vector_load %arg9[%swap3A_280, %swap3A_281] {strides = array<i32>} : memref<8x896xf32, #tpu.memory_space<vmem>>, vector<1x16xf32>,
      %swap3A_283 = vector.shape_cast %swap3A_282 : vector<1x16xf32> to vector<16xf32>
      %swap3A_284 = vector.shape_cast %add3A_278 : vector<16xf32> to vector<1x16xf32>
      tpu.vector_store %arg9[%swap3A_280, %swap3A_281], %swap3A_284 {strides = array<i32>} : memref<8x896xf32, #tpu.memory_space<vmem>>, vector<1x16xf32>,
      %scan3A_285 = arith.constant 0 : i32
      scf.yield %scan3A_285 : i32
    }
    %scan3A_62 = arith.constant 7 : i32
    %get3A_63 = arith.constant 5 : i32
    %get3A_64 = arith.index_cast %get3A_63 : i32 to index
    %get3A_65 = arith.constant 0 : index
    %get3A_66 = tpu.vector_load %arg8[%get3A_64, %get3A_65] {strides = array<i32>} : memref<8x16xf32, #tpu.memory_space<vmem>>, vector<1x16xf32>,
    %get3A_67 = vector.shape_cast %get3A_66 : vector<1x16xf32> to vector<16xf32>
    %scan3A_68 = arith.constant 0 : i32
    %scan3A_69 = arith.constant 0 : i32
    %scan3A_70 = arith.constant 7 : i32
    %scan3A_71 = arith.addi %scan3A_69, %scan3A_70 : i32
    %scan3A_72 = arith.constant 1 : i32
    %scan3A_73 = scf.for %scan3A_137 = %scan3A_69 to %scan3A_71 step %scan3A_72 iter_args(%scan3A_138 = %scan3A_68) -> (i32)  : i32 {
      %mul3A_139 = arith.constant 16 : i32
      %mul3A_140 = arith.muli %scan3A_137, %mul3A_139 : i32
      %get3A_141 = arith.constant 5 : i32
      %get3A_142 = arith.index_cast %get3A_141 : i32 to index
      %get3A_143 = arith.index_cast %mul3A_140 : i32 to index
      %get3A_144 = tpu.vector_load %arg7[%get3A_142, %get3A_143] {strides = array<i32>} : memref<8x128xf32, #tpu.memory_space<vmem>>, vector<1x16xf32>,
      %get3A_145 = vector.shape_cast %get3A_144 : vector<1x16xf32> to vector<16xf32>
      %slice3A = vector.extract_strided_slice %get3A_145 {offsets = [0], sizes = [1], strides = [1]} : vector<16xf32> to vector<1xf32>
      %squeeze3A = vector.extract %slice3A[0] : f32 from vector<1xf32>
      %broadcast_in_dim3A = vector.broadcast %squeeze3A : f32 to vector<16xf32>
      %slice3A_146 = vector.extract_strided_slice %get3A_145 {offsets = [1], sizes = [1], strides = [1]} : vector<16xf32> to vector<1xf32>
      %squeeze3A_147 = vector.extract %slice3A_146[0] : f32 from vector<1xf32>
      %broadcast_in_dim3A_148 = vector.broadcast %squeeze3A_147 : f32 to vector<16xf32>
      %select_n3A = arith.select %lt3A_4, %broadcast_in_dim3A, %broadcast_in_dim3A_148 : vector<16xi1>, vector<16xf32>
      %mul3A_149 = arith.constant 128 : i32
      %mul3A_150 = arith.muli %scan3A_137, %mul3A_149 : i32
      %add3A_151 = arith.constant 0 : i32
      %add3A_152 = arith.addi %mul3A_150, %add3A_151 : i32
      %add3A_153 = arith.addf %select_n3A, %get3A_67 : vector<16xf32>
      %swap3A = arith.constant 5 : i32
      %swap3A_154 = arith.index_cast %swap3A : i32 to index
      %swap3A_155 = arith.index_cast %add3A_152 : i32 to index
      %swap3A_156 = tpu.vector_load %arg9[%swap3A_154, %swap3A_155] {strides = array<i32>} : memref<8x896xf32, #tpu.memory_space<vmem>>, vector<1x16xf32>,
      %swap3A_157 = vector.shape_cast %swap3A_156 : vector<1x16xf32> to vector<16xf32>
      %swap3A_158 = vector.shape_cast %add3A_153 : vector<16xf32> to vector<1x16xf32>
      tpu.vector_store %arg9[%swap3A_154, %swap3A_155], %swap3A_158 {strides = array<i32>} : memref<8x896xf32, #tpu.memory_space<vmem>>, vector<1x16xf32>,
      %slice3A_159 = vector.extract_strided_slice %get3A_145 {offsets = [2], sizes = [1], strides = [1]} : vector<16xf32> to vector<1xf32>
      %squeeze3A_160 = vector.extract %slice3A_159[0] : f32 from vector<1xf32>
      %broadcast_in_dim3A_161 = vector.broadcast %squeeze3A_160 : f32 to vector<16xf32>
      %slice3A_162 = vector.extract_strided_slice %get3A_145 {offsets = [3], sizes = [1], strides = [1]} : vector<16xf32> to vector<1xf32>
      %squeeze3A_163 = vector.extract %slice3A_162[0] : f32 from vector<1xf32>
      %broadcast_in_dim3A_164 = vector.broadcast %squeeze3A_163 : f32 to vector<16xf32>
      %select_n3A_165 = arith.select %lt3A_4, %broadcast_in_dim3A_161, %broadcast_in_dim3A_164 : vector<16xi1>, vector<16xf32>
      %mul3A_166 = arith.constant 128 : i32
      %mul3A_167 = arith.muli %scan3A_137, %mul3A_166 : i32
      %add3A_168 = arith.constant 16 : i32
      %add3A_169 = arith.addi %mul3A_167, %add3A_168 : i32
      %add3A_170 = arith.addf %select_n3A_165, %get3A_67 : vector<16xf32>
      %swap3A_171 = arith.constant 5 : i32
      %swap3A_172 = arith.index_cast %swap3A_171 : i32 to index
      %swap3A_173 = arith.index_cast %add3A_169 : i32 to index
      %swap3A_174 = tpu.vector_load %arg9[%swap3A_172, %swap3A_173] {strides = array<i32>} : memref<8x896xf32, #tpu.memory_space<vmem>>, vector<1x16xf32>,
      %swap3A_175 = vector.shape_cast %swap3A_174 : vector<1x16xf32> to vector<16xf32>
      %swap3A_176 = vector.shape_cast %add3A_170 : vector<16xf32> to vector<1x16xf32>
      tpu.vector_store %arg9[%swap3A_172, %swap3A_173], %swap3A_176 {strides = array<i32>} : memref<8x896xf32, #tpu.memory_space<vmem>>, vector<1x16xf32>,
      %slice3A_177 = vector.extract_strided_slice %get3A_145 {offsets = [4], sizes = [1], strides = [1]} : vector<16xf32> to vector<1xf32>
      %squeeze3A_178 = vector.extract %slice3A_177[0] : f32 from vector<1xf32>
      %broadcast_in_dim3A_179 = vector.broadcast %squeeze3A_178 : f32 to vector<16xf32>
      %slice3A_180 = vector.extract_strided_slice %get3A_145 {offsets = [5], sizes = [1], strides = [1]} : vector<16xf32> to vector<1xf32>
      %squeeze3A_181 = vector.extract %slice3A_180[0] : f32 from vector<1xf32>
      %broadcast_in_dim3A_182 = vector.broadcast %squeeze3A_181 : f32 to vector<16xf32>
      %select_n3A_183 = arith.select %lt3A_4, %broadcast_in_dim3A_179, %broadcast_in_dim3A_182 : vector<16xi1>, vector<16xf32>
      %mul3A_184 = arith.constant 128 : i32
      %mul3A_185 = arith.muli %scan3A_137, %mul3A_184 : i32
      %add3A_186 = arith.constant 32 : i32
      %add3A_187 = arith.addi %mul3A_185, %add3A_186 : i32
      %add3A_188 = arith.addf %select_n3A_183, %get3A_67 : vector<16xf32>
      %swap3A_189 = arith.constant 5 : i32
      %swap3A_190 = arith.index_cast %swap3A_189 : i32 to index
      %swap3A_191 = arith.index_cast %add3A_187 : i32 to index
      %swap3A_192 = tpu.vector_load %arg9[%swap3A_190, %swap3A_191] {strides = array<i32>} : memref<8x896xf32, #tpu.memory_space<vmem>>, vector<1x16xf32>,
      %swap3A_193 = vector.shape_cast %swap3A_192 : vector<1x16xf32> to vector<16xf32>
      %swap3A_194 = vector.shape_cast %add3A_188 : vector<16xf32> to vector<1x16xf32>
      tpu.vector_store %arg9[%swap3A_190, %swap3A_191], %swap3A_194 {strides = array<i32>} : memref<8x896xf32, #tpu.memory_space<vmem>>, vector<1x16xf32>,
      %slice3A_195 = vector.extract_strided_slice %get3A_145 {offsets = [6], sizes = [1], strides = [1]} : vector<16xf32> to vector<1xf32>
      %squeeze3A_196 = vector.extract %slice3A_195[0] : f32 from vector<1xf32>
      %broadcast_in_dim3A_197 = vector.broadcast %squeeze3A_196 : f32 to vector<16xf32>
      %slice3A_198 = vector.extract_strided_slice %get3A_145 {offsets = [7], sizes = [1], strides = [1]} : vector<16xf32> to vector<1xf32>
      %squeeze3A_199 = vector.extract %slice3A_198[0] : f32 from vector<1xf32>
      %broadcast_in_dim3A_200 = vector.broadcast %squeeze3A_199 : f32 to vector<16xf32>
      %select_n3A_201 = arith.select %lt3A_4, %broadcast_in_dim3A_197, %broadcast_in_dim3A_200 : vector<16xi1>, vector<16xf32>
      %mul3A_202 = arith.constant 128 : i32
      %mul3A_203 = arith.muli %scan3A_137, %mul3A_202 : i32
      %add3A_204 = arith.constant 48 : i32
      %add3A_205 = arith.addi %mul3A_203, %add3A_204 : i32
      %add3A_206 = arith.addf %select_n3A_201, %get3A_67 : vector<16xf32>
      %swap3A_207 = arith.constant 5 : i32
      %swap3A_208 = arith.index_cast %swap3A_207 : i32 to index
      %swap3A_209 = arith.index_cast %add3A_205 : i32 to index
      %swap3A_210 = tpu.vector_load %arg9[%swap3A_208, %swap3A_209] {strides = array<i32>} : memref<8x896xf32, #tpu.memory_space<vmem>>, vector<1x16xf32>,
      %swap3A_211 = vector.shape_cast %swap3A_210 : vector<1x16xf32> to vector<16xf32>
      %swap3A_212 = vector.shape_cast %add3A_206 : vector<16xf32> to vector<1x16xf32>
      tpu.vector_store %arg9[%swap3A_208, %swap3A_209], %swap3A_212 {strides = array<i32>} : memref<8x896xf32, #tpu.memory_space<vmem>>, vector<1x16xf32>,
      %slice3A_213 = vector.extract_strided_slice %get3A_145 {offsets = [8], sizes = [1], strides = [1]} : vector<16xf32> to vector<1xf32>
      %squeeze3A_214 = vector.extract %slice3A_213[0] : f32 from vector<1xf32>
      %broadcast_in_dim3A_215 = vector.broadcast %squeeze3A_214 : f32 to vector<16xf32>
      %slice3A_216 = vector.extract_strided_slice %get3A_145 {offsets = [9], sizes = [1], strides = [1]} : vector<16xf32> to vector<1xf32>
      %squeeze3A_217 = vector.extract %slice3A_216[0] : f32 from vector<1xf32>
      %broadcast_in_dim3A_218 = vector.broadcast %squeeze3A_217 : f32 to vector<16xf32>
      %select_n3A_219 = arith.select %lt3A_4, %broadcast_in_dim3A_215, %broadcast_in_dim3A_218 : vector<16xi1>, vector<16xf32>
      %mul3A_220 = arith.constant 128 : i32
      %mul3A_221 = arith.muli %scan3A_137, %mul3A_220 : i32
      %add3A_222 = arith.constant 64 : i32
      %add3A_223 = arith.addi %mul3A_221, %add3A_222 : i32
      %add3A_224 = arith.addf %select_n3A_219, %get3A_67 : vector<16xf32>
      %swap3A_225 = arith.constant 5 : i32
      %swap3A_226 = arith.index_cast %swap3A_225 : i32 to index
      %swap3A_227 = arith.index_cast %add3A_223 : i32 to index
      %swap3A_228 = tpu.vector_load %arg9[%swap3A_226, %swap3A_227] {strides = array<i32>} : memref<8x896xf32, #tpu.memory_space<vmem>>, vector<1x16xf32>,
      %swap3A_229 = vector.shape_cast %swap3A_228 : vector<1x16xf32> to vector<16xf32>
      %swap3A_230 = vector.shape_cast %add3A_224 : vector<16xf32> to vector<1x16xf32>
      tpu.vector_store %arg9[%swap3A_226, %swap3A_227], %swap3A_230 {strides = array<i32>} : memref<8x896xf32, #tpu.memory_space<vmem>>, vector<1x16xf32>,
      %slice3A_231 = vector.extract_strided_slice %get3A_145 {offsets = [10], sizes = [1], strides = [1]} : vector<16xf32> to vector<1xf32>
      %squeeze3A_232 = vector.extract %slice3A_231[0] : f32 from vector<1xf32>
      %broadcast_in_dim3A_233 = vector.broadcast %squeeze3A_232 : f32 to vector<16xf32>
      %slice3A_234 = vector.extract_strided_slice %get3A_145 {offsets = [11], sizes = [1], strides = [1]} : vector<16xf32> to vector<1xf32>
      %squeeze3A_235 = vector.extract %slice3A_234[0] : f32 from vector<1xf32>
      %broadcast_in_dim3A_236 = vector.broadcast %squeeze3A_235 : f32 to vector<16xf32>
      %select_n3A_237 = arith.select %lt3A_4, %broadcast_in_dim3A_233, %broadcast_in_dim3A_236 : vector<16xi1>, vector<16xf32>
      %mul3A_238 = arith.constant 128 : i32
      %mul3A_239 = arith.muli %scan3A_137, %mul3A_238 : i32
      %add3A_240 = arith.constant 80 : i32
      %add3A_241 = arith.addi %mul3A_239, %add3A_240 : i32
      %add3A_242 = arith.addf %select_n3A_237, %get3A_67 : vector<16xf32>
      %swap3A_243 = arith.constant 5 : i32
      %swap3A_244 = arith.index_cast %swap3A_243 : i32 to index
      %swap3A_245 = arith.index_cast %add3A_241 : i32 to index
      %swap3A_246 = tpu.vector_load %arg9[%swap3A_244, %swap3A_245] {strides = array<i32>} : memref<8x896xf32, #tpu.memory_space<vmem>>, vector<1x16xf32>,
      %swap3A_247 = vector.shape_cast %swap3A_246 : vector<1x16xf32> to vector<16xf32>
      %swap3A_248 = vector.shape_cast %add3A_242 : vector<16xf32> to vector<1x16xf32>
      tpu.vector_store %arg9[%swap3A_244, %swap3A_245], %swap3A_248 {strides = array<i32>} : memref<8x896xf32, #tpu.memory_space<vmem>>, vector<1x16xf32>,
      %slice3A_249 = vector.extract_strided_slice %get3A_145 {offsets = [12], sizes = [1], strides = [1]} : vector<16xf32> to vector<1xf32>
      %squeeze3A_250 = vector.extract %slice3A_249[0] : f32 from vector<1xf32>
      %broadcast_in_dim3A_251 = vector.broadcast %squeeze3A_250 : f32 to vector<16xf32>
      %slice3A_252 = vector.extract_strided_slice %get3A_145 {offsets = [13], sizes = [1], strides = [1]} : vector<16xf32> to vector<1xf32>
      %squeeze3A_253 = vector.extract %slice3A_252[0] : f32 from vector<1xf32>
      %broadcast_in_dim3A_254 = vector.broadcast %squeeze3A_253 : f32 to vector<16xf32>
      %select_n3A_255 = arith.select %lt3A_4, %broadcast_in_dim3A_251, %broadcast_in_dim3A_254 : vector<16xi1>, vector<16xf32>
      %mul3A_256 = arith.constant 128 : i32
      %mul3A_257 = arith.muli %scan3A_137, %mul3A_256 : i32
      %add3A_258 = arith.constant 96 : i32
      %add3A_259 = arith.addi %mul3A_257, %add3A_258 : i32
      %add3A_260 = arith.addf %select_n3A_255, %get3A_67 : vector<16xf32>
      %swap3A_261 = arith.constant 5 : i32
      %swap3A_262 = arith.index_cast %swap3A_261 : i32 to index
      %swap3A_263 = arith.index_cast %add3A_259 : i32 to index
      %swap3A_264 = tpu.vector_load %arg9[%swap3A_262, %swap3A_263] {strides = array<i32>} : memref<8x896xf32, #tpu.memory_space<vmem>>, vector<1x16xf32>,
      %swap3A_265 = vector.shape_cast %swap3A_264 : vector<1x16xf32> to vector<16xf32>
      %swap3A_266 = vector.shape_cast %add3A_260 : vector<16xf32> to vector<1x16xf32>
      tpu.vector_store %arg9[%swap3A_262, %swap3A_263], %swap3A_266 {strides = array<i32>} : memref<8x896xf32, #tpu.memory_space<vmem>>, vector<1x16xf32>,
      %slice3A_267 = vector.extract_strided_slice %get3A_145 {offsets = [14], sizes = [1], strides = [1]} : vector<16xf32> to vector<1xf32>
      %squeeze3A_268 = vector.extract %slice3A_267[0] : f32 from vector<1xf32>
      %broadcast_in_dim3A_269 = vector.broadcast %squeeze3A_268 : f32 to vector<16xf32>
      %slice3A_270 = vector.extract_strided_slice %get3A_145 {offsets = [15], sizes = [1], strides = [1]} : vector<16xf32> to vector<1xf32>
      %squeeze3A_271 = vector.extract %slice3A_270[0] : f32 from vector<1xf32>
      %broadcast_in_dim3A_272 = vector.broadcast %squeeze3A_271 : f32 to vector<16xf32>
      %select_n3A_273 = arith.select %lt3A_4, %broadcast_in_dim3A_269, %broadcast_in_dim3A_272 : vector<16xi1>, vector<16xf32>
      %mul3A_274 = arith.constant 128 : i32
      %mul3A_275 = arith.muli %scan3A_137, %mul3A_274 : i32
      %add3A_276 = arith.constant 112 : i32
      %add3A_277 = arith.addi %mul3A_275, %add3A_276 : i32
      %add3A_278 = arith.addf %select_n3A_273, %get3A_67 : vector<16xf32>
      %swap3A_279 = arith.constant 5 : i32
      %swap3A_280 = arith.index_cast %swap3A_279 : i32 to index
      %swap3A_281 = arith.index_cast %add3A_277 : i32 to index
      %swap3A_282 = tpu.vector_load %arg9[%swap3A_280, %swap3A_281] {strides = array<i32>} : memref<8x896xf32, #tpu.memory_space<vmem>>, vector<1x16xf32>,
      %swap3A_283 = vector.shape_cast %swap3A_282 : vector<1x16xf32> to vector<16xf32>
      %swap3A_284 = vector.shape_cast %add3A_278 : vector<16xf32> to vector<1x16xf32>
      tpu.vector_store %arg9[%swap3A_280, %swap3A_281], %swap3A_284 {strides = array<i32>} : memref<8x896xf32, #tpu.memory_space<vmem>>, vector<1x16xf32>,
      %scan3A_285 = arith.constant 0 : i32
      scf.yield %scan3A_285 : i32
    }
    %scan3A_74 = arith.constant 7 : i32
    %get3A_75 = arith.constant 6 : i32
    %get3A_76 = arith.index_cast %get3A_75 : i32 to index
    %get3A_77 = arith.constant 0 : index
    %get3A_78 = tpu.vector_load %arg8[%get3A_76, %get3A_77] {strides = array<i32>} : memref<8x16xf32, #tpu.memory_space<vmem>>, vector<1x16xf32>,
    %get3A_79 = vector.shape_cast %get3A_78 : vector<1x16xf32> to vector<16xf32>
    %scan3A_80 = arith.constant 0 : i32
    %scan3A_81 = arith.constant 0 : i32
    %scan3A_82 = arith.constant 7 : i32
    %scan3A_83 = arith.addi %scan3A_81, %scan3A_82 : i32
    %scan3A_84 = arith.constant 1 : i32
    %scan3A_85 = scf.for %scan3A_137 = %scan3A_81 to %scan3A_83 step %scan3A_84 iter_args(%scan3A_138 = %scan3A_80) -> (i32)  : i32 {
      %mul3A_139 = arith.constant 16 : i32
      %mul3A_140 = arith.muli %scan3A_137, %mul3A_139 : i32
      %get3A_141 = arith.constant 6 : i32
      %get3A_142 = arith.index_cast %get3A_141 : i32 to index
      %get3A_143 = arith.index_cast %mul3A_140 : i32 to index
      %get3A_144 = tpu.vector_load %arg7[%get3A_142, %get3A_143] {strides = array<i32>} : memref<8x128xf32, #tpu.memory_space<vmem>>, vector<1x16xf32>,
      %get3A_145 = vector.shape_cast %get3A_144 : vector<1x16xf32> to vector<16xf32>
      %slice3A = vector.extract_strided_slice %get3A_145 {offsets = [0], sizes = [1], strides = [1]} : vector<16xf32> to vector<1xf32>
      %squeeze3A = vector.extract %slice3A[0] : f32 from vector<1xf32>
      %broadcast_in_dim3A = vector.broadcast %squeeze3A : f32 to vector<16xf32>
      %slice3A_146 = vector.extract_strided_slice %get3A_145 {offsets = [1], sizes = [1], strides = [1]} : vector<16xf32> to vector<1xf32>
      %squeeze3A_147 = vector.extract %slice3A_146[0] : f32 from vector<1xf32>
      %broadcast_in_dim3A_148 = vector.broadcast %squeeze3A_147 : f32 to vector<16xf32>
      %select_n3A = arith.select %lt3A_4, %broadcast_in_dim3A, %broadcast_in_dim3A_148 : vector<16xi1>, vector<16xf32>
      %mul3A_149 = arith.constant 128 : i32
      %mul3A_150 = arith.muli %scan3A_137, %mul3A_149 : i32
      %add3A_151 = arith.constant 0 : i32
      %add3A_152 = arith.addi %mul3A_150, %add3A_151 : i32
      %add3A_153 = arith.addf %select_n3A, %get3A_79 : vector<16xf32>
      %swap3A = arith.constant 6 : i32
      %swap3A_154 = arith.index_cast %swap3A : i32 to index
      %swap3A_155 = arith.index_cast %add3A_152 : i32 to index
      %swap3A_156 = tpu.vector_load %arg9[%swap3A_154, %swap3A_155] {strides = array<i32>} : memref<8x896xf32, #tpu.memory_space<vmem>>, vector<1x16xf32>,
      %swap3A_157 = vector.shape_cast %swap3A_156 : vector<1x16xf32> to vector<16xf32>
      %swap3A_158 = vector.shape_cast %add3A_153 : vector<16xf32> to vector<1x16xf32>
      tpu.vector_store %arg9[%swap3A_154, %swap3A_155], %swap3A_158 {strides = array<i32>} : memref<8x896xf32, #tpu.memory_space<vmem>>, vector<1x16xf32>,
      %slice3A_159 = vector.extract_strided_slice %get3A_145 {offsets = [2], sizes = [1], strides = [1]} : vector<16xf32> to vector<1xf32>
      %squeeze3A_160 = vector.extract %slice3A_159[0] : f32 from vector<1xf32>
      %broadcast_in_dim3A_161 = vector.broadcast %squeeze3A_160 : f32 to vector<16xf32>
      %slice3A_162 = vector.extract_strided_slice %get3A_145 {offsets = [3], sizes = [1], strides = [1]} : vector<16xf32> to vector<1xf32>
      %squeeze3A_163 = vector.extract %slice3A_162[0] : f32 from vector<1xf32>
      %broadcast_in_dim3A_164 = vector.broadcast %squeeze3A_163 : f32 to vector<16xf32>
      %select_n3A_165 = arith.select %lt3A_4, %broadcast_in_dim3A_161, %broadcast_in_dim3A_164 : vector<16xi1>, vector<16xf32>
      %mul3A_166 = arith.constant 128 : i32
      %mul3A_167 = arith.muli %scan3A_137, %mul3A_166 : i32
      %add3A_168 = arith.constant 16 : i32
      %add3A_169 = arith.addi %mul3A_167, %add3A_168 : i32
      %add3A_170 = arith.addf %select_n3A_165, %get3A_79 : vector<16xf32>
      %swap3A_171 = arith.constant 6 : i32
      %swap3A_172 = arith.index_cast %swap3A_171 : i32 to index
      %swap3A_173 = arith.index_cast %add3A_169 : i32 to index
      %swap3A_174 = tpu.vector_load %arg9[%swap3A_172, %swap3A_173] {strides = array<i32>} : memref<8x896xf32, #tpu.memory_space<vmem>>, vector<1x16xf32>,
      %swap3A_175 = vector.shape_cast %swap3A_174 : vector<1x16xf32> to vector<16xf32>
      %swap3A_176 = vector.shape_cast %add3A_170 : vector<16xf32> to vector<1x16xf32>
      tpu.vector_store %arg9[%swap3A_172, %swap3A_173], %swap3A_176 {strides = array<i32>} : memref<8x896xf32, #tpu.memory_space<vmem>>, vector<1x16xf32>,
      %slice3A_177 = vector.extract_strided_slice %get3A_145 {offsets = [4], sizes = [1], strides = [1]} : vector<16xf32> to vector<1xf32>
      %squeeze3A_178 = vector.extract %slice3A_177[0] : f32 from vector<1xf32>
      %broadcast_in_dim3A_179 = vector.broadcast %squeeze3A_178 : f32 to vector<16xf32>
      %slice3A_180 = vector.extract_strided_slice %get3A_145 {offsets = [5], sizes = [1], strides = [1]} : vector<16xf32> to vector<1xf32>
      %squeeze3A_181 = vector.extract %slice3A_180[0] : f32 from vector<1xf32>
      %broadcast_in_dim3A_182 = vector.broadcast %squeeze3A_181 : f32 to vector<16xf32>
      %select_n3A_183 = arith.select %lt3A_4, %broadcast_in_dim3A_179, %broadcast_in_dim3A_182 : vector<16xi1>, vector<16xf32>
      %mul3A_184 = arith.constant 128 : i32
      %mul3A_185 = arith.muli %scan3A_137, %mul3A_184 : i32
      %add3A_186 = arith.constant 32 : i32
      %add3A_187 = arith.addi %mul3A_185, %add3A_186 : i32
      %add3A_188 = arith.addf %select_n3A_183, %get3A_79 : vector<16xf32>
      %swap3A_189 = arith.constant 6 : i32
      %swap3A_190 = arith.index_cast %swap3A_189 : i32 to index
      %swap3A_191 = arith.index_cast %add3A_187 : i32 to index
      %swap3A_192 = tpu.vector_load %arg9[%swap3A_190, %swap3A_191] {strides = array<i32>} : memref<8x896xf32, #tpu.memory_space<vmem>>, vector<1x16xf32>,
      %swap3A_193 = vector.shape_cast %swap3A_192 : vector<1x16xf32> to vector<16xf32>
      %swap3A_194 = vector.shape_cast %add3A_188 : vector<16xf32> to vector<1x16xf32>
      tpu.vector_store %arg9[%swap3A_190, %swap3A_191], %swap3A_194 {strides = array<i32>} : memref<8x896xf32, #tpu.memory_space<vmem>>, vector<1x16xf32>,
      %slice3A_195 = vector.extract_strided_slice %get3A_145 {offsets = [6], sizes = [1], strides = [1]} : vector<16xf32> to vector<1xf32>
      %squeeze3A_196 = vector.extract %slice3A_195[0] : f32 from vector<1xf32>
      %broadcast_in_dim3A_197 = vector.broadcast %squeeze3A_196 : f32 to vector<16xf32>
      %slice3A_198 = vector.extract_strided_slice %get3A_145 {offsets = [7], sizes = [1], strides = [1]} : vector<16xf32> to vector<1xf32>
      %squeeze3A_199 = vector.extract %slice3A_198[0] : f32 from vector<1xf32>
      %broadcast_in_dim3A_200 = vector.broadcast %squeeze3A_199 : f32 to vector<16xf32>
      %select_n3A_201 = arith.select %lt3A_4, %broadcast_in_dim3A_197, %broadcast_in_dim3A_200 : vector<16xi1>, vector<16xf32>
      %mul3A_202 = arith.constant 128 : i32
      %mul3A_203 = arith.muli %scan3A_137, %mul3A_202 : i32
      %add3A_204 = arith.constant 48 : i32
      %add3A_205 = arith.addi %mul3A_203, %add3A_204 : i32
      %add3A_206 = arith.addf %select_n3A_201, %get3A_79 : vector<16xf32>
      %swap3A_207 = arith.constant 6 : i32
      %swap3A_208 = arith.index_cast %swap3A_207 : i32 to index
      %swap3A_209 = arith.index_cast %add3A_205 : i32 to index
      %swap3A_210 = tpu.vector_load %arg9[%swap3A_208, %swap3A_209] {strides = array<i32>} : memref<8x896xf32, #tpu.memory_space<vmem>>, vector<1x16xf32>,
      %swap3A_211 = vector.shape_cast %swap3A_210 : vector<1x16xf32> to vector<16xf32>
      %swap3A_212 = vector.shape_cast %add3A_206 : vector<16xf32> to vector<1x16xf32>
      tpu.vector_store %arg9[%swap3A_208, %swap3A_209], %swap3A_212 {strides = array<i32>} : memref<8x896xf32, #tpu.memory_space<vmem>>, vector<1x16xf32>,
      %slice3A_213 = vector.extract_strided_slice %get3A_145 {offsets = [8], sizes = [1], strides = [1]} : vector<16xf32> to vector<1xf32>
      %squeeze3A_214 = vector.extract %slice3A_213[0] : f32 from vector<1xf32>
      %broadcast_in_dim3A_215 = vector.broadcast %squeeze3A_214 : f32 to vector<16xf32>
      %slice3A_216 = vector.extract_strided_slice %get3A_145 {offsets = [9], sizes = [1], strides = [1]} : vector<16xf32> to vector<1xf32>
      %squeeze3A_217 = vector.extract %slice3A_216[0] : f32 from vector<1xf32>
      %broadcast_in_dim3A_218 = vector.broadcast %squeeze3A_217 : f32 to vector<16xf32>
      %select_n3A_219 = arith.select %lt3A_4, %broadcast_in_dim3A_215, %broadcast_in_dim3A_218 : vector<16xi1>, vector<16xf32>
      %mul3A_220 = arith.constant 128 : i32
      %mul3A_221 = arith.muli %scan3A_137, %mul3A_220 : i32
      %add3A_222 = arith.constant 64 : i32
      %add3A_223 = arith.addi %mul3A_221, %add3A_222 : i32
      %add3A_224 = arith.addf %select_n3A_219, %get3A_79 : vector<16xf32>
      %swap3A_225 = arith.constant 6 : i32
      %swap3A_226 = arith.index_cast %swap3A_225 : i32 to index
      %swap3A_227 = arith.index_cast %add3A_223 : i32 to index
      %swap3A_228 = tpu.vector_load %arg9[%swap3A_226, %swap3A_227] {strides = array<i32>} : memref<8x896xf32, #tpu.memory_space<vmem>>, vector<1x16xf32>,
      %swap3A_229 = vector.shape_cast %swap3A_228 : vector<1x16xf32> to vector<16xf32>
      %swap3A_230 = vector.shape_cast %add3A_224 : vector<16xf32> to vector<1x16xf32>
      tpu.vector_store %arg9[%swap3A_226, %swap3A_227], %swap3A_230 {strides = array<i32>} : memref<8x896xf32, #tpu.memory_space<vmem>>, vector<1x16xf32>,
      %slice3A_231 = vector.extract_strided_slice %get3A_145 {offsets = [10], sizes = [1], strides = [1]} : vector<16xf32> to vector<1xf32>
      %squeeze3A_232 = vector.extract %slice3A_231[0] : f32 from vector<1xf32>
      %broadcast_in_dim3A_233 = vector.broadcast %squeeze3A_232 : f32 to vector<16xf32>
      %slice3A_234 = vector.extract_strided_slice %get3A_145 {offsets = [11], sizes = [1], strides = [1]} : vector<16xf32> to vector<1xf32>
      %squeeze3A_235 = vector.extract %slice3A_234[0] : f32 from vector<1xf32>
      %broadcast_in_dim3A_236 = vector.broadcast %squeeze3A_235 : f32 to vector<16xf32>
      %select_n3A_237 = arith.select %lt3A_4, %broadcast_in_dim3A_233, %broadcast_in_dim3A_236 : vector<16xi1>, vector<16xf32>
      %mul3A_238 = arith.constant 128 : i32
      %mul3A_239 = arith.muli %scan3A_137, %mul3A_238 : i32
      %add3A_240 = arith.constant 80 : i32
      %add3A_241 = arith.addi %mul3A_239, %add3A_240 : i32
      %add3A_242 = arith.addf %select_n3A_237, %get3A_79 : vector<16xf32>
      %swap3A_243 = arith.constant 6 : i32
      %swap3A_244 = arith.index_cast %swap3A_243 : i32 to index
      %swap3A_245 = arith.index_cast %add3A_241 : i32 to index
      %swap3A_246 = tpu.vector_load %arg9[%swap3A_244, %swap3A_245] {strides = array<i32>} : memref<8x896xf32, #tpu.memory_space<vmem>>, vector<1x16xf32>,
      %swap3A_247 = vector.shape_cast %swap3A_246 : vector<1x16xf32> to vector<16xf32>
      %swap3A_248 = vector.shape_cast %add3A_242 : vector<16xf32> to vector<1x16xf32>
      tpu.vector_store %arg9[%swap3A_244, %swap3A_245], %swap3A_248 {strides = array<i32>} : memref<8x896xf32, #tpu.memory_space<vmem>>, vector<1x16xf32>,
      %slice3A_249 = vector.extract_strided_slice %get3A_145 {offsets = [12], sizes = [1], strides = [1]} : vector<16xf32> to vector<1xf32>
      %squeeze3A_250 = vector.extract %slice3A_249[0] : f32 from vector<1xf32>
      %broadcast_in_dim3A_251 = vector.broadcast %squeeze3A_250 : f32 to vector<16xf32>
      %slice3A_252 = vector.extract_strided_slice %get3A_145 {offsets = [13], sizes = [1], strides = [1]} : vector<16xf32> to vector<1xf32>
      %squeeze3A_253 = vector.extract %slice3A_252[0] : f32 from vector<1xf32>
      %broadcast_in_dim3A_254 = vector.broadcast %squeeze3A_253 : f32 to vector<16xf32>
      %select_n3A_255 = arith.select %lt3A_4, %broadcast_in_dim3A_251, %broadcast_in_dim3A_254 : vector<16xi1>, vector<16xf32>
      %mul3A_256 = arith.constant 128 : i32
      %mul3A_257 = arith.muli %scan3A_137, %mul3A_256 : i32
      %add3A_258 = arith.constant 96 : i32
      %add3A_259 = arith.addi %mul3A_257, %add3A_258 : i32
      %add3A_260 = arith.addf %select_n3A_255, %get3A_79 : vector<16xf32>
      %swap3A_261 = arith.constant 6 : i32
      %swap3A_262 = arith.index_cast %swap3A_261 : i32 to index
      %swap3A_263 = arith.index_cast %add3A_259 : i32 to index
      %swap3A_264 = tpu.vector_load %arg9[%swap3A_262, %swap3A_263] {strides = array<i32>} : memref<8x896xf32, #tpu.memory_space<vmem>>, vector<1x16xf32>,
      %swap3A_265 = vector.shape_cast %swap3A_264 : vector<1x16xf32> to vector<16xf32>
      %swap3A_266 = vector.shape_cast %add3A_260 : vector<16xf32> to vector<1x16xf32>
      tpu.vector_store %arg9[%swap3A_262, %swap3A_263], %swap3A_266 {strides = array<i32>} : memref<8x896xf32, #tpu.memory_space<vmem>>, vector<1x16xf32>,
      %slice3A_267 = vector.extract_strided_slice %get3A_145 {offsets = [14], sizes = [1], strides = [1]} : vector<16xf32> to vector<1xf32>
      %squeeze3A_268 = vector.extract %slice3A_267[0] : f32 from vector<1xf32>
      %broadcast_in_dim3A_269 = vector.broadcast %squeeze3A_268 : f32 to vector<16xf32>
      %slice3A_270 = vector.extract_strided_slice %get3A_145 {offsets = [15], sizes = [1], strides = [1]} : vector<16xf32> to vector<1xf32>
      %squeeze3A_271 = vector.extract %slice3A_270[0] : f32 from vector<1xf32>
      %broadcast_in_dim3A_272 = vector.broadcast %squeeze3A_271 : f32 to vector<16xf32>
      %select_n3A_273 = arith.select %lt3A_4, %broadcast_in_dim3A_269, %broadcast_in_dim3A_272 : vector<16xi1>, vector<16xf32>
      %mul3A_274 = arith.constant 128 : i32
      %mul3A_275 = arith.muli %scan3A_137, %mul3A_274 : i32
      %add3A_276 = arith.constant 112 : i32
      %add3A_277 = arith.addi %mul3A_275, %add3A_276 : i32
      %add3A_278 = arith.addf %select_n3A_273, %get3A_79 : vector<16xf32>
      %swap3A_279 = arith.constant 6 : i32
      %swap3A_280 = arith.index_cast %swap3A_279 : i32 to index
      %swap3A_281 = arith.index_cast %add3A_277 : i32 to index
      %swap3A_282 = tpu.vector_load %arg9[%swap3A_280, %swap3A_281] {strides = array<i32>} : memref<8x896xf32, #tpu.memory_space<vmem>>, vector<1x16xf32>,
      %swap3A_283 = vector.shape_cast %swap3A_282 : vector<1x16xf32> to vector<16xf32>
      %swap3A_284 = vector.shape_cast %add3A_278 : vector<16xf32> to vector<1x16xf32>
      tpu.vector_store %arg9[%swap3A_280, %swap3A_281], %swap3A_284 {strides = array<i32>} : memref<8x896xf32, #tpu.memory_space<vmem>>, vector<1x16xf32>,
      %scan3A_285 = arith.constant 0 : i32
      scf.yield %scan3A_285 : i32
    }
    %scan3A_86 = arith.constant 7 : i32
    %get3A_87 = arith.constant 7 : i32
    %get3A_88 = arith.index_cast %get3A_87 : i32 to index
    %get3A_89 = arith.constant 0 : index
    %get3A_90 = tpu.vector_load %arg8[%get3A_88, %get3A_89] {strides = array<i32>} : memref<8x16xf32, #tpu.memory_space<vmem>>, vector<1x16xf32>,
    %get3A_91 = vector.shape_cast %get3A_90 : vector<1x16xf32> to vector<16xf32>
    %scan3A_92 = arith.constant 0 : i32
    %scan3A_93 = arith.constant 0 : i32
    %scan3A_94 = arith.constant 7 : i32
    %scan3A_95 = arith.addi %scan3A_93, %scan3A_94 : i32
    %scan3A_96 = arith.constant 1 : i32
    %scan3A_97 = scf.for %scan3A_137 = %scan3A_93 to %scan3A_95 step %scan3A_96 iter_args(%scan3A_138 = %scan3A_92) -> (i32)  : i32 {
      %mul3A_139 = arith.constant 16 : i32
      %mul3A_140 = arith.muli %scan3A_137, %mul3A_139 : i32
      %get3A_141 = arith.constant 7 : i32
      %get3A_142 = arith.index_cast %get3A_141 : i32 to index
      %get3A_143 = arith.index_cast %mul3A_140 : i32 to index
      %get3A_144 = tpu.vector_load %arg7[%get3A_142, %get3A_143] {strides = array<i32>} : memref<8x128xf32, #tpu.memory_space<vmem>>, vector<1x16xf32>,
      %get3A_145 = vector.shape_cast %get3A_144 : vector<1x16xf32> to vector<16xf32>
      %slice3A = vector.extract_strided_slice %get3A_145 {offsets = [0], sizes = [1], strides = [1]} : vector<16xf32> to vector<1xf32>
      %squeeze3A = vector.extract %slice3A[0] : f32 from vector<1xf32>
      %broadcast_in_dim3A = vector.broadcast %squeeze3A : f32 to vector<16xf32>
      %slice3A_146 = vector.extract_strided_slice %get3A_145 {offsets = [1], sizes = [1], strides = [1]} : vector<16xf32> to vector<1xf32>
      %squeeze3A_147 = vector.extract %slice3A_146[0] : f32 from vector<1xf32>
      %broadcast_in_dim3A_148 = vector.broadcast %squeeze3A_147 : f32 to vector<16xf32>
      %select_n3A = arith.select %lt3A_4, %broadcast_in_dim3A, %broadcast_in_dim3A_148 : vector<16xi1>, vector<16xf32>
      %mul3A_149 = arith.constant 128 : i32
      %mul3A_150 = arith.muli %scan3A_137, %mul3A_149 : i32
      %add3A_151 = arith.constant 0 : i32
      %add3A_152 = arith.addi %mul3A_150, %add3A_151 : i32
      %add3A_153 = arith.addf %select_n3A, %get3A_91 : vector<16xf32>
      %swap3A = arith.constant 7 : i32
      %swap3A_154 = arith.index_cast %swap3A : i32 to index
      %swap3A_155 = arith.index_cast %add3A_152 : i32 to index
      %swap3A_156 = tpu.vector_load %arg9[%swap3A_154, %swap3A_155] {strides = array<i32>} : memref<8x896xf32, #tpu.memory_space<vmem>>, vector<1x16xf32>,
      %swap3A_157 = vector.shape_cast %swap3A_156 : vector<1x16xf32> to vector<16xf32>
      %swap3A_158 = vector.shape_cast %add3A_153 : vector<16xf32> to vector<1x16xf32>
      tpu.vector_store %arg9[%swap3A_154, %swap3A_155], %swap3A_158 {strides = array<i32>} : memref<8x896xf32, #tpu.memory_space<vmem>>, vector<1x16xf32>,
      %slice3A_159 = vector.extract_strided_slice %get3A_145 {offsets = [2], sizes = [1], strides = [1]} : vector<16xf32> to vector<1xf32>
      %squeeze3A_160 = vector.extract %slice3A_159[0] : f32 from vector<1xf32>
      %broadcast_in_dim3A_161 = vector.broadcast %squeeze3A_160 : f32 to vector<16xf32>
      %slice3A_162 = vector.extract_strided_slice %get3A_145 {offsets = [3], sizes = [1], strides = [1]} : vector<16xf32> to vector<1xf32>
      %squeeze3A_163 = vector.extract %slice3A_162[0] : f32 from vector<1xf32>
      %broadcast_in_dim3A_164 = vector.broadcast %squeeze3A_163 : f32 to vector<16xf32>
      %select_n3A_165 = arith.select %lt3A_4, %broadcast_in_dim3A_161, %broadcast_in_dim3A_164 : vector<16xi1>, vector<16xf32>
      %mul3A_166 = arith.constant 128 : i32
      %mul3A_167 = arith.muli %scan3A_137, %mul3A_166 : i32
      %add3A_168 = arith.constant 16 : i32
      %add3A_169 = arith.addi %mul3A_167, %add3A_168 : i32
      %add3A_170 = arith.addf %select_n3A_165, %get3A_91 : vector<16xf32>
      %swap3A_171 = arith.constant 7 : i32
      %swap3A_172 = arith.index_cast %swap3A_171 : i32 to index
      %swap3A_173 = arith.index_cast %add3A_169 : i32 to index
      %swap3A_174 = tpu.vector_load %arg9[%swap3A_172, %swap3A_173] {strides = array<i32>} : memref<8x896xf32, #tpu.memory_space<vmem>>, vector<1x16xf32>,
      %swap3A_175 = vector.shape_cast %swap3A_174 : vector<1x16xf32> to vector<16xf32>
      %swap3A_176 = vector.shape_cast %add3A_170 : vector<16xf32> to vector<1x16xf32>
      tpu.vector_store %arg9[%swap3A_172, %swap3A_173], %swap3A_176 {strides = array<i32>} : memref<8x896xf32, #tpu.memory_space<vmem>>, vector<1x16xf32>,
      %slice3A_177 = vector.extract_strided_slice %get3A_145 {offsets = [4], sizes = [1], strides = [1]} : vector<16xf32> to vector<1xf32>
      %squeeze3A_178 = vector.extract %slice3A_177[0] : f32 from vector<1xf32>
      %broadcast_in_dim3A_179 = vector.broadcast %squeeze3A_178 : f32 to vector<16xf32>
      %slice3A_180 = vector.extract_strided_slice %get3A_145 {offsets = [5], sizes = [1], strides = [1]} : vector<16xf32> to vector<1xf32>
      %squeeze3A_181 = vector.extract %slice3A_180[0] : f32 from vector<1xf32>
      %broadcast_in_dim3A_182 = vector.broadcast %squeeze3A_181 : f32 to vector<16xf32>
      %select_n3A_183 = arith.select %lt3A_4, %broadcast_in_dim3A_179, %broadcast_in_dim3A_182 : vector<16xi1>, vector<16xf32>
      %mul3A_184 = arith.constant 128 : i32
      %mul3A_185 = arith.muli %scan3A_137, %mul3A_184 : i32
      %add3A_186 = arith.constant 32 : i32
      %add3A_187 = arith.addi %mul3A_185, %add3A_186 : i32
      %add3A_188 = arith.addf %select_n3A_183, %get3A_91 : vector<16xf32>
      %swap3A_189 = arith.constant 7 : i32
      %swap3A_190 = arith.index_cast %swap3A_189 : i32 to index
      %swap3A_191 = arith.index_cast %add3A_187 : i32 to index
      %swap3A_192 = tpu.vector_load %arg9[%swap3A_190, %swap3A_191] {strides = array<i32>} : memref<8x896xf32, #tpu.memory_space<vmem>>, vector<1x16xf32>,
      %swap3A_193 = vector.shape_cast %swap3A_192 : vector<1x16xf32> to vector<16xf32>
      %swap3A_194 = vector.shape_cast %add3A_188 : vector<16xf32> to vector<1x16xf32>
      tpu.vector_store %arg9[%swap3A_190, %swap3A_191], %swap3A_194 {strides = array<i32>} : memref<8x896xf32, #tpu.memory_space<vmem>>, vector<1x16xf32>,
      %slice3A_195 = vector.extract_strided_slice %get3A_145 {offsets = [6], sizes = [1], strides = [1]} : vector<16xf32> to vector<1xf32>
      %squeeze3A_196 = vector.extract %slice3A_195[0] : f32 from vector<1xf32>
      %broadcast_in_dim3A_197 = vector.broadcast %squeeze3A_196 : f32 to vector<16xf32>
      %slice3A_198 = vector.extract_strided_slice %get3A_145 {offsets = [7], sizes = [1], strides = [1]} : vector<16xf32> to vector<1xf32>
      %squeeze3A_199 = vector.extract %slice3A_198[0] : f32 from vector<1xf32>
      %broadcast_in_dim3A_200 = vector.broadcast %squeeze3A_199 : f32 to vector<16xf32>
      %select_n3A_201 = arith.select %lt3A_4, %broadcast_in_dim3A_197, %broadcast_in_dim3A_200 : vector<16xi1>, vector<16xf32>
      %mul3A_202 = arith.constant 128 : i32
      %mul3A_203 = arith.muli %scan3A_137, %mul3A_202 : i32
      %add3A_204 = arith.constant 48 : i32
      %add3A_205 = arith.addi %mul3A_203, %add3A_204 : i32
      %add3A_206 = arith.addf %select_n3A_201, %get3A_91 : vector<16xf32>
      %swap3A_207 = arith.constant 7 : i32
      %swap3A_208 = arith.index_cast %swap3A_207 : i32 to index
      %swap3A_209 = arith.index_cast %add3A_205 : i32 to index
      %swap3A_210 = tpu.vector_load %arg9[%swap3A_208, %swap3A_209] {strides = array<i32>} : memref<8x896xf32, #tpu.memory_space<vmem>>, vector<1x16xf32>,
      %swap3A_211 = vector.shape_cast %swap3A_210 : vector<1x16xf32> to vector<16xf32>
      %swap3A_212 = vector.shape_cast %add3A_206 : vector<16xf32> to vector<1x16xf32>
      tpu.vector_store %arg9[%swap3A_208, %swap3A_209], %swap3A_212 {strides = array<i32>} : memref<8x896xf32, #tpu.memory_space<vmem>>, vector<1x16xf32>,
      %slice3A_213 = vector.extract_strided_slice %get3A_145 {offsets = [8], sizes = [1], strides = [1]} : vector<16xf32> to vector<1xf32>
      %squeeze3A_214 = vector.extract %slice3A_213[0] : f32 from vector<1xf32>
      %broadcast_in_dim3A_215 = vector.broadcast %squeeze3A_214 : f32 to vector<16xf32>
      %slice3A_216 = vector.extract_strided_slice %get3A_145 {offsets = [9], sizes = [1], strides = [1]} : vector<16xf32> to vector<1xf32>
      %squeeze3A_217 = vector.extract %slice3A_216[0] : f32 from vector<1xf32>
      %broadcast_in_dim3A_218 = vector.broadcast %squeeze3A_217 : f32 to vector<16xf32>
      %select_n3A_219 = arith.select %lt3A_4, %broadcast_in_dim3A_215, %broadcast_in_dim3A_218 : vector<16xi1>, vector<16xf32>
      %mul3A_220 = arith.constant 128 : i32
      %mul3A_221 = arith.muli %scan3A_137, %mul3A_220 : i32
      %add3A_222 = arith.constant 64 : i32
      %add3A_223 = arith.addi %mul3A_221, %add3A_222 : i32
      %add3A_224 = arith.addf %select_n3A_219, %get3A_91 : vector<16xf32>
      %swap3A_225 = arith.constant 7 : i32
      %swap3A_226 = arith.index_cast %swap3A_225 : i32 to index
      %swap3A_227 = arith.index_cast %add3A_223 : i32 to index
      %swap3A_228 = tpu.vector_load %arg9[%swap3A_226, %swap3A_227] {strides = array<i32>} : memref<8x896xf32, #tpu.memory_space<vmem>>, vector<1x16xf32>,
      %swap3A_229 = vector.shape_cast %swap3A_228 : vector<1x16xf32> to vector<16xf32>
      %swap3A_230 = vector.shape_cast %add3A_224 : vector<16xf32> to vector<1x16xf32>
      tpu.vector_store %arg9[%swap3A_226, %swap3A_227], %swap3A_230 {strides = array<i32>} : memref<8x896xf32, #tpu.memory_space<vmem>>, vector<1x16xf32>,
      %slice3A_231 = vector.extract_strided_slice %get3A_145 {offsets = [10], sizes = [1], strides = [1]} : vector<16xf32> to vector<1xf32>
      %squeeze3A_232 = vector.extract %slice3A_231[0] : f32 from vector<1xf32>
      %broadcast_in_dim3A_233 = vector.broadcast %squeeze3A_232 : f32 to vector<16xf32>
      %slice3A_234 = vector.extract_strided_slice %get3A_145 {offsets = [11], sizes = [1], strides = [1]} : vector<16xf32> to vector<1xf32>
      %squeeze3A_235 = vector.extract %slice3A_234[0] : f32 from vector<1xf32>
      %broadcast_in_dim3A_236 = vector.broadcast %squeeze3A_235 : f32 to vector<16xf32>
      %select_n3A_237 = arith.select %lt3A_4, %broadcast_in_dim3A_233, %broadcast_in_dim3A_236 : vector<16xi1>, vector<16xf32>
      %mul3A_238 = arith.constant 128 : i32
      %mul3A_239 = arith.muli %scan3A_137, %mul3A_238 : i32
      %add3A_240 = arith.constant 80 : i32
      %add3A_241 = arith.addi %mul3A_239, %add3A_240 : i32
      %add3A_242 = arith.addf %select_n3A_237, %get3A_91 : vector<16xf32>
      %swap3A_243 = arith.constant 7 : i32
      %swap3A_244 = arith.index_cast %swap3A_243 : i32 to index
      %swap3A_245 = arith.index_cast %add3A_241 : i32 to index
      %swap3A_246 = tpu.vector_load %arg9[%swap3A_244, %swap3A_245] {strides = array<i32>} : memref<8x896xf32, #tpu.memory_space<vmem>>, vector<1x16xf32>,
      %swap3A_247 = vector.shape_cast %swap3A_246 : vector<1x16xf32> to vector<16xf32>
      %swap3A_248 = vector.shape_cast %add3A_242 : vector<16xf32> to vector<1x16xf32>
      tpu.vector_store %arg9[%swap3A_244, %swap3A_245], %swap3A_248 {strides = array<i32>} : memref<8x896xf32, #tpu.memory_space<vmem>>, vector<1x16xf32>,
      %slice3A_249 = vector.extract_strided_slice %get3A_145 {offsets = [12], sizes = [1], strides = [1]} : vector<16xf32> to vector<1xf32>
      %squeeze3A_250 = vector.extract %slice3A_249[0] : f32 from vector<1xf32>
      %broadcast_in_dim3A_251 = vector.broadcast %squeeze3A_250 : f32 to vector<16xf32>
      %slice3A_252 = vector.extract_strided_slice %get3A_145 {offsets = [13], sizes = [1], strides = [1]} : vector<16xf32> to vector<1xf32>
      %squeeze3A_253 = vector.extract %slice3A_252[0] : f32 from vector<1xf32>
      %broadcast_in_dim3A_254 = vector.broadcast %squeeze3A_253 : f32 to vector<16xf32>
      %select_n3A_255 = arith.select %lt3A_4, %broadcast_in_dim3A_251, %broadcast_in_dim3A_254 : vector<16xi1>, vector<16xf32>
      %mul3A_256 = arith.constant 128 : i32
      %mul3A_257 = arith.muli %scan3A_137, %mul3A_256 : i32
      %add3A_258 = arith.constant 96 : i32
      %add3A_259 = arith.addi %mul3A_257, %add3A_258 : i32
      %add3A_260 = arith.addf %select_n3A_255, %get3A_91 : vector<16xf32>
      %swap3A_261 = arith.constant 7 : i32
      %swap3A_262 = arith.index_cast %swap3A_261 : i32 to index
      %swap3A_263 = arith.index_cast %add3A_259 : i32 to index
      %swap3A_264 = tpu.vector_load %arg9[%swap3A_262, %swap3A_263] {strides = array<i32>} : memref<8x896xf32, #tpu.memory_space<vmem>>, vector<1x16xf32>,
      %swap3A_265 = vector.shape_cast %swap3A_264 : vector<1x16xf32> to vector<16xf32>
      %swap3A_266 = vector.shape_cast %add3A_260 : vector<16xf32> to vector<1x16xf32>
      tpu.vector_store %arg9[%swap3A_262, %swap3A_263], %swap3A_266 {strides = array<i32>} : memref<8x896xf32, #tpu.memory_space<vmem>>, vector<1x16xf32>,
      %slice3A_267 = vector.extract_strided_slice %get3A_145 {offsets = [14], sizes = [1], strides = [1]} : vector<16xf32> to vector<1xf32>
      %squeeze3A_268 = vector.extract %slice3A_267[0] : f32 from vector<1xf32>
      %broadcast_in_dim3A_269 = vector.broadcast %squeeze3A_268 : f32 to vector<16xf32>
      %slice3A_270 = vector.extract_strided_slice %get3A_145 {offsets = [15], sizes = [1], strides = [1]} : vector<16xf32> to vector<1xf32>
      %squeeze3A_271 = vector.extract %slice3A_270[0] : f32 from vector<1xf32>
      %broadcast_in_dim3A_272 = vector.broadcast %squeeze3A_271 : f32 to vector<16xf32>
      %select_n3A_273 = arith.select %lt3A_4, %broadcast_in_dim3A_269, %broadcast_in_dim3A_272 : vector<16xi1>, vector<16xf32>
      %mul3A_274 = arith.constant 128 : i32
      %mul3A_275 = arith.muli %scan3A_137, %mul3A_274 : i32
      %add3A_276 = arith.constant 112 : i32
      %add3A_277 = arith.addi %mul3A_275, %add3A_276 : i32
      %add3A_278 = arith.addf %select_n3A_273, %get3A_91 : vector<16xf32>
      %swap3A_279 = arith.constant 7 : i32
      %swap3A_280 = arith.index_cast %swap3A_279 : i32 to index
      %swap3A_281 = arith.index_cast %add3A_277 : i32 to index
      %swap3A_282 = tpu.vector_load %arg9[%swap3A_280, %swap3A_281] {strides = array<i32>} : memref<8x896xf32, #tpu.memory_space<vmem>>, vector<1x16xf32>,
      %swap3A_283 = vector.shape_cast %swap3A_282 : vector<1x16xf32> to vector<16xf32>
      %swap3A_284 = vector.shape_cast %add3A_278 : vector<16xf32> to vector<1x16xf32>
      tpu.vector_store %arg9[%swap3A_280, %swap3A_281], %swap3A_284 {strides = array<i32>} : memref<8x896xf32, #tpu.memory_space<vmem>>, vector<1x16xf32>,
      %scan3A_285 = arith.constant 0 : i32
      scf.yield %scan3A_285 : i32
    }
    %scan3A_98 = arith.constant 7 : i32
    %scan3A_99 = arith.constant 0 : i32
    %scan3A_100 = arith.constant 0 : i32
    %scan3A_101 = arith.constant 50 : i32
    %scan3A_102 = arith.addi %scan3A_100, %scan3A_101 : i32
    %scan3A_103 = arith.constant 1 : i32
    %scan3A_104 = scf.for %scan3A_137 = %scan3A_100 to %scan3A_102 step %scan3A_103 iter_args(%scan3A_138 = %scan3A_99) -> (i32)  : i32 {
      %mul3A_139 = arith.constant 2 : i32
      %mul3A_140 = arith.muli %mul3A_139, %scan3A_137 : i32
      %get3A_141 = arith.constant 0 : i32
      %get3A_142 = arith.index_cast %get3A_141 : i32 to index
      %get3A_143 = arith.index_cast %mul3A_140 : i32 to index
      %get3A_144 = tpu.vector_load %arg6[%get3A_142, %get3A_143] {strides = array<i32>} : memref<8x128xf32, #tpu.memory_space<vmem>>, vector<1x16xf32>,
      %get3A_145 = vector.shape_cast %get3A_144 : vector<1x16xf32> to vector<16xf32>
      %mul3A_146 = arith.constant 2 : i32
      %mul3A_147 = arith.muli %mul3A_146, %scan3A_137 : i32
      %get3A_148 = arith.constant 1 : i32
      %get3A_149 = arith.index_cast %get3A_148 : i32 to index
      %get3A_150 = arith.index_cast %mul3A_147 : i32 to index
      %get3A_151 = tpu.vector_load %arg6[%get3A_149, %get3A_150] {strides = array<i32>} : memref<8x128xf32, #tpu.memory_space<vmem>>, vector<1x16xf32>,
      %get3A_152 = vector.shape_cast %get3A_151 : vector<1x16xf32> to vector<16xf32>
      %mul3A_153 = arith.constant 2 : i32
      %mul3A_154 = arith.muli %mul3A_153, %scan3A_137 : i32
      %get3A_155 = arith.constant 2 : i32
      %get3A_156 = arith.index_cast %get3A_155 : i32 to index
      %get3A_157 = arith.index_cast %mul3A_154 : i32 to index
      %get3A_158 = tpu.vector_load %arg6[%get3A_156, %get3A_157] {strides = array<i32>} : memref<8x128xf32, #tpu.memory_space<vmem>>, vector<1x16xf32>,
      %get3A_159 = vector.shape_cast %get3A_158 : vector<1x16xf32> to vector<16xf32>
      %mul3A_160 = arith.constant 2 : i32
      %mul3A_161 = arith.muli %mul3A_160, %scan3A_137 : i32
      %get3A_162 = arith.constant 3 : i32
      %get3A_163 = arith.index_cast %get3A_162 : i32 to index
      %get3A_164 = arith.index_cast %mul3A_161 : i32 to index
      %get3A_165 = tpu.vector_load %arg6[%get3A_163, %get3A_164] {strides = array<i32>} : memref<8x128xf32, #tpu.memory_space<vmem>>, vector<1x16xf32>,
      %get3A_166 = vector.shape_cast %get3A_165 : vector<1x16xf32> to vector<16xf32>
      %mul3A_167 = arith.constant 2 : i32
      %mul3A_168 = arith.muli %mul3A_167, %scan3A_137 : i32
      %get3A_169 = arith.constant 4 : i32
      %get3A_170 = arith.index_cast %get3A_169 : i32 to index
      %get3A_171 = arith.index_cast %mul3A_168 : i32 to index
      %get3A_172 = tpu.vector_load %arg6[%get3A_170, %get3A_171] {strides = array<i32>} : memref<8x128xf32, #tpu.memory_space<vmem>>, vector<1x16xf32>,
      %get3A_173 = vector.shape_cast %get3A_172 : vector<1x16xf32> to vector<16xf32>
      %mul3A_174 = arith.constant 2 : i32
      %mul3A_175 = arith.muli %mul3A_174, %scan3A_137 : i32
      %get3A_176 = arith.constant 5 : i32
      %get3A_177 = arith.index_cast %get3A_176 : i32 to index
      %get3A_178 = arith.index_cast %mul3A_175 : i32 to index
      %get3A_179 = tpu.vector_load %arg6[%get3A_177, %get3A_178] {strides = array<i32>} : memref<8x128xf32, #tpu.memory_space<vmem>>, vector<1x16xf32>,
      %get3A_180 = vector.shape_cast %get3A_179 : vector<1x16xf32> to vector<16xf32>
      %mul3A_181 = arith.constant 2 : i32
      %mul3A_182 = arith.muli %mul3A_181, %scan3A_137 : i32
      %get3A_183 = arith.constant 6 : i32
      %get3A_184 = arith.index_cast %get3A_183 : i32 to index
      %get3A_185 = arith.index_cast %mul3A_182 : i32 to index
      %get3A_186 = tpu.vector_load %arg6[%get3A_184, %get3A_185] {strides = array<i32>} : memref<8x128xf32, #tpu.memory_space<vmem>>, vector<1x16xf32>,
      %get3A_187 = vector.shape_cast %get3A_186 : vector<1x16xf32> to vector<16xf32>
      %mul3A_188 = arith.constant 2 : i32
      %mul3A_189 = arith.muli %mul3A_188, %scan3A_137 : i32
      %get3A_190 = arith.constant 7 : i32
      %get3A_191 = arith.index_cast %get3A_190 : i32 to index
      %get3A_192 = arith.index_cast %mul3A_189 : i32 to index
      %get3A_193 = tpu.vector_load %arg6[%get3A_191, %get3A_192] {strides = array<i32>} : memref<8x128xf32, #tpu.memory_space<vmem>>, vector<1x16xf32>,
      %get3A_194 = vector.shape_cast %get3A_193 : vector<1x16xf32> to vector<16xf32>
      %mul3A_195 = arith.constant 2 : i32
      %mul3A_196 = arith.muli %mul3A_195, %scan3A_137 : i32
      %add3A_197 = arith.constant 0 : i32
      %add3A_198 = arith.addi %mul3A_196, %add3A_197 : i32
      %ge3A = arith.constant 1 : i32
      %ge3A_199 = arith.cmpi sge, %scan3A_137, %ge3A : i32
      %convert_element_type3A = arith.extui %ge3A_199 : i1 to i32
      %cond3A = arith.constant 0 : i32
      %cond3A_200 = arith.cmpi ne, %convert_element_type3A, %cond3A : i32
      scf.if %cond3A_200 {
        %dma_wait3A_299 = arith.constant 0 : i32
        %dma_wait3A_300 = arith.constant 0 : i32
        %dma_wait3A_301 = arith.constant 0 : i32
        %dma_wait3A_302 = tpu.memref_slice %arg10[%dma_wait3A_299, %dma_wait3A_300, %dma_wait3A_301] : memref<2x8x800xf32, #tpu.memory_space<vmem>> -> memref<1x8x800xf32, #tpu.memory_space<vmem>>
        %dma_wait3A_303 = tpu.memref_squeeze %dma_wait3A_302 : memref<1x8x800xf32, #tpu.memory_space<vmem>> -> memref<8x800xf32, #tpu.memory_space<vmem>>
        %dma_wait3A_304 = arith.constant 0 : i32
        %dma_wait3A_305 = tpu.memref_slice %arg5[%mul3A_2, %add3A_198, %dma_wait3A_304] : memref<256x100x800xf32, #tpu.memory_space<hbm>> -> memref<8x1x800xf32, #tpu.memory_space<hbm>>
        %dma_wait3A_306 = tpu.memref_squeeze %dma_wait3A_305 : memref<8x1x800xf32, #tpu.memory_space<hbm>> -> memref<8x800xf32, #tpu.memory_space<hbm>>
        %dma_wait3A_307 = arith.constant 0 : i32
        %dma_wait3A_308 = tpu.memref_slice %arg5[%mul3A_2, %add3A_198, %dma_wait3A_307] : memref<256x100x800xf32, #tpu.memory_space<hbm>> -> memref<8x1x800xf32, #tpu.memory_space<hbm>>
        %dma_wait3A_309 = tpu.memref_squeeze %dma_wait3A_308 : memref<8x1x800xf32, #tpu.memory_space<hbm>> -> memref<8x800xf32, #tpu.memory_space<hbm>>
        %dma_wait3A_310 = arith.constant 0 : i32
        %dma_wait3A_311 = arith.constant 0 : i32
        %dma_wait3A_312 = tpu.memref_slice %arg10[%dma_wait3A_299, %dma_wait3A_310, %dma_wait3A_311] : memref<2x8x800xf32, #tpu.memory_space<vmem>> -> memref<1x8x800xf32, #tpu.memory_space<vmem>>
        %dma_wait3A_313 = tpu.memref_squeeze %dma_wait3A_312 : memref<1x8x800xf32, #tpu.memory_space<vmem>> -> memref<8x800xf32, #tpu.memory_space<vmem>>
        tpu.wait_dma2 semaphore(%arg11 : memref<!tpu.dma_semaphore, #tpu.memory_space<semaphore_mem>>) src(%dma_wait3A_313 : memref<8x800xf32, #tpu.memory_space<vmem>>) dst(%dma_wait3A_309 : memref<8x800xf32, #tpu.memory_space<hbm>>)
      } else {
      }
      %slice3A = vector.extract_strided_slice %get3A_145 {offsets = [0], sizes = [1], strides = [1]} : vector<16xf32> to vector<1xf32>
      %squeeze3A = vector.extract %slice3A[0] : f32 from vector<1xf32>
      %broadcast_in_dim3A = vector.broadcast %squeeze3A : f32 to vector<16xf32>
      %slice3A_201 = vector.extract_strided_slice %get3A_152 {offsets = [0], sizes = [1], strides = [1]} : vector<16xf32> to vector<1xf32>
      %squeeze3A_202 = vector.extract %slice3A_201[0] : f32 from vector<1xf32>
      %broadcast_in_dim3A_203 = vector.broadcast %squeeze3A_202 : f32 to vector<16xf32>
      %slice3A_204 = vector.extract_strided_slice %get3A_159 {offsets = [0], sizes = [1], strides = [1]} : vector<16xf32> to vector<1xf32>
      %squeeze3A_205 = vector.extract %slice3A_204[0] : f32 from vector<1xf32>
      %broadcast_in_dim3A_206 = vector.broadcast %squeeze3A_205 : f32 to vector<16xf32>
      %slice3A_207 = vector.extract_strided_slice %get3A_166 {offsets = [0], sizes = [1], strides = [1]} : vector<16xf32> to vector<1xf32>
      %squeeze3A_208 = vector.extract %slice3A_207[0] : f32 from vector<1xf32>
      %broadcast_in_dim3A_209 = vector.broadcast %squeeze3A_208 : f32 to vector<16xf32>
      %slice3A_210 = vector.extract_strided_slice %get3A_173 {offsets = [0], sizes = [1], strides = [1]} : vector<16xf32> to vector<1xf32>
      %squeeze3A_211 = vector.extract %slice3A_210[0] : f32 from vector<1xf32>
      %broadcast_in_dim3A_212 = vector.broadcast %squeeze3A_211 : f32 to vector<16xf32>
      %slice3A_213 = vector.extract_strided_slice %get3A_180 {offsets = [0], sizes = [1], strides = [1]} : vector<16xf32> to vector<1xf32>
      %squeeze3A_214 = vector.extract %slice3A_213[0] : f32 from vector<1xf32>
      %broadcast_in_dim3A_215 = vector.broadcast %squeeze3A_214 : f32 to vector<16xf32>
      %slice3A_216 = vector.extract_strided_slice %get3A_187 {offsets = [0], sizes = [1], strides = [1]} : vector<16xf32> to vector<1xf32>
      %squeeze3A_217 = vector.extract %slice3A_216[0] : f32 from vector<1xf32>
      %broadcast_in_dim3A_218 = vector.broadcast %squeeze3A_217 : f32 to vector<16xf32>
      %slice3A_219 = vector.extract_strided_slice %get3A_194 {offsets = [0], sizes = [1], strides = [1]} : vector<16xf32> to vector<1xf32>
      %squeeze3A_220 = vector.extract %slice3A_219[0] : f32 from vector<1xf32>
      %broadcast_in_dim3A_221 = vector.broadcast %squeeze3A_220 : f32 to vector<16xf32>
      %scan3A_222 = arith.constant 0 : i32
      %scan3A_223 = arith.constant 0 : i32
      %scan3A_224 = arith.constant 25 : i32
      %scan3A_225 = arith.addi %scan3A_223, %scan3A_224 : i32
      %scan3A_226 = arith.constant 1 : i32
      %scan3A_227 = scf.for %scan3A_299 = %scan3A_223 to %scan3A_225 step %scan3A_226 iter_args(%scan3A_300 = %scan3A_222) -> (i32)  : i32 {
        %mul3A_301 = arith.constant 2 : i32
        %mul3A_302 = arith.muli %scan3A_299, %mul3A_301 : i32
        %mul3A_303 = arith.constant 16 : i32
        %mul3A_304 = arith.muli %mul3A_302, %mul3A_303 : i32
        %add3A_305 = arith.constant 0 : i32
        %add3A_306 = arith.addi %mul3A_304, %add3A_305 : i32
        %get3A_307 = arith.constant 0 : i32
        %get3A_308 = arith.index_cast %get3A_307 : i32 to index
        %get3A_309 = arith.index_cast %add3A_306 : i32 to index
        %get3A_310 = tpu.vector_load %arg9[%get3A_308, %get3A_309] {strides = array<i32>} : memref<8x896xf32, #tpu.memory_space<vmem>>, vector<1x16xf32>,
        %get3A_311 = vector.shape_cast %get3A_310 : vector<1x16xf32> to vector<16xf32>
        %add3A_312 = arith.addf %get3A_311, %broadcast_in_dim3A : vector<16xf32>
        %swap3A = arith.constant 0 : i32
        %swap3A_313 = arith.constant 0 : i32
        %swap3A_314 = arith.index_cast %swap3A : i32 to index
        %swap3A_315 = arith.index_cast %swap3A_313 : i32 to index
        %swap3A_316 = arith.index_cast %add3A_306 : i32 to index
        %swap3A_317 = tpu.vector_load %arg10[%swap3A_314, %swap3A_315, %swap3A_316] {strides = array<i32>} : memref<2x8x800xf32, #tpu.memory_space<vmem>>, vector<1x1x16xf32>,
        %swap3A_318 = vector.shape_cast %swap3A_317 : vector<1x1x16xf32> to vector<16xf32>
        %swap3A_319 = vector.shape_cast %add3A_312 : vector<16xf32> to vector<1x1x16xf32>
        tpu.vector_store %arg10[%swap3A_314, %swap3A_315, %swap3A_316], %swap3A_319 {strides = array<i32>} : memref<2x8x800xf32, #tpu.memory_space<vmem>>, vector<1x1x16xf32>,
        %mul3A_320 = arith.constant 2 : i32
        %mul3A_321 = arith.muli %scan3A_299, %mul3A_320 : i32
        %mul3A_322 = arith.constant 16 : i32
        %mul3A_323 = arith.muli %mul3A_321, %mul3A_322 : i32
        %add3A_324 = arith.constant 16 : i32
        %add3A_325 = arith.addi %mul3A_323, %add3A_324 : i32
        %get3A_326 = arith.constant 0 : i32
        %get3A_327 = arith.index_cast %get3A_326 : i32 to index
        %get3A_328 = arith.index_cast %add3A_325 : i32 to index
        %get3A_329 = tpu.vector_load %arg9[%get3A_327, %get3A_328] {strides = array<i32>} : memref<8x896xf32, #tpu.memory_space<vmem>>, vector<1x16xf32>,
        %get3A_330 = vector.shape_cast %get3A_329 : vector<1x16xf32> to vector<16xf32>
        %add3A_331 = arith.addf %get3A_330, %broadcast_in_dim3A : vector<16xf32>
        %swap3A_332 = arith.constant 0 : i32
        %swap3A_333 = arith.constant 0 : i32
        %swap3A_334 = arith.index_cast %swap3A_332 : i32 to index
        %swap3A_335 = arith.index_cast %swap3A_333 : i32 to index
        %swap3A_336 = arith.index_cast %add3A_325 : i32 to index
        %swap3A_337 = tpu.vector_load %arg10[%swap3A_334, %swap3A_335, %swap3A_336] {strides = array<i32>} : memref<2x8x800xf32, #tpu.memory_space<vmem>>, vector<1x1x16xf32>,
        %swap3A_338 = vector.shape_cast %swap3A_337 : vector<1x1x16xf32> to vector<16xf32>
        %swap3A_339 = vector.shape_cast %add3A_331 : vector<16xf32> to vector<1x1x16xf32>
        tpu.vector_store %arg10[%swap3A_334, %swap3A_335, %swap3A_336], %swap3A_339 {strides = array<i32>} : memref<2x8x800xf32, #tpu.memory_space<vmem>>, vector<1x1x16xf32>,
        %mul3A_340 = arith.constant 2 : i32
        %mul3A_341 = arith.muli %scan3A_299, %mul3A_340 : i32
        %mul3A_342 = arith.constant 16 : i32
        %mul3A_343 = arith.muli %mul3A_341, %mul3A_342 : i32
        %add3A_344 = arith.constant 0 : i32
        %add3A_345 = arith.addi %mul3A_343, %add3A_344 : i32
        %get3A_346 = arith.constant 1 : i32
        %get3A_347 = arith.index_cast %get3A_346 : i32 to index
        %get3A_348 = arith.index_cast %add3A_345 : i32 to index
        %get3A_349 = tpu.vector_load %arg9[%get3A_347, %get3A_348] {strides = array<i32>} : memref<8x896xf32, #tpu.memory_space<vmem>>, vector<1x16xf32>,
        %get3A_350 = vector.shape_cast %get3A_349 : vector<1x16xf32> to vector<16xf32>
        %add3A_351 = arith.addf %get3A_350, %broadcast_in_dim3A_203 : vector<16xf32>
        %swap3A_352 = arith.constant 0 : i32
        %swap3A_353 = arith.constant 1 : i32
        %swap3A_354 = arith.index_cast %swap3A_352 : i32 to index
        %swap3A_355 = arith.index_cast %swap3A_353 : i32 to index
        %swap3A_356 = arith.index_cast %add3A_345 : i32 to index
        %swap3A_357 = tpu.vector_load %arg10[%swap3A_354, %swap3A_355, %swap3A_356] {strides = array<i32>} : memref<2x8x800xf32, #tpu.memory_space<vmem>>, vector<1x1x16xf32>,
        %swap3A_358 = vector.shape_cast %swap3A_357 : vector<1x1x16xf32> to vector<16xf32>
        %swap3A_359 = vector.shape_cast %add3A_351 : vector<16xf32> to vector<1x1x16xf32>
        tpu.vector_store %arg10[%swap3A_354, %swap3A_355, %swap3A_356], %swap3A_359 {strides = array<i32>} : memref<2x8x800xf32, #tpu.memory_space<vmem>>, vector<1x1x16xf32>,
        %mul3A_360 = arith.constant 2 : i32
        %mul3A_361 = arith.muli %scan3A_299, %mul3A_360 : i32
        %mul3A_362 = arith.constant 16 : i32
        %mul3A_363 = arith.muli %mul3A_361, %mul3A_362 : i32
        %add3A_364 = arith.constant 16 : i32
        %add3A_365 = arith.addi %mul3A_363, %add3A_364 : i32
        %get3A_366 = arith.constant 1 : i32
        %get3A_367 = arith.index_cast %get3A_366 : i32 to index
        %get3A_368 = arith.index_cast %add3A_365 : i32 to index
        %get3A_369 = tpu.vector_load %arg9[%get3A_367, %get3A_368] {strides = array<i32>} : memref<8x896xf32, #tpu.memory_space<vmem>>, vector<1x16xf32>,
        %get3A_370 = vector.shape_cast %get3A_369 : vector<1x16xf32> to vector<16xf32>
        %add3A_371 = arith.addf %get3A_370, %broadcast_in_dim3A_203 : vector<16xf32>
        %swap3A_372 = arith.constant 0 : i32
        %swap3A_373 = arith.constant 1 : i32
        %swap3A_374 = arith.index_cast %swap3A_372 : i32 to index
        %swap3A_375 = arith.index_cast %swap3A_373 : i32 to index
        %swap3A_376 = arith.index_cast %add3A_365 : i32 to index
        %swap3A_377 = tpu.vector_load %arg10[%swap3A_374, %swap3A_375, %swap3A_376] {strides = array<i32>} : memref<2x8x800xf32, #tpu.memory_space<vmem>>, vector<1x1x16xf32>,
        %swap3A_378 = vector.shape_cast %swap3A_377 : vector<1x1x16xf32> to vector<16xf32>
        %swap3A_379 = vector.shape_cast %add3A_371 : vector<16xf32> to vector<1x1x16xf32>
        tpu.vector_store %arg10[%swap3A_374, %swap3A_375, %swap3A_376], %swap3A_379 {strides = array<i32>} : memref<2x8x800xf32, #tpu.memory_space<vmem>>, vector<1x1x16xf32>,
        %mul3A_380 = arith.constant 2 : i32
        %mul3A_381 = arith.muli %scan3A_299, %mul3A_380 : i32
        %mul3A_382 = arith.constant 16 : i32
        %mul3A_383 = arith.muli %mul3A_381, %mul3A_382 : i32
        %add3A_384 = arith.constant 0 : i32
        %add3A_385 = arith.addi %mul3A_383, %add3A_384 : i32
        %get3A_386 = arith.constant 2 : i32
        %get3A_387 = arith.index_cast %get3A_386 : i32 to index
        %get3A_388 = arith.index_cast %add3A_385 : i32 to index
        %get3A_389 = tpu.vector_load %arg9[%get3A_387, %get3A_388] {strides = array<i32>} : memref<8x896xf32, #tpu.memory_space<vmem>>, vector<1x16xf32>,
        %get3A_390 = vector.shape_cast %get3A_389 : vector<1x16xf32> to vector<16xf32>
        %add3A_391 = arith.addf %get3A_390, %broadcast_in_dim3A_206 : vector<16xf32>
        %swap3A_392 = arith.constant 0 : i32
        %swap3A_393 = arith.constant 2 : i32
        %swap3A_394 = arith.index_cast %swap3A_392 : i32 to index
        %swap3A_395 = arith.index_cast %swap3A_393 : i32 to index
        %swap3A_396 = arith.index_cast %add3A_385 : i32 to index
        %swap3A_397 = tpu.vector_load %arg10[%swap3A_394, %swap3A_395, %swap3A_396] {strides = array<i32>} : memref<2x8x800xf32, #tpu.memory_space<vmem>>, vector<1x1x16xf32>,
        %swap3A_398 = vector.shape_cast %swap3A_397 : vector<1x1x16xf32> to vector<16xf32>
        %swap3A_399 = vector.shape_cast %add3A_391 : vector<16xf32> to vector<1x1x16xf32>
        tpu.vector_store %arg10[%swap3A_394, %swap3A_395, %swap3A_396], %swap3A_399 {strides = array<i32>} : memref<2x8x800xf32, #tpu.memory_space<vmem>>, vector<1x1x16xf32>,
        %mul3A_400 = arith.constant 2 : i32
        %mul3A_401 = arith.muli %scan3A_299, %mul3A_400 : i32
        %mul3A_402 = arith.constant 16 : i32
        %mul3A_403 = arith.muli %mul3A_401, %mul3A_402 : i32
        %add3A_404 = arith.constant 16 : i32
        %add3A_405 = arith.addi %mul3A_403, %add3A_404 : i32
        %get3A_406 = arith.constant 2 : i32
        %get3A_407 = arith.index_cast %get3A_406 : i32 to index
        %get3A_408 = arith.index_cast %add3A_405 : i32 to index
        %get3A_409 = tpu.vector_load %arg9[%get3A_407, %get3A_408] {strides = array<i32>} : memref<8x896xf32, #tpu.memory_space<vmem>>, vector<1x16xf32>,
        %get3A_410 = vector.shape_cast %get3A_409 : vector<1x16xf32> to vector<16xf32>
        %add3A_411 = arith.addf %get3A_410, %broadcast_in_dim3A_206 : vector<16xf32>
        %swap3A_412 = arith.constant 0 : i32
        %swap3A_413 = arith.constant 2 : i32
        %swap3A_414 = arith.index_cast %swap3A_412 : i32 to index
        %swap3A_415 = arith.index_cast %swap3A_413 : i32 to index
        %swap3A_416 = arith.index_cast %add3A_405 : i32 to index
        %swap3A_417 = tpu.vector_load %arg10[%swap3A_414, %swap3A_415, %swap3A_416] {strides = array<i32>} : memref<2x8x800xf32, #tpu.memory_space<vmem>>, vector<1x1x16xf32>,
        %swap3A_418 = vector.shape_cast %swap3A_417 : vector<1x1x16xf32> to vector<16xf32>
        %swap3A_419 = vector.shape_cast %add3A_411 : vector<16xf32> to vector<1x1x16xf32>
        tpu.vector_store %arg10[%swap3A_414, %swap3A_415, %swap3A_416], %swap3A_419 {strides = array<i32>} : memref<2x8x800xf32, #tpu.memory_space<vmem>>, vector<1x1x16xf32>,
        %mul3A_420 = arith.constant 2 : i32
        %mul3A_421 = arith.muli %scan3A_299, %mul3A_420 : i32
        %mul3A_422 = arith.constant 16 : i32
        %mul3A_423 = arith.muli %mul3A_421, %mul3A_422 : i32
        %add3A_424 = arith.constant 0 : i32
        %add3A_425 = arith.addi %mul3A_423, %add3A_424 : i32
        %get3A_426 = arith.constant 3 : i32
        %get3A_427 = arith.index_cast %get3A_426 : i32 to index
        %get3A_428 = arith.index_cast %add3A_425 : i32 to index
        %get3A_429 = tpu.vector_load %arg9[%get3A_427, %get3A_428] {strides = array<i32>} : memref<8x896xf32, #tpu.memory_space<vmem>>, vector<1x16xf32>,
        %get3A_430 = vector.shape_cast %get3A_429 : vector<1x16xf32> to vector<16xf32>
        %add3A_431 = arith.addf %get3A_430, %broadcast_in_dim3A_209 : vector<16xf32>
        %swap3A_432 = arith.constant 0 : i32
        %swap3A_433 = arith.constant 3 : i32
        %swap3A_434 = arith.index_cast %swap3A_432 : i32 to index
        %swap3A_435 = arith.index_cast %swap3A_433 : i32 to index
        %swap3A_436 = arith.index_cast %add3A_425 : i32 to index
        %swap3A_437 = tpu.vector_load %arg10[%swap3A_434, %swap3A_435, %swap3A_436] {strides = array<i32>} : memref<2x8x800xf32, #tpu.memory_space<vmem>>, vector<1x1x16xf32>,
        %swap3A_438 = vector.shape_cast %swap3A_437 : vector<1x1x16xf32> to vector<16xf32>
        %swap3A_439 = vector.shape_cast %add3A_431 : vector<16xf32> to vector<1x1x16xf32>
        tpu.vector_store %arg10[%swap3A_434, %swap3A_435, %swap3A_436], %swap3A_439 {strides = array<i32>} : memref<2x8x800xf32, #tpu.memory_space<vmem>>, vector<1x1x16xf32>,
        %mul3A_440 = arith.constant 2 : i32
        %mul3A_441 = arith.muli %scan3A_299, %mul3A_440 : i32
        %mul3A_442 = arith.constant 16 : i32
        %mul3A_443 = arith.muli %mul3A_441, %mul3A_442 : i32
        %add3A_444 = arith.constant 16 : i32
        %add3A_445 = arith.addi %mul3A_443, %add3A_444 : i32
        %get3A_446 = arith.constant 3 : i32
        %get3A_447 = arith.index_cast %get3A_446 : i32 to index
        %get3A_448 = arith.index_cast %add3A_445 : i32 to index
        %get3A_449 = tpu.vector_load %arg9[%get3A_447, %get3A_448] {strides = array<i32>} : memref<8x896xf32, #tpu.memory_space<vmem>>, vector<1x16xf32>,
        %get3A_450 = vector.shape_cast %get3A_449 : vector<1x16xf32> to vector<16xf32>
        %add3A_451 = arith.addf %get3A_450, %broadcast_in_dim3A_209 : vector<16xf32>
        %swap3A_452 = arith.constant 0 : i32
        %swap3A_453 = arith.constant 3 : i32
        %swap3A_454 = arith.index_cast %swap3A_452 : i32 to index
        %swap3A_455 = arith.index_cast %swap3A_453 : i32 to index
        %swap3A_456 = arith.index_cast %add3A_445 : i32 to index
        %swap3A_457 = tpu.vector_load %arg10[%swap3A_454, %swap3A_455, %swap3A_456] {strides = array<i32>} : memref<2x8x800xf32, #tpu.memory_space<vmem>>, vector<1x1x16xf32>,
        %swap3A_458 = vector.shape_cast %swap3A_457 : vector<1x1x16xf32> to vector<16xf32>
        %swap3A_459 = vector.shape_cast %add3A_451 : vector<16xf32> to vector<1x1x16xf32>
        tpu.vector_store %arg10[%swap3A_454, %swap3A_455, %swap3A_456], %swap3A_459 {strides = array<i32>} : memref<2x8x800xf32, #tpu.memory_space<vmem>>, vector<1x1x16xf32>,
        %mul3A_460 = arith.constant 2 : i32
        %mul3A_461 = arith.muli %scan3A_299, %mul3A_460 : i32
        %mul3A_462 = arith.constant 16 : i32
        %mul3A_463 = arith.muli %mul3A_461, %mul3A_462 : i32
        %add3A_464 = arith.constant 0 : i32
        %add3A_465 = arith.addi %mul3A_463, %add3A_464 : i32
        %get3A_466 = arith.constant 4 : i32
        %get3A_467 = arith.index_cast %get3A_466 : i32 to index
        %get3A_468 = arith.index_cast %add3A_465 : i32 to index
        %get3A_469 = tpu.vector_load %arg9[%get3A_467, %get3A_468] {strides = array<i32>} : memref<8x896xf32, #tpu.memory_space<vmem>>, vector<1x16xf32>,
        %get3A_470 = vector.shape_cast %get3A_469 : vector<1x16xf32> to vector<16xf32>
        %add3A_471 = arith.addf %get3A_470, %broadcast_in_dim3A_212 : vector<16xf32>
        %swap3A_472 = arith.constant 0 : i32
        %swap3A_473 = arith.constant 4 : i32
        %swap3A_474 = arith.index_cast %swap3A_472 : i32 to index
        %swap3A_475 = arith.index_cast %swap3A_473 : i32 to index
        %swap3A_476 = arith.index_cast %add3A_465 : i32 to index
        %swap3A_477 = tpu.vector_load %arg10[%swap3A_474, %swap3A_475, %swap3A_476] {strides = array<i32>} : memref<2x8x800xf32, #tpu.memory_space<vmem>>, vector<1x1x16xf32>,
        %swap3A_478 = vector.shape_cast %swap3A_477 : vector<1x1x16xf32> to vector<16xf32>
        %swap3A_479 = vector.shape_cast %add3A_471 : vector<16xf32> to vector<1x1x16xf32>
        tpu.vector_store %arg10[%swap3A_474, %swap3A_475, %swap3A_476], %swap3A_479 {strides = array<i32>} : memref<2x8x800xf32, #tpu.memory_space<vmem>>, vector<1x1x16xf32>,
        %mul3A_480 = arith.constant 2 : i32
        %mul3A_481 = arith.muli %scan3A_299, %mul3A_480 : i32
        %mul3A_482 = arith.constant 16 : i32
        %mul3A_483 = arith.muli %mul3A_481, %mul3A_482 : i32
        %add3A_484 = arith.constant 16 : i32
        %add3A_485 = arith.addi %mul3A_483, %add3A_484 : i32
        %get3A_486 = arith.constant 4 : i32
        %get3A_487 = arith.index_cast %get3A_486 : i32 to index
        %get3A_488 = arith.index_cast %add3A_485 : i32 to index
        %get3A_489 = tpu.vector_load %arg9[%get3A_487, %get3A_488] {strides = array<i32>} : memref<8x896xf32, #tpu.memory_space<vmem>>, vector<1x16xf32>,
        %get3A_490 = vector.shape_cast %get3A_489 : vector<1x16xf32> to vector<16xf32>
        %add3A_491 = arith.addf %get3A_490, %broadcast_in_dim3A_212 : vector<16xf32>
        %swap3A_492 = arith.constant 0 : i32
        %swap3A_493 = arith.constant 4 : i32
        %swap3A_494 = arith.index_cast %swap3A_492 : i32 to index
        %swap3A_495 = arith.index_cast %swap3A_493 : i32 to index
        %swap3A_496 = arith.index_cast %add3A_485 : i32 to index
        %swap3A_497 = tpu.vector_load %arg10[%swap3A_494, %swap3A_495, %swap3A_496] {strides = array<i32>} : memref<2x8x800xf32, #tpu.memory_space<vmem>>, vector<1x1x16xf32>,
        %swap3A_498 = vector.shape_cast %swap3A_497 : vector<1x1x16xf32> to vector<16xf32>
        %swap3A_499 = vector.shape_cast %add3A_491 : vector<16xf32> to vector<1x1x16xf32>
        tpu.vector_store %arg10[%swap3A_494, %swap3A_495, %swap3A_496], %swap3A_499 {strides = array<i32>} : memref<2x8x800xf32, #tpu.memory_space<vmem>>, vector<1x1x16xf32>,
        %mul3A_500 = arith.constant 2 : i32
        %mul3A_501 = arith.muli %scan3A_299, %mul3A_500 : i32
        %mul3A_502 = arith.constant 16 : i32
        %mul3A_503 = arith.muli %mul3A_501, %mul3A_502 : i32
        %add3A_504 = arith.constant 0 : i32
        %add3A_505 = arith.addi %mul3A_503, %add3A_504 : i32
        %get3A_506 = arith.constant 5 : i32
        %get3A_507 = arith.index_cast %get3A_506 : i32 to index
        %get3A_508 = arith.index_cast %add3A_505 : i32 to index
        %get3A_509 = tpu.vector_load %arg9[%get3A_507, %get3A_508] {strides = array<i32>} : memref<8x896xf32, #tpu.memory_space<vmem>>, vector<1x16xf32>,
        %get3A_510 = vector.shape_cast %get3A_509 : vector<1x16xf32> to vector<16xf32>
        %add3A_511 = arith.addf %get3A_510, %broadcast_in_dim3A_215 : vector<16xf32>
        %swap3A_512 = arith.constant 0 : i32
        %swap3A_513 = arith.constant 5 : i32
        %swap3A_514 = arith.index_cast %swap3A_512 : i32 to index
        %swap3A_515 = arith.index_cast %swap3A_513 : i32 to index
        %swap3A_516 = arith.index_cast %add3A_505 : i32 to index
        %swap3A_517 = tpu.vector_load %arg10[%swap3A_514, %swap3A_515, %swap3A_516] {strides = array<i32>} : memref<2x8x800xf32, #tpu.memory_space<vmem>>, vector<1x1x16xf32>,
        %swap3A_518 = vector.shape_cast %swap3A_517 : vector<1x1x16xf32> to vector<16xf32>
        %swap3A_519 = vector.shape_cast %add3A_511 : vector<16xf32> to vector<1x1x16xf32>
        tpu.vector_store %arg10[%swap3A_514, %swap3A_515, %swap3A_516], %swap3A_519 {strides = array<i32>} : memref<2x8x800xf32, #tpu.memory_space<vmem>>, vector<1x1x16xf32>,
        %mul3A_520 = arith.constant 2 : i32
        %mul3A_521 = arith.muli %scan3A_299, %mul3A_520 : i32
        %mul3A_522 = arith.constant 16 : i32
        %mul3A_523 = arith.muli %mul3A_521, %mul3A_522 : i32
        %add3A_524 = arith.constant 16 : i32
        %add3A_525 = arith.addi %mul3A_523, %add3A_524 : i32
        %get3A_526 = arith.constant 5 : i32
        %get3A_527 = arith.index_cast %get3A_526 : i32 to index
        %get3A_528 = arith.index_cast %add3A_525 : i32 to index
        %get3A_529 = tpu.vector_load %arg9[%get3A_527, %get3A_528] {strides = array<i32>} : memref<8x896xf32, #tpu.memory_space<vmem>>, vector<1x16xf32>,
        %get3A_530 = vector.shape_cast %get3A_529 : vector<1x16xf32> to vector<16xf32>
        %add3A_531 = arith.addf %get3A_530, %broadcast_in_dim3A_215 : vector<16xf32>
        %swap3A_532 = arith.constant 0 : i32
        %swap3A_533 = arith.constant 5 : i32
        %swap3A_534 = arith.index_cast %swap3A_532 : i32 to index
        %swap3A_535 = arith.index_cast %swap3A_533 : i32 to index
        %swap3A_536 = arith.index_cast %add3A_525 : i32 to index
        %swap3A_537 = tpu.vector_load %arg10[%swap3A_534, %swap3A_535, %swap3A_536] {strides = array<i32>} : memref<2x8x800xf32, #tpu.memory_space<vmem>>, vector<1x1x16xf32>,
        %swap3A_538 = vector.shape_cast %swap3A_537 : vector<1x1x16xf32> to vector<16xf32>
        %swap3A_539 = vector.shape_cast %add3A_531 : vector<16xf32> to vector<1x1x16xf32>
        tpu.vector_store %arg10[%swap3A_534, %swap3A_535, %swap3A_536], %swap3A_539 {strides = array<i32>} : memref<2x8x800xf32, #tpu.memory_space<vmem>>, vector<1x1x16xf32>,
        %mul3A_540 = arith.constant 2 : i32
        %mul3A_541 = arith.muli %scan3A_299, %mul3A_540 : i32
        %mul3A_542 = arith.constant 16 : i32
        %mul3A_543 = arith.muli %mul3A_541, %mul3A_542 : i32
        %add3A_544 = arith.constant 0 : i32
        %add3A_545 = arith.addi %mul3A_543, %add3A_544 : i32
        %get3A_546 = arith.constant 6 : i32
        %get3A_547 = arith.index_cast %get3A_546 : i32 to index
        %get3A_548 = arith.index_cast %add3A_545 : i32 to index
        %get3A_549 = tpu.vector_load %arg9[%get3A_547, %get3A_548] {strides = array<i32>} : memref<8x896xf32, #tpu.memory_space<vmem>>, vector<1x16xf32>,
        %get3A_550 = vector.shape_cast %get3A_549 : vector<1x16xf32> to vector<16xf32>
        %add3A_551 = arith.addf %get3A_550, %broadcast_in_dim3A_218 : vector<16xf32>
        %swap3A_552 = arith.constant 0 : i32
        %swap3A_553 = arith.constant 6 : i32
        %swap3A_554 = arith.index_cast %swap3A_552 : i32 to index
        %swap3A_555 = arith.index_cast %swap3A_553 : i32 to index
        %swap3A_556 = arith.index_cast %add3A_545 : i32 to index
        %swap3A_557 = tpu.vector_load %arg10[%swap3A_554, %swap3A_555, %swap3A_556] {strides = array<i32>} : memref<2x8x800xf32, #tpu.memory_space<vmem>>, vector<1x1x16xf32>,
        %swap3A_558 = vector.shape_cast %swap3A_557 : vector<1x1x16xf32> to vector<16xf32>
        %swap3A_559 = vector.shape_cast %add3A_551 : vector<16xf32> to vector<1x1x16xf32>
        tpu.vector_store %arg10[%swap3A_554, %swap3A_555, %swap3A_556], %swap3A_559 {strides = array<i32>} : memref<2x8x800xf32, #tpu.memory_space<vmem>>, vector<1x1x16xf32>,
        %mul3A_560 = arith.constant 2 : i32
        %mul3A_561 = arith.muli %scan3A_299, %mul3A_560 : i32
        %mul3A_562 = arith.constant 16 : i32
        %mul3A_563 = arith.muli %mul3A_561, %mul3A_562 : i32
        %add3A_564 = arith.constant 16 : i32
        %add3A_565 = arith.addi %mul3A_563, %add3A_564 : i32
        %get3A_566 = arith.constant 6 : i32
        %get3A_567 = arith.index_cast %get3A_566 : i32 to index
        %get3A_568 = arith.index_cast %add3A_565 : i32 to index
        %get3A_569 = tpu.vector_load %arg9[%get3A_567, %get3A_568] {strides = array<i32>} : memref<8x896xf32, #tpu.memory_space<vmem>>, vector<1x16xf32>,
        %get3A_570 = vector.shape_cast %get3A_569 : vector<1x16xf32> to vector<16xf32>
        %add3A_571 = arith.addf %get3A_570, %broadcast_in_dim3A_218 : vector<16xf32>
        %swap3A_572 = arith.constant 0 : i32
        %swap3A_573 = arith.constant 6 : i32
        %swap3A_574 = arith.index_cast %swap3A_572 : i32 to index
        %swap3A_575 = arith.index_cast %swap3A_573 : i32 to index
        %swap3A_576 = arith.index_cast %add3A_565 : i32 to index
        %swap3A_577 = tpu.vector_load %arg10[%swap3A_574, %swap3A_575, %swap3A_576] {strides = array<i32>} : memref<2x8x800xf32, #tpu.memory_space<vmem>>, vector<1x1x16xf32>,
        %swap3A_578 = vector.shape_cast %swap3A_577 : vector<1x1x16xf32> to vector<16xf32>
        %swap3A_579 = vector.shape_cast %add3A_571 : vector<16xf32> to vector<1x1x16xf32>
        tpu.vector_store %arg10[%swap3A_574, %swap3A_575, %swap3A_576], %swap3A_579 {strides = array<i32>} : memref<2x8x800xf32, #tpu.memory_space<vmem>>, vector<1x1x16xf32>,
        %mul3A_580 = arith.constant 2 : i32
        %mul3A_581 = arith.muli %scan3A_299, %mul3A_580 : i32
        %mul3A_582 = arith.constant 16 : i32
        %mul3A_583 = arith.muli %mul3A_581, %mul3A_582 : i32
        %add3A_584 = arith.constant 0 : i32
        %add3A_585 = arith.addi %mul3A_583, %add3A_584 : i32
        %get3A_586 = arith.constant 7 : i32
        %get3A_587 = arith.index_cast %get3A_586 : i32 to index
        %get3A_588 = arith.index_cast %add3A_585 : i32 to index
        %get3A_589 = tpu.vector_load %arg9[%get3A_587, %get3A_588] {strides = array<i32>} : memref<8x896xf32, #tpu.memory_space<vmem>>, vector<1x16xf32>,
        %get3A_590 = vector.shape_cast %get3A_589 : vector<1x16xf32> to vector<16xf32>
        %add3A_591 = arith.addf %get3A_590, %broadcast_in_dim3A_221 : vector<16xf32>
        %swap3A_592 = arith.constant 0 : i32
        %swap3A_593 = arith.constant 7 : i32
        %swap3A_594 = arith.index_cast %swap3A_592 : i32 to index
        %swap3A_595 = arith.index_cast %swap3A_593 : i32 to index
        %swap3A_596 = arith.index_cast %add3A_585 : i32 to index
        %swap3A_597 = tpu.vector_load %arg10[%swap3A_594, %swap3A_595, %swap3A_596] {strides = array<i32>} : memref<2x8x800xf32, #tpu.memory_space<vmem>>, vector<1x1x16xf32>,
        %swap3A_598 = vector.shape_cast %swap3A_597 : vector<1x1x16xf32> to vector<16xf32>
        %swap3A_599 = vector.shape_cast %add3A_591 : vector<16xf32> to vector<1x1x16xf32>
        tpu.vector_store %arg10[%swap3A_594, %swap3A_595, %swap3A_596], %swap3A_599 {strides = array<i32>} : memref<2x8x800xf32, #tpu.memory_space<vmem>>, vector<1x1x16xf32>,
        %mul3A_600 = arith.constant 2 : i32
        %mul3A_601 = arith.muli %scan3A_299, %mul3A_600 : i32
        %mul3A_602 = arith.constant 16 : i32
        %mul3A_603 = arith.muli %mul3A_601, %mul3A_602 : i32
        %add3A_604 = arith.constant 16 : i32
        %add3A_605 = arith.addi %mul3A_603, %add3A_604 : i32
        %get3A_606 = arith.constant 7 : i32
        %get3A_607 = arith.index_cast %get3A_606 : i32 to index
        %get3A_608 = arith.index_cast %add3A_605 : i32 to index
        %get3A_609 = tpu.vector_load %arg9[%get3A_607, %get3A_608] {strides = array<i32>} : memref<8x896xf32, #tpu.memory_space<vmem>>, vector<1x16xf32>,
        %get3A_610 = vector.shape_cast %get3A_609 : vector<1x16xf32> to vector<16xf32>
        %add3A_611 = arith.addf %get3A_610, %broadcast_in_dim3A_221 : vector<16xf32>
        %swap3A_612 = arith.constant 0 : i32
        %swap3A_613 = arith.constant 7 : i32
        %swap3A_614 = arith.index_cast %swap3A_612 : i32 to index
        %swap3A_615 = arith.index_cast %swap3A_613 : i32 to index
        %swap3A_616 = arith.index_cast %add3A_605 : i32 to index
        %swap3A_617 = tpu.vector_load %arg10[%swap3A_614, %swap3A_615, %swap3A_616] {strides = array<i32>} : memref<2x8x800xf32, #tpu.memory_space<vmem>>, vector<1x1x16xf32>,
        %swap3A_618 = vector.shape_cast %swap3A_617 : vector<1x1x16xf32> to vector<16xf32>
        %swap3A_619 = vector.shape_cast %add3A_611 : vector<16xf32> to vector<1x1x16xf32>
        tpu.vector_store %arg10[%swap3A_614, %swap3A_615, %swap3A_616], %swap3A_619 {strides = array<i32>} : memref<2x8x800xf32, #tpu.memory_space<vmem>>, vector<1x1x16xf32>,
        %scan3A_620 = arith.constant 0 : i32
        scf.yield %scan3A_620 : i32
      }
      %scan3A_228 = arith.constant 25 : i32
      %dma_start3A = arith.constant 0 : i32
      %dma_start3A_229 = arith.constant 0 : i32
      %dma_start3A_230 = arith.constant 0 : i32
      %dma_start3A_231 = tpu.memref_slice %arg10[%dma_start3A, %dma_start3A_229, %dma_start3A_230] : memref<2x8x800xf32, #tpu.memory_space<vmem>> -> memref<1x8x800xf32, #tpu.memory_space<vmem>>
      %dma_start3A_232 = tpu.memref_squeeze %dma_start3A_231 : memref<1x8x800xf32, #tpu.memory_space<vmem>> -> memref<8x800xf32, #tpu.memory_space<vmem>>
      %dma_start3A_233 = arith.constant 0 : i32
      %dma_start3A_234 = tpu.memref_slice %arg5[%mul3A_2, %add3A_198, %dma_start3A_233] : memref<256x100x800xf32, #tpu.memory_space<hbm>> -> memref<8x1x800xf32, #tpu.memory_space<hbm>>
      %dma_start3A_235 = tpu.memref_squeeze %dma_start3A_234 : memref<8x1x800xf32, #tpu.memory_space<hbm>> -> memref<8x800xf32, #tpu.memory_space<hbm>>
      %dma_start3A_236 = arith.constant 0 : i32
      %dma_start3A_237 = tpu.memref_slice %arg5[%mul3A_2, %add3A_198, %dma_start3A_236] : memref<256x100x800xf32, #tpu.memory_space<hbm>> -> memref<8x1x800xf32, #tpu.memory_space<hbm>>
      %dma_start3A_238 = tpu.memref_squeeze %dma_start3A_237 : memref<8x1x800xf32, #tpu.memory_space<hbm>> -> memref<8x800xf32, #tpu.memory_space<hbm>>
      %dma_start3A_239 = arith.constant 0 : i32
      %dma_start3A_240 = arith.constant 0 : i32
      %dma_start3A_241 = tpu.memref_slice %arg10[%dma_start3A, %dma_start3A_239, %dma_start3A_240] : memref<2x8x800xf32, #tpu.memory_space<vmem>> -> memref<1x8x800xf32, #tpu.memory_space<vmem>>
      %dma_start3A_242 = tpu.memref_squeeze %dma_start3A_241 : memref<1x8x800xf32, #tpu.memory_space<vmem>> -> memref<8x800xf32, #tpu.memory_space<vmem>>
      tpu.enqueue_dma source(%dma_start3A_242 : memref<8x800xf32, #tpu.memory_space<vmem>>) target(%dma_start3A_238 : memref<8x800xf32, #tpu.memory_space<hbm>>) target_semaphore(%arg11 : memref<!tpu.dma_semaphore, #tpu.memory_space<semaphore_mem>>)
      %mul3A_243 = arith.constant 2 : i32
      %mul3A_244 = arith.muli %mul3A_243, %scan3A_137 : i32
      %add3A_245 = arith.constant 1 : i32
      %add3A_246 = arith.addi %mul3A_244, %add3A_245 : i32
      %ge3A_247 = arith.constant 1 : i32
      %ge3A_248 = arith.cmpi sge, %scan3A_137, %ge3A_247 : i32
      %convert_element_type3A_249 = arith.extui %ge3A_248 : i1 to i32
      %cond3A_250 = arith.constant 0 : i32
      %cond3A_251 = arith.cmpi ne, %convert_element_type3A_249, %cond3A_250 : i32
      scf.if %cond3A_251 {
        %dma_wait3A_299 = arith.constant 1 : i32
        %dma_wait3A_300 = arith.constant 0 : i32
        %dma_wait3A_301 = arith.constant 0 : i32
        %dma_wait3A_302 = tpu.memref_slice %arg10[%dma_wait3A_299, %dma_wait3A_300, %dma_wait3A_301] : memref<2x8x800xf32, #tpu.memory_space<vmem>> -> memref<1x8x800xf32, #tpu.memory_space<vmem>>
        %dma_wait3A_303 = tpu.memref_squeeze %dma_wait3A_302 : memref<1x8x800xf32, #tpu.memory_space<vmem>> -> memref<8x800xf32, #tpu.memory_space<vmem>>
        %dma_wait3A_304 = arith.constant 0 : i32
        %dma_wait3A_305 = tpu.memref_slice %arg5[%mul3A_2, %add3A_246, %dma_wait3A_304] : memref<256x100x800xf32, #tpu.memory_space<hbm>> -> memref<8x1x800xf32, #tpu.memory_space<hbm>>
        %dma_wait3A_306 = tpu.memref_squeeze %dma_wait3A_305 : memref<8x1x800xf32, #tpu.memory_space<hbm>> -> memref<8x800xf32, #tpu.memory_space<hbm>>
        %dma_wait3A_307 = arith.constant 0 : i32
        %dma_wait3A_308 = tpu.memref_slice %arg5[%mul3A_2, %add3A_246, %dma_wait3A_307] : memref<256x100x800xf32, #tpu.memory_space<hbm>> -> memref<8x1x800xf32, #tpu.memory_space<hbm>>
        %dma_wait3A_309 = tpu.memref_squeeze %dma_wait3A_308 : memref<8x1x800xf32, #tpu.memory_space<hbm>> -> memref<8x800xf32, #tpu.memory_space<hbm>>
        %dma_wait3A_310 = arith.constant 0 : i32
        %dma_wait3A_311 = arith.constant 0 : i32
        %dma_wait3A_312 = tpu.memref_slice %arg10[%dma_wait3A_299, %dma_wait3A_310, %dma_wait3A_311] : memref<2x8x800xf32, #tpu.memory_space<vmem>> -> memref<1x8x800xf32, #tpu.memory_space<vmem>>
        %dma_wait3A_313 = tpu.memref_squeeze %dma_wait3A_312 : memref<1x8x800xf32, #tpu.memory_space<vmem>> -> memref<8x800xf32, #tpu.memory_space<vmem>>
        tpu.wait_dma2 semaphore(%arg12 : memref<!tpu.dma_semaphore, #tpu.memory_space<semaphore_mem>>) src(%dma_wait3A_313 : memref<8x800xf32, #tpu.memory_space<vmem>>) dst(%dma_wait3A_309 : memref<8x800xf32, #tpu.memory_space<hbm>>)
      } else {
      }
      %slice3A_252 = vector.extract_strided_slice %get3A_145 {offsets = [1], sizes = [1], strides = [1]} : vector<16xf32> to vector<1xf32>
      %squeeze3A_253 = vector.extract %slice3A_252[0] : f32 from vector<1xf32>
      %broadcast_in_dim3A_254 = vector.broadcast %squeeze3A_253 : f32 to vector<16xf32>
      %slice3A_255 = vector.extract_strided_slice %get3A_152 {offsets = [1], sizes = [1], strides = [1]} : vector<16xf32> to vector<1xf32>
      %squeeze3A_256 = vector.extract %slice3A_255[0] : f32 from vector<1xf32>
      %broadcast_in_dim3A_257 = vector.broadcast %squeeze3A_256 : f32 to vector<16xf32>
      %slice3A_258 = vector.extract_strided_slice %get3A_159 {offsets = [1], sizes = [1], strides = [1]} : vector<16xf32> to vector<1xf32>
      %squeeze3A_259 = vector.extract %slice3A_258[0] : f32 from vector<1xf32>
      %broadcast_in_dim3A_260 = vector.broadcast %squeeze3A_259 : f32 to vector<16xf32>
      %slice3A_261 = vector.extract_strided_slice %get3A_166 {offsets = [1], sizes = [1], strides = [1]} : vector<16xf32> to vector<1xf32>
      %squeeze3A_262 = vector.extract %slice3A_261[0] : f32 from vector<1xf32>
      %broadcast_in_dim3A_263 = vector.broadcast %squeeze3A_262 : f32 to vector<16xf32>
      %slice3A_264 = vector.extract_strided_slice %get3A_173 {offsets = [1], sizes = [1], strides = [1]} : vector<16xf32> to vector<1xf32>
      %squeeze3A_265 = vector.extract %slice3A_264[0] : f32 from vector<1xf32>
      %broadcast_in_dim3A_266 = vector.broadcast %squeeze3A_265 : f32 to vector<16xf32>
      %slice3A_267 = vector.extract_strided_slice %get3A_180 {offsets = [1], sizes = [1], strides = [1]} : vector<16xf32> to vector<1xf32>
      %squeeze3A_268 = vector.extract %slice3A_267[0] : f32 from vector<1xf32>
      %broadcast_in_dim3A_269 = vector.broadcast %squeeze3A_268 : f32 to vector<16xf32>
      %slice3A_270 = vector.extract_strided_slice %get3A_187 {offsets = [1], sizes = [1], strides = [1]} : vector<16xf32> to vector<1xf32>
      %squeeze3A_271 = vector.extract %slice3A_270[0] : f32 from vector<1xf32>
      %broadcast_in_dim3A_272 = vector.broadcast %squeeze3A_271 : f32 to vector<16xf32>
      %slice3A_273 = vector.extract_strided_slice %get3A_194 {offsets = [1], sizes = [1], strides = [1]} : vector<16xf32> to vector<1xf32>
      %squeeze3A_274 = vector.extract %slice3A_273[0] : f32 from vector<1xf32>
      %broadcast_in_dim3A_275 = vector.broadcast %squeeze3A_274 : f32 to vector<16xf32>
      %scan3A_276 = arith.constant 0 : i32
      %scan3A_277 = arith.constant 0 : i32
      %scan3A_278 = arith.constant 25 : i32
      %scan3A_279 = arith.addi %scan3A_277, %scan3A_278 : i32
      %scan3A_280 = arith.constant 1 : i32
      %scan3A_281 = scf.for %scan3A_299 = %scan3A_277 to %scan3A_279 step %scan3A_280 iter_args(%scan3A_300 = %scan3A_276) -> (i32)  : i32 {
        %mul3A_301 = arith.constant 2 : i32
        %mul3A_302 = arith.muli %scan3A_299, %mul3A_301 : i32
        %mul3A_303 = arith.constant 16 : i32
        %mul3A_304 = arith.muli %mul3A_302, %mul3A_303 : i32
        %add3A_305 = arith.constant 0 : i32
        %add3A_306 = arith.addi %mul3A_304, %add3A_305 : i32
        %get3A_307 = arith.constant 0 : i32
        %get3A_308 = arith.index_cast %get3A_307 : i32 to index
        %get3A_309 = arith.index_cast %add3A_306 : i32 to index
        %get3A_310 = tpu.vector_load %arg9[%get3A_308, %get3A_309] {strides = array<i32>} : memref<8x896xf32, #tpu.memory_space<vmem>>, vector<1x16xf32>,
        %get3A_311 = vector.shape_cast %get3A_310 : vector<1x16xf32> to vector<16xf32>
        %add3A_312 = arith.addf %get3A_311, %broadcast_in_dim3A_254 : vector<16xf32>
        %swap3A = arith.constant 1 : i32
        %swap3A_313 = arith.constant 0 : i32
        %swap3A_314 = arith.index_cast %swap3A : i32 to index
        %swap3A_315 = arith.index_cast %swap3A_313 : i32 to index
        %swap3A_316 = arith.index_cast %add3A_306 : i32 to index
        %swap3A_317 = tpu.vector_load %arg10[%swap3A_314, %swap3A_315, %swap3A_316] {strides = array<i32>} : memref<2x8x800xf32, #tpu.memory_space<vmem>>, vector<1x1x16xf32>,
        %swap3A_318 = vector.shape_cast %swap3A_317 : vector<1x1x16xf32> to vector<16xf32>
        %swap3A_319 = vector.shape_cast %add3A_312 : vector<16xf32> to vector<1x1x16xf32>
        tpu.vector_store %arg10[%swap3A_314, %swap3A_315, %swap3A_316], %swap3A_319 {strides = array<i32>} : memref<2x8x800xf32, #tpu.memory_space<vmem>>, vector<1x1x16xf32>,
        %mul3A_320 = arith.constant 2 : i32
        %mul3A_321 = arith.muli %scan3A_299, %mul3A_320 : i32
        %mul3A_322 = arith.constant 16 : i32
        %mul3A_323 = arith.muli %mul3A_321, %mul3A_322 : i32
        %add3A_324 = arith.constant 16 : i32
        %add3A_325 = arith.addi %mul3A_323, %add3A_324 : i32
        %get3A_326 = arith.constant 0 : i32
        %get3A_327 = arith.index_cast %get3A_326 : i32 to index
        %get3A_328 = arith.index_cast %add3A_325 : i32 to index
        %get3A_329 = tpu.vector_load %arg9[%get3A_327, %get3A_328] {strides = array<i32>} : memref<8x896xf32, #tpu.memory_space<vmem>>, vector<1x16xf32>,
        %get3A_330 = vector.shape_cast %get3A_329 : vector<1x16xf32> to vector<16xf32>
        %add3A_331 = arith.addf %get3A_330, %broadcast_in_dim3A_254 : vector<16xf32>
        %swap3A_332 = arith.constant 1 : i32
        %swap3A_333 = arith.constant 0 : i32
        %swap3A_334 = arith.index_cast %swap3A_332 : i32 to index
        %swap3A_335 = arith.index_cast %swap3A_333 : i32 to index
        %swap3A_336 = arith.index_cast %add3A_325 : i32 to index
        %swap3A_337 = tpu.vector_load %arg10[%swap3A_334, %swap3A_335, %swap3A_336] {strides = array<i32>} : memref<2x8x800xf32, #tpu.memory_space<vmem>>, vector<1x1x16xf32>,
        %swap3A_338 = vector.shape_cast %swap3A_337 : vector<1x1x16xf32> to vector<16xf32>
        %swap3A_339 = vector.shape_cast %add3A_331 : vector<16xf32> to vector<1x1x16xf32>
        tpu.vector_store %arg10[%swap3A_334, %swap3A_335, %swap3A_336], %swap3A_339 {strides = array<i32>} : memref<2x8x800xf32, #tpu.memory_space<vmem>>, vector<1x1x16xf32>,
        %mul3A_340 = arith.constant 2 : i32
        %mul3A_341 = arith.muli %scan3A_299, %mul3A_340 : i32
        %mul3A_342 = arith.constant 16 : i32
        %mul3A_343 = arith.muli %mul3A_341, %mul3A_342 : i32
        %add3A_344 = arith.constant 0 : i32
        %add3A_345 = arith.addi %mul3A_343, %add3A_344 : i32
        %get3A_346 = arith.constant 1 : i32
        %get3A_347 = arith.index_cast %get3A_346 : i32 to index
        %get3A_348 = arith.index_cast %add3A_345 : i32 to index
        %get3A_349 = tpu.vector_load %arg9[%get3A_347, %get3A_348] {strides = array<i32>} : memref<8x896xf32, #tpu.memory_space<vmem>>, vector<1x16xf32>,
        %get3A_350 = vector.shape_cast %get3A_349 : vector<1x16xf32> to vector<16xf32>
        %add3A_351 = arith.addf %get3A_350, %broadcast_in_dim3A_257 : vector<16xf32>
        %swap3A_352 = arith.constant 1 : i32
        %swap3A_353 = arith.constant 1 : i32
        %swap3A_354 = arith.index_cast %swap3A_352 : i32 to index
        %swap3A_355 = arith.index_cast %swap3A_353 : i32 to index
        %swap3A_356 = arith.index_cast %add3A_345 : i32 to index
        %swap3A_357 = tpu.vector_load %arg10[%swap3A_354, %swap3A_355, %swap3A_356] {strides = array<i32>} : memref<2x8x800xf32, #tpu.memory_space<vmem>>, vector<1x1x16xf32>,
        %swap3A_358 = vector.shape_cast %swap3A_357 : vector<1x1x16xf32> to vector<16xf32>
        %swap3A_359 = vector.shape_cast %add3A_351 : vector<16xf32> to vector<1x1x16xf32>
        tpu.vector_store %arg10[%swap3A_354, %swap3A_355, %swap3A_356], %swap3A_359 {strides = array<i32>} : memref<2x8x800xf32, #tpu.memory_space<vmem>>, vector<1x1x16xf32>,
        %mul3A_360 = arith.constant 2 : i32
        %mul3A_361 = arith.muli %scan3A_299, %mul3A_360 : i32
        %mul3A_362 = arith.constant 16 : i32
        %mul3A_363 = arith.muli %mul3A_361, %mul3A_362 : i32
        %add3A_364 = arith.constant 16 : i32
        %add3A_365 = arith.addi %mul3A_363, %add3A_364 : i32
        %get3A_366 = arith.constant 1 : i32
        %get3A_367 = arith.index_cast %get3A_366 : i32 to index
        %get3A_368 = arith.index_cast %add3A_365 : i32 to index
        %get3A_369 = tpu.vector_load %arg9[%get3A_367, %get3A_368] {strides = array<i32>} : memref<8x896xf32, #tpu.memory_space<vmem>>, vector<1x16xf32>,
        %get3A_370 = vector.shape_cast %get3A_369 : vector<1x16xf32> to vector<16xf32>
        %add3A_371 = arith.addf %get3A_370, %broadcast_in_dim3A_257 : vector<16xf32>
        %swap3A_372 = arith.constant 1 : i32
        %swap3A_373 = arith.constant 1 : i32
        %swap3A_374 = arith.index_cast %swap3A_372 : i32 to index
        %swap3A_375 = arith.index_cast %swap3A_373 : i32 to index
        %swap3A_376 = arith.index_cast %add3A_365 : i32 to index
        %swap3A_377 = tpu.vector_load %arg10[%swap3A_374, %swap3A_375, %swap3A_376] {strides = array<i32>} : memref<2x8x800xf32, #tpu.memory_space<vmem>>, vector<1x1x16xf32>,
        %swap3A_378 = vector.shape_cast %swap3A_377 : vector<1x1x16xf32> to vector<16xf32>
        %swap3A_379 = vector.shape_cast %add3A_371 : vector<16xf32> to vector<1x1x16xf32>
        tpu.vector_store %arg10[%swap3A_374, %swap3A_375, %swap3A_376], %swap3A_379 {strides = array<i32>} : memref<2x8x800xf32, #tpu.memory_space<vmem>>, vector<1x1x16xf32>,
        %mul3A_380 = arith.constant 2 : i32
        %mul3A_381 = arith.muli %scan3A_299, %mul3A_380 : i32
        %mul3A_382 = arith.constant 16 : i32
        %mul3A_383 = arith.muli %mul3A_381, %mul3A_382 : i32
        %add3A_384 = arith.constant 0 : i32
        %add3A_385 = arith.addi %mul3A_383, %add3A_384 : i32
        %get3A_386 = arith.constant 2 : i32
        %get3A_387 = arith.index_cast %get3A_386 : i32 to index
        %get3A_388 = arith.index_cast %add3A_385 : i32 to index
        %get3A_389 = tpu.vector_load %arg9[%get3A_387, %get3A_388] {strides = array<i32>} : memref<8x896xf32, #tpu.memory_space<vmem>>, vector<1x16xf32>,
        %get3A_390 = vector.shape_cast %get3A_389 : vector<1x16xf32> to vector<16xf32>
        %add3A_391 = arith.addf %get3A_390, %broadcast_in_dim3A_260 : vector<16xf32>
        %swap3A_392 = arith.constant 1 : i32
        %swap3A_393 = arith.constant 2 : i32
        %swap3A_394 = arith.index_cast %swap3A_392 : i32 to index
        %swap3A_395 = arith.index_cast %swap3A_393 : i32 to index
        %swap3A_396 = arith.index_cast %add3A_385 : i32 to index
        %swap3A_397 = tpu.vector_load %arg10[%swap3A_394, %swap3A_395, %swap3A_396] {strides = array<i32>} : memref<2x8x800xf32, #tpu.memory_space<vmem>>, vector<1x1x16xf32>,
        %swap3A_398 = vector.shape_cast %swap3A_397 : vector<1x1x16xf32> to vector<16xf32>
        %swap3A_399 = vector.shape_cast %add3A_391 : vector<16xf32> to vector<1x1x16xf32>
        tpu.vector_store %arg10[%swap3A_394, %swap3A_395, %swap3A_396], %swap3A_399 {strides = array<i32>} : memref<2x8x800xf32, #tpu.memory_space<vmem>>, vector<1x1x16xf32>,
        %mul3A_400 = arith.constant 2 : i32
        %mul3A_401 = arith.muli %scan3A_299, %mul3A_400 : i32
        %mul3A_402 = arith.constant 16 : i32
        %mul3A_403 = arith.muli %mul3A_401, %mul3A_402 : i32
        %add3A_404 = arith.constant 16 : i32
        %add3A_405 = arith.addi %mul3A_403, %add3A_404 : i32
        %get3A_406 = arith.constant 2 : i32
        %get3A_407 = arith.index_cast %get3A_406 : i32 to index
        %get3A_408 = arith.index_cast %add3A_405 : i32 to index
        %get3A_409 = tpu.vector_load %arg9[%get3A_407, %get3A_408] {strides = array<i32>} : memref<8x896xf32, #tpu.memory_space<vmem>>, vector<1x16xf32>,
        %get3A_410 = vector.shape_cast %get3A_409 : vector<1x16xf32> to vector<16xf32>
        %add3A_411 = arith.addf %get3A_410, %broadcast_in_dim3A_260 : vector<16xf32>
        %swap3A_412 = arith.constant 1 : i32
        %swap3A_413 = arith.constant 2 : i32
        %swap3A_414 = arith.index_cast %swap3A_412 : i32 to index
        %swap3A_415 = arith.index_cast %swap3A_413 : i32 to index
        %swap3A_416 = arith.index_cast %add3A_405 : i32 to index
        %swap3A_417 = tpu.vector_load %arg10[%swap3A_414, %swap3A_415, %swap3A_416] {strides = array<i32>} : memref<2x8x800xf32, #tpu.memory_space<vmem>>, vector<1x1x16xf32>,
        %swap3A_418 = vector.shape_cast %swap3A_417 : vector<1x1x16xf32> to vector<16xf32>
        %swap3A_419 = vector.shape_cast %add3A_411 : vector<16xf32> to vector<1x1x16xf32>
        tpu.vector_store %arg10[%swap3A_414, %swap3A_415, %swap3A_416], %swap3A_419 {strides = array<i32>} : memref<2x8x800xf32, #tpu.memory_space<vmem>>, vector<1x1x16xf32>,
        %mul3A_420 = arith.constant 2 : i32
        %mul3A_421 = arith.muli %scan3A_299, %mul3A_420 : i32
        %mul3A_422 = arith.constant 16 : i32
        %mul3A_423 = arith.muli %mul3A_421, %mul3A_422 : i32
        %add3A_424 = arith.constant 0 : i32
        %add3A_425 = arith.addi %mul3A_423, %add3A_424 : i32
        %get3A_426 = arith.constant 3 : i32
        %get3A_427 = arith.index_cast %get3A_426 : i32 to index
        %get3A_428 = arith.index_cast %add3A_425 : i32 to index
        %get3A_429 = tpu.vector_load %arg9[%get3A_427, %get3A_428] {strides = array<i32>} : memref<8x896xf32, #tpu.memory_space<vmem>>, vector<1x16xf32>,
        %get3A_430 = vector.shape_cast %get3A_429 : vector<1x16xf32> to vector<16xf32>
        %add3A_431 = arith.addf %get3A_430, %broadcast_in_dim3A_263 : vector<16xf32>
        %swap3A_432 = arith.constant 1 : i32
        %swap3A_433 = arith.constant 3 : i32
        %swap3A_434 = arith.index_cast %swap3A_432 : i32 to index
        %swap3A_435 = arith.index_cast %swap3A_433 : i32 to index
        %swap3A_436 = arith.index_cast %add3A_425 : i32 to index
        %swap3A_437 = tpu.vector_load %arg10[%swap3A_434, %swap3A_435, %swap3A_436] {strides = array<i32>} : memref<2x8x800xf32, #tpu.memory_space<vmem>>, vector<1x1x16xf32>,
        %swap3A_438 = vector.shape_cast %swap3A_437 : vector<1x1x16xf32> to vector<16xf32>
        %swap3A_439 = vector.shape_cast %add3A_431 : vector<16xf32> to vector<1x1x16xf32>
        tpu.vector_store %arg10[%swap3A_434, %swap3A_435, %swap3A_436], %swap3A_439 {strides = array<i32>} : memref<2x8x800xf32, #tpu.memory_space<vmem>>, vector<1x1x16xf32>,
        %mul3A_440 = arith.constant 2 : i32
        %mul3A_441 = arith.muli %scan3A_299, %mul3A_440 : i32
        %mul3A_442 = arith.constant 16 : i32
        %mul3A_443 = arith.muli %mul3A_441, %mul3A_442 : i32
        %add3A_444 = arith.constant 16 : i32
        %add3A_445 = arith.addi %mul3A_443, %add3A_444 : i32
        %get3A_446 = arith.constant 3 : i32
        %get3A_447 = arith.index_cast %get3A_446 : i32 to index
        %get3A_448 = arith.index_cast %add3A_445 : i32 to index
        %get3A_449 = tpu.vector_load %arg9[%get3A_447, %get3A_448] {strides = array<i32>} : memref<8x896xf32, #tpu.memory_space<vmem>>, vector<1x16xf32>,
        %get3A_450 = vector.shape_cast %get3A_449 : vector<1x16xf32> to vector<16xf32>
        %add3A_451 = arith.addf %get3A_450, %broadcast_in_dim3A_263 : vector<16xf32>
        %swap3A_452 = arith.constant 1 : i32
        %swap3A_453 = arith.constant 3 : i32
        %swap3A_454 = arith.index_cast %swap3A_452 : i32 to index
        %swap3A_455 = arith.index_cast %swap3A_453 : i32 to index
        %swap3A_456 = arith.index_cast %add3A_445 : i32 to index
        %swap3A_457 = tpu.vector_load %arg10[%swap3A_454, %swap3A_455, %swap3A_456] {strides = array<i32>} : memref<2x8x800xf32, #tpu.memory_space<vmem>>, vector<1x1x16xf32>,
        %swap3A_458 = vector.shape_cast %swap3A_457 : vector<1x1x16xf32> to vector<16xf32>
        %swap3A_459 = vector.shape_cast %add3A_451 : vector<16xf32> to vector<1x1x16xf32>
        tpu.vector_store %arg10[%swap3A_454, %swap3A_455, %swap3A_456], %swap3A_459 {strides = array<i32>} : memref<2x8x800xf32, #tpu.memory_space<vmem>>, vector<1x1x16xf32>,
        %mul3A_460 = arith.constant 2 : i32
        %mul3A_461 = arith.muli %scan3A_299, %mul3A_460 : i32
        %mul3A_462 = arith.constant 16 : i32
        %mul3A_463 = arith.muli %mul3A_461, %mul3A_462 : i32
        %add3A_464 = arith.constant 0 : i32
        %add3A_465 = arith.addi %mul3A_463, %add3A_464 : i32
        %get3A_466 = arith.constant 4 : i32
        %get3A_467 = arith.index_cast %get3A_466 : i32 to index
        %get3A_468 = arith.index_cast %add3A_465 : i32 to index
        %get3A_469 = tpu.vector_load %arg9[%get3A_467, %get3A_468] {strides = array<i32>} : memref<8x896xf32, #tpu.memory_space<vmem>>, vector<1x16xf32>,
        %get3A_470 = vector.shape_cast %get3A_469 : vector<1x16xf32> to vector<16xf32>
        %add3A_471 = arith.addf %get3A_470, %broadcast_in_dim3A_266 : vector<16xf32>
        %swap3A_472 = arith.constant 1 : i32
        %swap3A_473 = arith.constant 4 : i32
        %swap3A_474 = arith.index_cast %swap3A_472 : i32 to index
        %swap3A_475 = arith.index_cast %swap3A_473 : i32 to index
        %swap3A_476 = arith.index_cast %add3A_465 : i32 to index
        %swap3A_477 = tpu.vector_load %arg10[%swap3A_474, %swap3A_475, %swap3A_476] {strides = array<i32>} : memref<2x8x800xf32, #tpu.memory_space<vmem>>, vector<1x1x16xf32>,
        %swap3A_478 = vector.shape_cast %swap3A_477 : vector<1x1x16xf32> to vector<16xf32>
        %swap3A_479 = vector.shape_cast %add3A_471 : vector<16xf32> to vector<1x1x16xf32>
        tpu.vector_store %arg10[%swap3A_474, %swap3A_475, %swap3A_476], %swap3A_479 {strides = array<i32>} : memref<2x8x800xf32, #tpu.memory_space<vmem>>, vector<1x1x16xf32>,
        %mul3A_480 = arith.constant 2 : i32
        %mul3A_481 = arith.muli %scan3A_299, %mul3A_480 : i32
        %mul3A_482 = arith.constant 16 : i32
        %mul3A_483 = arith.muli %mul3A_481, %mul3A_482 : i32
        %add3A_484 = arith.constant 16 : i32
        %add3A_485 = arith.addi %mul3A_483, %add3A_484 : i32
        %get3A_486 = arith.constant 4 : i32
        %get3A_487 = arith.index_cast %get3A_486 : i32 to index
        %get3A_488 = arith.index_cast %add3A_485 : i32 to index
        %get3A_489 = tpu.vector_load %arg9[%get3A_487, %get3A_488] {strides = array<i32>} : memref<8x896xf32, #tpu.memory_space<vmem>>, vector<1x16xf32>,
        %get3A_490 = vector.shape_cast %get3A_489 : vector<1x16xf32> to vector<16xf32>
        %add3A_491 = arith.addf %get3A_490, %broadcast_in_dim3A_266 : vector<16xf32>
        %swap3A_492 = arith.constant 1 : i32
        %swap3A_493 = arith.constant 4 : i32
        %swap3A_494 = arith.index_cast %swap3A_492 : i32 to index
        %swap3A_495 = arith.index_cast %swap3A_493 : i32 to index
        %swap3A_496 = arith.index_cast %add3A_485 : i32 to index
        %swap3A_497 = tpu.vector_load %arg10[%swap3A_494, %swap3A_495, %swap3A_496] {strides = array<i32>} : memref<2x8x800xf32, #tpu.memory_space<vmem>>, vector<1x1x16xf32>,
        %swap3A_498 = vector.shape_cast %swap3A_497 : vector<1x1x16xf32> to vector<16xf32>
        %swap3A_499 = vector.shape_cast %add3A_491 : vector<16xf32> to vector<1x1x16xf32>
        tpu.vector_store %arg10[%swap3A_494, %swap3A_495, %swap3A_496], %swap3A_499 {strides = array<i32>} : memref<2x8x800xf32, #tpu.memory_space<vmem>>, vector<1x1x16xf32>,
        %mul3A_500 = arith.constant 2 : i32
        %mul3A_501 = arith.muli %scan3A_299, %mul3A_500 : i32
        %mul3A_502 = arith.constant 16 : i32
        %mul3A_503 = arith.muli %mul3A_501, %mul3A_502 : i32
        %add3A_504 = arith.constant 0 : i32
        %add3A_505 = arith.addi %mul3A_503, %add3A_504 : i32
        %get3A_506 = arith.constant 5 : i32
        %get3A_507 = arith.index_cast %get3A_506 : i32 to index
        %get3A_508 = arith.index_cast %add3A_505 : i32 to index
        %get3A_509 = tpu.vector_load %arg9[%get3A_507, %get3A_508] {strides = array<i32>} : memref<8x896xf32, #tpu.memory_space<vmem>>, vector<1x16xf32>,
        %get3A_510 = vector.shape_cast %get3A_509 : vector<1x16xf32> to vector<16xf32>
        %add3A_511 = arith.addf %get3A_510, %broadcast_in_dim3A_269 : vector<16xf32>
        %swap3A_512 = arith.constant 1 : i32
        %swap3A_513 = arith.constant 5 : i32
        %swap3A_514 = arith.index_cast %swap3A_512 : i32 to index
        %swap3A_515 = arith.index_cast %swap3A_513 : i32 to index
        %swap3A_516 = arith.index_cast %add3A_505 : i32 to index
        %swap3A_517 = tpu.vector_load %arg10[%swap3A_514, %swap3A_515, %swap3A_516] {strides = array<i32>} : memref<2x8x800xf32, #tpu.memory_space<vmem>>, vector<1x1x16xf32>,
        %swap3A_518 = vector.shape_cast %swap3A_517 : vector<1x1x16xf32> to vector<16xf32>
        %swap3A_519 = vector.shape_cast %add3A_511 : vector<16xf32> to vector<1x1x16xf32>
        tpu.vector_store %arg10[%swap3A_514, %swap3A_515, %swap3A_516], %swap3A_519 {strides = array<i32>} : memref<2x8x800xf32, #tpu.memory_space<vmem>>, vector<1x1x16xf32>,
        %mul3A_520 = arith.constant 2 : i32
        %mul3A_521 = arith.muli %scan3A_299, %mul3A_520 : i32
        %mul3A_522 = arith.constant 16 : i32
        %mul3A_523 = arith.muli %mul3A_521, %mul3A_522 : i32
        %add3A_524 = arith.constant 16 : i32
        %add3A_525 = arith.addi %mul3A_523, %add3A_524 : i32
        %get3A_526 = arith.constant 5 : i32
        %get3A_527 = arith.index_cast %get3A_526 : i32 to index
        %get3A_528 = arith.index_cast %add3A_525 : i32 to index
        %get3A_529 = tpu.vector_load %arg9[%get3A_527, %get3A_528] {strides = array<i32>} : memref<8x896xf32, #tpu.memory_space<vmem>>, vector<1x16xf32>,
        %get3A_530 = vector.shape_cast %get3A_529 : vector<1x16xf32> to vector<16xf32>
        %add3A_531 = arith.addf %get3A_530, %broadcast_in_dim3A_269 : vector<16xf32>
        %swap3A_532 = arith.constant 1 : i32
        %swap3A_533 = arith.constant 5 : i32
        %swap3A_534 = arith.index_cast %swap3A_532 : i32 to index
        %swap3A_535 = arith.index_cast %swap3A_533 : i32 to index
        %swap3A_536 = arith.index_cast %add3A_525 : i32 to index
        %swap3A_537 = tpu.vector_load %arg10[%swap3A_534, %swap3A_535, %swap3A_536] {strides = array<i32>} : memref<2x8x800xf32, #tpu.memory_space<vmem>>, vector<1x1x16xf32>,
        %swap3A_538 = vector.shape_cast %swap3A_537 : vector<1x1x16xf32> to vector<16xf32>
        %swap3A_539 = vector.shape_cast %add3A_531 : vector<16xf32> to vector<1x1x16xf32>
        tpu.vector_store %arg10[%swap3A_534, %swap3A_535, %swap3A_536], %swap3A_539 {strides = array<i32>} : memref<2x8x800xf32, #tpu.memory_space<vmem>>, vector<1x1x16xf32>,
        %mul3A_540 = arith.constant 2 : i32
        %mul3A_541 = arith.muli %scan3A_299, %mul3A_540 : i32
        %mul3A_542 = arith.constant 16 : i32
        %mul3A_543 = arith.muli %mul3A_541, %mul3A_542 : i32
        %add3A_544 = arith.constant 0 : i32
        %add3A_545 = arith.addi %mul3A_543, %add3A_544 : i32
        %get3A_546 = arith.constant 6 : i32
        %get3A_547 = arith.index_cast %get3A_546 : i32 to index
        %get3A_548 = arith.index_cast %add3A_545 : i32 to index
        %get3A_549 = tpu.vector_load %arg9[%get3A_547, %get3A_548] {strides = array<i32>} : memref<8x896xf32, #tpu.memory_space<vmem>>, vector<1x16xf32>,
        %get3A_550 = vector.shape_cast %get3A_549 : vector<1x16xf32> to vector<16xf32>
        %add3A_551 = arith.addf %get3A_550, %broadcast_in_dim3A_272 : vector<16xf32>
        %swap3A_552 = arith.constant 1 : i32
        %swap3A_553 = arith.constant 6 : i32
        %swap3A_554 = arith.index_cast %swap3A_552 : i32 to index
        %swap3A_555 = arith.index_cast %swap3A_553 : i32 to index
        %swap3A_556 = arith.index_cast %add3A_545 : i32 to index
        %swap3A_557 = tpu.vector_load %arg10[%swap3A_554, %swap3A_555, %swap3A_556] {strides = array<i32>} : memref<2x8x800xf32, #tpu.memory_space<vmem>>, vector<1x1x16xf32>,
        %swap3A_558 = vector.shape_cast %swap3A_557 : vector<1x1x16xf32> to vector<16xf32>
        %swap3A_559 = vector.shape_cast %add3A_551 : vector<16xf32> to vector<1x1x16xf32>
        tpu.vector_store %arg10[%swap3A_554, %swap3A_555, %swap3A_556], %swap3A_559 {strides = array<i32>} : memref<2x8x800xf32, #tpu.memory_space<vmem>>, vector<1x1x16xf32>,
        %mul3A_560 = arith.constant 2 : i32
        %mul3A_561 = arith.muli %scan3A_299, %mul3A_560 : i32
        %mul3A_562 = arith.constant 16 : i32
        %mul3A_563 = arith.muli %mul3A_561, %mul3A_562 : i32
        %add3A_564 = arith.constant 16 : i32
        %add3A_565 = arith.addi %mul3A_563, %add3A_564 : i32
        %get3A_566 = arith.constant 6 : i32
        %get3A_567 = arith.index_cast %get3A_566 : i32 to index
        %get3A_568 = arith.index_cast %add3A_565 : i32 to index
        %get3A_569 = tpu.vector_load %arg9[%get3A_567, %get3A_568] {strides = array<i32>} : memref<8x896xf32, #tpu.memory_space<vmem>>, vector<1x16xf32>,
        %get3A_570 = vector.shape_cast %get3A_569 : vector<1x16xf32> to vector<16xf32>
        %add3A_571 = arith.addf %get3A_570, %broadcast_in_dim3A_272 : vector<16xf32>
        %swap3A_572 = arith.constant 1 : i32
        %swap3A_573 = arith.constant 6 : i32
        %swap3A_574 = arith.index_cast %swap3A_572 : i32 to index
        %swap3A_575 = arith.index_cast %swap3A_573 : i32 to index
        %swap3A_576 = arith.index_cast %add3A_565 : i32 to index
        %swap3A_577 = tpu.vector_load %arg10[%swap3A_574, %swap3A_575, %swap3A_576] {strides = array<i32>} : memref<2x8x800xf32, #tpu.memory_space<vmem>>, vector<1x1x16xf32>,
        %swap3A_578 = vector.shape_cast %swap3A_577 : vector<1x1x16xf32> to vector<16xf32>
        %swap3A_579 = vector.shape_cast %add3A_571 : vector<16xf32> to vector<1x1x16xf32>
        tpu.vector_store %arg10[%swap3A_574, %swap3A_575, %swap3A_576], %swap3A_579 {strides = array<i32>} : memref<2x8x800xf32, #tpu.memory_space<vmem>>, vector<1x1x16xf32>,
        %mul3A_580 = arith.constant 2 : i32
        %mul3A_581 = arith.muli %scan3A_299, %mul3A_580 : i32
        %mul3A_582 = arith.constant 16 : i32
        %mul3A_583 = arith.muli %mul3A_581, %mul3A_582 : i32
        %add3A_584 = arith.constant 0 : i32
        %add3A_585 = arith.addi %mul3A_583, %add3A_584 : i32
        %get3A_586 = arith.constant 7 : i32
        %get3A_587 = arith.index_cast %get3A_586 : i32 to index
        %get3A_588 = arith.index_cast %add3A_585 : i32 to index
        %get3A_589 = tpu.vector_load %arg9[%get3A_587, %get3A_588] {strides = array<i32>} : memref<8x896xf32, #tpu.memory_space<vmem>>, vector<1x16xf32>,
        %get3A_590 = vector.shape_cast %get3A_589 : vector<1x16xf32> to vector<16xf32>
        %add3A_591 = arith.addf %get3A_590, %broadcast_in_dim3A_275 : vector<16xf32>
        %swap3A_592 = arith.constant 1 : i32
        %swap3A_593 = arith.constant 7 : i32
        %swap3A_594 = arith.index_cast %swap3A_592 : i32 to index
        %swap3A_595 = arith.index_cast %swap3A_593 : i32 to index
        %swap3A_596 = arith.index_cast %add3A_585 : i32 to index
        %swap3A_597 = tpu.vector_load %arg10[%swap3A_594, %swap3A_595, %swap3A_596] {strides = array<i32>} : memref<2x8x800xf32, #tpu.memory_space<vmem>>, vector<1x1x16xf32>,
        %swap3A_598 = vector.shape_cast %swap3A_597 : vector<1x1x16xf32> to vector<16xf32>
        %swap3A_599 = vector.shape_cast %add3A_591 : vector<16xf32> to vector<1x1x16xf32>
        tpu.vector_store %arg10[%swap3A_594, %swap3A_595, %swap3A_596], %swap3A_599 {strides = array<i32>} : memref<2x8x800xf32, #tpu.memory_space<vmem>>, vector<1x1x16xf32>,
        %mul3A_600 = arith.constant 2 : i32
        %mul3A_601 = arith.muli %scan3A_299, %mul3A_600 : i32
        %mul3A_602 = arith.constant 16 : i32
        %mul3A_603 = arith.muli %mul3A_601, %mul3A_602 : i32
        %add3A_604 = arith.constant 16 : i32
        %add3A_605 = arith.addi %mul3A_603, %add3A_604 : i32
        %get3A_606 = arith.constant 7 : i32
        %get3A_607 = arith.index_cast %get3A_606 : i32 to index
        %get3A_608 = arith.index_cast %add3A_605 : i32 to index
        %get3A_609 = tpu.vector_load %arg9[%get3A_607, %get3A_608] {strides = array<i32>} : memref<8x896xf32, #tpu.memory_space<vmem>>, vector<1x16xf32>,
        %get3A_610 = vector.shape_cast %get3A_609 : vector<1x16xf32> to vector<16xf32>
        %add3A_611 = arith.addf %get3A_610, %broadcast_in_dim3A_275 : vector<16xf32>
        %swap3A_612 = arith.constant 1 : i32
        %swap3A_613 = arith.constant 7 : i32
        %swap3A_614 = arith.index_cast %swap3A_612 : i32 to index
        %swap3A_615 = arith.index_cast %swap3A_613 : i32 to index
        %swap3A_616 = arith.index_cast %add3A_605 : i32 to index
        %swap3A_617 = tpu.vector_load %arg10[%swap3A_614, %swap3A_615, %swap3A_616] {strides = array<i32>} : memref<2x8x800xf32, #tpu.memory_space<vmem>>, vector<1x1x16xf32>,
        %swap3A_618 = vector.shape_cast %swap3A_617 : vector<1x1x16xf32> to vector<16xf32>
        %swap3A_619 = vector.shape_cast %add3A_611 : vector<16xf32> to vector<1x1x16xf32>
        tpu.vector_store %arg10[%swap3A_614, %swap3A_615, %swap3A_616], %swap3A_619 {strides = array<i32>} : memref<2x8x800xf32, #tpu.memory_space<vmem>>, vector<1x1x16xf32>,
        %scan3A_620 = arith.constant 0 : i32
        scf.yield %scan3A_620 : i32
      }
      %scan3A_282 = arith.constant 25 : i32
      %dma_start3A_283 = arith.constant 1 : i32
      %dma_start3A_284 = arith.constant 0 : i32
      %dma_start3A_285 = arith.constant 0 : i32
      %dma_start3A_286 = tpu.memref_slice %arg10[%dma_start3A_283, %dma_start3A_284, %dma_start3A_285] : memref<2x8x800xf32, #tpu.memory_space<vmem>> -> memref<1x8x800xf32, #tpu.memory_space<vmem>>
      %dma_start3A_287 = tpu.memref_squeeze %dma_start3A_286 : memref<1x8x800xf32, #tpu.memory_space<vmem>> -> memref<8x800xf32, #tpu.memory_space<vmem>>
      %dma_start3A_288 = arith.constant 0 : i32
      %dma_start3A_289 = tpu.memref_slice %arg5[%mul3A_2, %add3A_246, %dma_start3A_288] : memref<256x100x800xf32, #tpu.memory_space<hbm>> -> memref<8x1x800xf32, #tpu.memory_space<hbm>>
      %dma_start3A_290 = tpu.memref_squeeze %dma_start3A_289 : memref<8x1x800xf32, #tpu.memory_space<hbm>> -> memref<8x800xf32, #tpu.memory_space<hbm>>
      %dma_start3A_291 = arith.constant 0 : i32
      %dma_start3A_292 = tpu.memref_slice %arg5[%mul3A_2, %add3A_246, %dma_start3A_291] : memref<256x100x800xf32, #tpu.memory_space<hbm>> -> memref<8x1x800xf32, #tpu.memory_space<hbm>>
      %dma_start3A_293 = tpu.memref_squeeze %dma_start3A_292 : memref<8x1x800xf32, #tpu.memory_space<hbm>> -> memref<8x800xf32, #tpu.memory_space<hbm>>
      %dma_start3A_294 = arith.constant 0 : i32
      %dma_start3A_295 = arith.constant 0 : i32
      %dma_start3A_296 = tpu.memref_slice %arg10[%dma_start3A_283, %dma_start3A_294, %dma_start3A_295] : memref<2x8x800xf32, #tpu.memory_space<vmem>> -> memref<1x8x800xf32, #tpu.memory_space<vmem>>
      %dma_start3A_297 = tpu.memref_squeeze %dma_start3A_296 : memref<1x8x800xf32, #tpu.memory_space<vmem>> -> memref<8x800xf32, #tpu.memory_space<vmem>>
      tpu.enqueue_dma source(%dma_start3A_297 : memref<8x800xf32, #tpu.memory_space<vmem>>) target(%dma_start3A_293 : memref<8x800xf32, #tpu.memory_space<hbm>>) target_semaphore(%arg12 : memref<!tpu.dma_semaphore, #tpu.memory_space<semaphore_mem>>)
      %scan3A_298 = arith.constant 0 : i32
      scf.yield %scan3A_298 : i32
    }
    %scan3A_105 = arith.constant 50 : i32
    %dma_wait3A = arith.constant 0 : i32
    %dma_wait3A_106 = arith.constant 98 : i32
    %dma_wait3A_107 = arith.constant 0 : i32
    %dma_wait3A_108 = arith.constant 0 : i32
    %dma_wait3A_109 = tpu.memref_slice %arg10[%dma_wait3A, %dma_wait3A_107, %dma_wait3A_108] : memref<2x8x800xf32, #tpu.memory_space<vmem>> -> memref<1x8x800xf32, #tpu.memory_space<vmem>>
    %dma_wait3A_110 = tpu.memref_squeeze %dma_wait3A_109 : memref<1x8x800xf32, #tpu.memory_space<vmem>> -> memref<8x800xf32, #tpu.memory_space<vmem>>
    %dma_wait3A_111 = arith.constant 0 : i32
    %dma_wait3A_112 = tpu.memref_slice %arg5[%mul3A_2, %dma_wait3A_106, %dma_wait3A_111] : memref<256x100x800xf32, #tpu.memory_space<hbm>> -> memref<8x1x800xf32, #tpu.memory_space<hbm>>
    %dma_wait3A_113 = tpu.memref_squeeze %dma_wait3A_112 : memref<8x1x800xf32, #tpu.memory_space<hbm>> -> memref<8x800xf32, #tpu.memory_space<hbm>>
    %dma_wait3A_114 = arith.constant 0 : i32
    %dma_wait3A_115 = tpu.memref_slice %arg5[%mul3A_2, %dma_wait3A_106, %dma_wait3A_114] : memref<256x100x800xf32, #tpu.memory_space<hbm>> -> memref<8x1x800xf32, #tpu.memory_space<hbm>>
    %dma_wait3A_116 = tpu.memref_squeeze %dma_wait3A_115 : memref<8x1x800xf32, #tpu.memory_space<hbm>> -> memref<8x800xf32, #tpu.memory_space<hbm>>
    %dma_wait3A_117 = arith.constant 0 : i32
    %dma_wait3A_118 = arith.constant 0 : i32
    %dma_wait3A_119 = tpu.memref_slice %arg10[%dma_wait3A, %dma_wait3A_117, %dma_wait3A_118] : memref<2x8x800xf32, #tpu.memory_space<vmem>> -> memref<1x8x800xf32, #tpu.memory_space<vmem>>
    %dma_wait3A_120 = tpu.memref_squeeze %dma_wait3A_119 : memref<1x8x800xf32, #tpu.memory_space<vmem>> -> memref<8x800xf32, #tpu.memory_space<vmem>>
    tpu.wait_dma2 semaphore(%arg11 : memref<!tpu.dma_semaphore, #tpu.memory_space<semaphore_mem>>) src(%dma_wait3A_120 : memref<8x800xf32, #tpu.memory_space<vmem>>) dst(%dma_wait3A_116 : memref<8x800xf32, #tpu.memory_space<hbm>>)
    %dma_wait3A_121 = arith.constant 1 : i32
    %dma_wait3A_122 = arith.constant 99 : i32
    %dma_wait3A_123 = arith.constant 0 : i32
    %dma_wait3A_124 = arith.constant 0 : i32
    %dma_wait3A_125 = tpu.memref_slice %arg10[%dma_wait3A_121, %dma_wait3A_123, %dma_wait3A_124] : memref<2x8x800xf32, #tpu.memory_space<vmem>> -> memref<1x8x800xf32, #tpu.memory_space<vmem>>
    %dma_wait3A_126 = tpu.memref_squeeze %dma_wait3A_125 : memref<1x8x800xf32, #tpu.memory_space<vmem>> -> memref<8x800xf32, #tpu.memory_space<vmem>>
    %dma_wait3A_127 = arith.constant 0 : i32
    %dma_wait3A_128 = tpu.memref_slice %arg5[%mul3A_2, %dma_wait3A_122, %dma_wait3A_127] : memref<256x100x800xf32, #tpu.memory_space<hbm>> -> memref<8x1x800xf32, #tpu.memory_space<hbm>>
    %dma_wait3A_129 = tpu.memref_squeeze %dma_wait3A_128 : memref<8x1x800xf32, #tpu.memory_space<hbm>> -> memref<8x800xf32, #tpu.memory_space<hbm>>
    %dma_wait3A_130 = arith.constant 0 : i32
    %dma_wait3A_131 = tpu.memref_slice %arg5[%mul3A_2, %dma_wait3A_122, %dma_wait3A_130] : memref<256x100x800xf32, #tpu.memory_space<hbm>> -> memref<8x1x800xf32, #tpu.memory_space<hbm>>
    %dma_wait3A_132 = tpu.memref_squeeze %dma_wait3A_131 : memref<8x1x800xf32, #tpu.memory_space<hbm>> -> memref<8x800xf32, #tpu.memory_space<hbm>>
    %dma_wait3A_133 = arith.constant 0 : i32
    %dma_wait3A_134 = arith.constant 0 : i32
    %dma_wait3A_135 = tpu.memref_slice %arg10[%dma_wait3A_121, %dma_wait3A_133, %dma_wait3A_134] : memref<2x8x800xf32, #tpu.memory_space<vmem>> -> memref<1x8x800xf32, #tpu.memory_space<vmem>>
    %dma_wait3A_136 = tpu.memref_squeeze %dma_wait3A_135 : memref<1x8x800xf32, #tpu.memory_space<vmem>> -> memref<8x800xf32, #tpu.memory_space<vmem>>
    tpu.wait_dma2 semaphore(%arg12 : memref<!tpu.dma_semaphore, #tpu.memory_space<semaphore_mem>>) src(%dma_wait3A_136 : memref<8x800xf32, #tpu.memory_space<vmem>>) dst(%dma_wait3A_132 : memref<8x800xf32, #tpu.memory_space<hbm>>)
    return
  }
}

</mosaic_0001>

<sc_bundles>
// kernel: kernel.3.cloned.1.call-start
scs
__scs_entry_jumppad:
0x0: {  	(pc) =	sbr.rel $0x88, $3  }
0x1: {  	(tag) =	ssettag $0x0;
	lr =	simm.s32 $0x1  }
0x2: {  	[smem:$0x3F9E] =	sst lr;
	_ =	strace $0xD0000000  }
0x3: {  	_ = 	snop  }
0x4: {  	_ = 	snop  }
0x5: {  	_ = 	snop  }
0x6: {  	_ = 	snop  }
0x7: {  	_ = 	snop  }
__scs_overlays_trampoline_lowered:
0x8: {  	[smem:$0x3FAD] =	sst s0  }
0x9: {  	[smem:$0x3FAE] =	sst s1  }
0xa: {  	[smem:$0x3FAF] =	sst s2  }
0xb: {  	[smem:$0x3FB0] =	sst s3  }
0xc: {  	[smem:$0x3FB1] =	sst s4  }
0xd: {  	[smem:$0x3FB2] =	sst s5  }
0xe: {  	[smem:$0x3FB3] =	sst s6  }
0xf: {  	[smem:$0x3FB4] =	sst s7  }
0x10: {  	[smem:$0x3FB5] =	sst s8  }
0x11: {  	[smem:$0x3FB6] =	sst s9;
	s0 =	simm.s32 @!p0 $0x0  }
0x12: {  	s1 =	sld [smem:$0x3F9C];
	s0 =	simm.s32 @p0 $0x1  }
0x13: {  	[smem:$0x3FB7] =	sst s0;
	s0 =	simm.s32 @!p1 $0x0  }
0x14: {  	s2 =	sld [smem:$0x3F9B];
	s0 =	simm.s32 @p1 $0x1  }
0x15: {  	[smem:$0x3FB8] =	sst s0;
	s0 =	simm.s32 @!p2 $0x0  }
0x16: {  	s3 =	sld [smem:$0x3FDB];
	s0 =	simm.s32 @p2 $0x1  }
0x17: {  	s4 =	simm.s32 $0x1BF5;
	[smem:$0x3FBA] =	sst s0  }
0x18: {  	s0 =	sld [smem:$0x3F9D];
	_ =	swait.ge [sflag:s4], $0x0  }
0x19: {  	s7 =	sld [smem:$0x3F9E]  }
0x1a: {  	s8 =	sadd.s32 $0xFFFFE003, lr  }
0x1b: {  	s9 =	sadd.s32 $0xFFFFFEF7, lr;
	s5 =	simm.s32 $0xFFFFFFFF;
	p2 =	slt.u32 s8, $0xFFFFF086  }
0x1c: {  	p1 =	slt.u32 s9, $0xF7A;
	s5 =	simm.s32 @!p2 $0x0  }
0x1d: {  	s5 =	simm.s32 @p1 $0x1;
	p0 =	seq.s32 s7, s2  }
0x1e: {  	s7 =	smul.u32 @!p0 $0xF7A, s2;
	p2 =	seq.s32 @!p0 s5, $0x0  }
0x1f: {  	s9 =	smul.u32 $0xF7A, s1;
	s8 =	simm.s32 @!p0 $0x1BF5;
	p2 =	por !p2, p0  }
0x20: {  	[sflag:s8] =	ssyncset.s32 @!p0 $0xFFFFF086;
	s6 =	sadd.s32 @!p0 s3, s7;
	s7 =	simm.s32 @!p0 $0x108  }
0x21: {  	s3 =	sadd.s32 s3, s9;
	s6 =	sadd.s32 @!p0 $0x88, s6;
	s7 =	simm.s32 @p2 $0x1082  }
0x22: {  	[simem:s7], [sflag:s8] =	dma.local @!p0 [hbm:s6], $0xF7A  }
0x23: {  	s9 =	sor.u32 $0xD0000000, s2;
	s6 =	simm.s32 $0x108;
	_ =	swait.ge @!p0 [sflag:s8], $0x0  }
0x24: {  	s3 =	sadd.s32 $0x88, s3;
	s6 =	simm.s32 @!p1 $0x1082;
	[sflag:s4] =	ssyncset.s32 $0xFFFFF086  }
0x25: {  	[simem:s6], [sflag:s4] =	dma.local [hbm:s3], $0xF7A  }
0x26: {  	[smem:$0x3F9E] =	sst s1;
	(tag) =	ssettag s2;
	_ =	strace s9  }
0x27: {  	s1 =	sld [smem:$0x3FAE]  }
0x28: {  	s2 =	sld [smem:$0x3FAF]  }
0x29: {  	s4 =	sld [smem:$0x3FB1]  }
0x2a: {  	p0 =	seq.s32 s5, $0x0;
	s5 =	sld [smem:$0x3FB2]  }
0x2b: {  	s6 =	sld [smem:$0x3FB3]  }
0x2c: {  	s7 =	sld [smem:$0x3FB4]  }
0x2d: {  	s3 =	simm.s32 $0x108;
	s8 =	sld [smem:$0x3FB5]  }
0x2e: {  	s3 =	simm.s32 @!p0 $0x1082;
	s9 =	sld [smem:$0x3FB6]  }
0x2f: {  	lr =	sadd.s32 s0, s3;
	s0 =	sld [smem:$0x3FAD]  }
0x30: {  	s3 =	sld [smem:$0x3FB0]  }
0x31: {  	[smem:$0x3FB9] =	sst s10  }
0x32: {  	s10 =	sld [smem:$0x3FB7];
	_ =	sdelay $0x3  }
0x33: {  	p0 =	seq.s32 s10, $0x1;
	s10 =	sld [smem:$0x3FB9];
	_ =	sdelay $0x3  }
0x34: {  	[smem:$0x3FB9] =	sst s10  }
0x35: {  	s10 =	sld [smem:$0x3FB8];
	_ =	sdelay $0x3  }
0x36: {  	p1 =	seq.s32 s10, $0x1;
	s10 =	sld [smem:$0x3FB9];
	_ =	sdelay $0x3  }
0x37: {  	[smem:$0x3FB9] =	sst s10  }
0x38: {  	s10 =	sld [smem:$0x3FBA]  }
0x39: {  	_ = 	snop;
	(pc) =	sbr.ind lr, $3  }
0x3a: {  	_ = 	snop  }
0x3b: {  	_ = 	snop  }
0x3c: {  	p2 =	seq.s32 s10, $0x1;
	s10 =	sld [smem:$0x3FB9]  }
0x3d: {  	_ =	shalt  }
0x3e: {  	_ =	shalt  }
0x3f: {  	_ =	shalt  }
0x40: {  	_ =	shalt  }
0x41: {  	_ =	shalt  }
0x42: {  	_ =	shalt  }
0x43: {  	_ =	shalt  }
0x44: {  	_ =	shalt  }
0x45: {  	_ =	shalt  }
0x46: {  	_ =	shalt  }
0x47: {  	_ =	shalt  }
0x48: {  	_ =	shalt  }
0x49: {  	_ =	shalt  }
0x4a: {  	_ =	shalt  }
0x4b: {  	_ =	shalt  }
0x4c: {  	_ =	shalt  }
0x4d: {  	_ =	shalt  }
0x4e: {  	_ =	shalt  }
0x4f: {  	_ =	shalt  }
0x50: {  	_ =	shalt  }
0x51: {  	_ =	shalt  }
0x52: {  	_ =	shalt  }
0x53: {  	_ =	shalt  }
0x54: {  	_ =	shalt  }
0x55: {  	_ =	shalt  }
0x56: {  	_ =	shalt  }
0x57: {  	_ =	shalt  }
0x58: {  	_ =	shalt  }
0x59: {  	_ =	shalt  }
0x5a: {  	_ =	shalt  }
0x5b: {  	_ =	shalt  }
0x5c: {  	_ =	shalt  }
0x5d: {  	_ =	shalt  }
0x5e: {  	_ =	shalt  }
0x5f: {  	_ =	shalt  }
0x60: {  	_ =	shalt  }
0x61: {  	_ =	shalt  }
0x62: {  	_ =	shalt  }
0x63: {  	_ =	shalt  }
0x64: {  	_ =	shalt  }
0x65: {  	_ =	shalt  }
0x66: {  	_ =	shalt  }
0x67: {  	_ =	shalt  }
0x68: {  	_ =	shalt  }
0x69: {  	_ =	shalt  }
0x6a: {  	_ =	shalt  }
0x6b: {  	_ =	shalt  }
0x6c: {  	_ =	shalt  }
0x6d: {  	_ =	shalt  }
0x6e: {  	_ =	shalt  }
0x6f: {  	_ =	shalt  }
0x70: {  	_ =	shalt  }
0x71: {  	_ =	shalt  }
0x72: {  	_ =	shalt  }
0x73: {  	_ =	shalt  }
0x74: {  	_ =	shalt  }
0x75: {  	_ =	shalt  }
0x76: {  	_ =	shalt  }
0x77: {  	_ =	shalt  }
0x78: {  	_ =	shalt  }
0x79: {  	_ =	shalt  }
0x7a: {  	_ =	shalt  }
0x7b: {  	_ =	shalt  }
0x7c: {  	_ =	shalt  }
0x7d: {  	_ =	shalt  }
0x7e: {  	_ =	shalt  }
0x7f: {  	_ =	shalt  }
0x80: {  	_ =	shalt  }
0x81: {  	_ =	shalt  }
0x82: {  	_ =	shalt  }
0x83: {  	_ =	shalt  }
0x84: {  	_ =	shalt  }
0x85: {  	_ =	shalt  }
0x86: {  	_ =	shalt  }
0x87: {  	_ =	shalt  }
.Lfunc_end0:
.L_simem_size_0:
called_computation_lowered:
.L_overlay_start_0:
0x88: {  	s2 =	sld [smem:$0x3FD9]  }
0x89: {  	s3 =	sld [smem:$0x3FFE];
	_ =	sdelay $0x1  }
0x8a: {  	s1 =	srdreg.scid  }
0x8b: {  	s0 =	sand.u32 $0x1, s1  }
0x8c: {  	s17 =	sshll.u32 s0, $0xA;
	s2 =	sadd.s32 s3, s2  }
0x8d: {  	s2 =	sadd.s32 s2, s17  }
0x8e: {  	[smem:$0x3FC5] =	sst s2  }
0x8f: {  	_ = 	snop  }
0x90: {  	s2 =	sld [smem:$0x3FD0];
	(tm) =	ssettm $0x1  }
0x91: {  	s18 =	sld [smem:$0x3FFB];
	_ =	sdelay $0x3  }
0x92: {  	_ =	strace s18  }
0x93: {  	s3 =	sld [smem:$0x3FFC];
	_ =	sdelay $0x3  }
0x94: {  	_ =	strace s3  }
0x95: {  	s3 =	sld [smem:$0x3FFD];
	_ =	sdelay $0x3  }
0x96: {  	_ =	strace s3  }
0x97: {  	_ =	strace $0x8FFFFFFF  }
0x98: {  	s19 =	sld [smem:$0x3FDB];
	_ =	sdelay $0x1  }
0x99: {  	s4 =	simm.s32 $_scs_section_size  }
0x9a: {  	s5 =	simm.s32 $_size__tile_overlayer_lowered;
	s6 =	simm.s32 $_tile_overlayer_lowered  }
0x9b: {  	s22 =	simm.s32 $0x1BFF;
	s21 =	sshll.u32 s6, $0x1;
	s3 =	sadd.s32 s4, s19  }
0x9c: {  	s7 =	simm.s32 $0x0;
	s20 =	sshll.u32 s5, $0x1;
	s5 =	sadd.s32 s21, s3  }
0x9d: {  	[timem:s7], [sflag:s22] =	dma.local [hbm:s5], s20  }
0x9e: {  	_ =	swait.ge [sflag:s22], s20  }
0x9f: {  	s4 =	ssub.s32 $0x0, s20;
	[sflag:s22] =	ssyncset.done $0x0  }
0xa0: {  	[sflag:s22] =	ssyncadd.s32 s4;
	_ =	sdelay $0x1  }
0xa1: {  	s23 =	simm.s32 $0x1B8B  }
0xa2: {  	_ =	swait.ge [sflag:s23], $0x1  }
0xa3: {  	[sflag:s23] =	ssyncset.done $0x0  }
0xa4: {  	s25 =	simm.s32 $0x1B8E;
	s24 =	sld [smem:$0x3FFE];
	[sflag:s23] =	ssyncadd.s32 $0xFFFFFFFF  }
0xa5: {  	s26 =	simm.s32 $execute0_lowered;
	[smem:$0x3FD2] =	sst s25  }
0xa6: {  	s5 =	sshll.u32 s26, $0x1;
	_ =	strace $0x80000046;
	[dreg:$0x1] =	wrdreg $0xFFFFFFFF  }
0xa7: {  	s28 =	simm.s32 $_size_execute0_lowered;
	s3 =	sadd.s32 s3, s5;
	[dreg:$0x0] =	wrdreg $0x0  }
0xa8: {  	s5 =	sshll.u32 s28, $0x1;
	[dreg:$0x2] =	wrdreg s3  }
0xa9: {  	[dreg:$0x3] =	wrdreg s5  }
0xaa: {  	[dreg:$0x4] =	wrdreg $0xC0  }
0xab: {  	_ =	task [dreg:s7], $0x5FFFF  }
0xac: {  	[dreg:$0x1] =	wrdreg $0xFFFFFFFF  }
0xad: {  	[dreg:$0x0] =	wrdreg $0x60  }
0xae: {  	[dreg:$0x2] =	wrdreg s2  }
0xaf: {  	[dreg:$0x3] =	wrdreg s24  }
0xb0: {  	[dreg:$0x4] =	wrdreg $0x9  }
0xb1: {  	_ =	task.clear_ibuf [dreg:s7], $0x5FFFF;
	_ =	strace $0x90000046  }
0xb2: {  	s29 =	simm.s32 $0x9;
	_ =	strace $0x80000048  }
0xb3: {  	_ =	swait.ge [sflag:s29], $0x1  }
0xb4: {  	[sflag:s29] =	ssyncadd.s32 $0xFFFFFFFF  }
0xb5: {  	_ =	strace $0x90000048  }
0xb6: {  	_ =	sfence  }
0xb7: {  	s30 =	sld [smem:$0x0];
	_ =	sdelay $0x2  }
0xb8: {  	s31 =	sshll.u32 s1, $0xD;
	s1 =	sshrl.u32 s1, $0x2  }
0xb9: {  	s3 =	sand.u32 $0x4000, s31;
	s1 =	sadd.s32 s1, s30  }
0xba: {  	s0 =	sor.u32 s3, s0;
	s1 =	sshll.u32 s1, $0x11  }
0xbb: {  	s0 =	sor.u32 s1, s0  }
0xbc: {  	s0 =	sadd.s32 $0x8F2B, s0  }
0xbd: {  	[sflag:s0] =	ssyncadd.remote.s32 $0x1  }
0xbe: {  	_ =	sfence.sel $0xFFFF  }
0xbf: {  	[dreg:$0x0] =	wrdreg $0xFFFFFFFF;
	(pc) =	sbr.abs _section_cstart, $3  }
0xc0: {  	[dreg:$0x1] =	wrdreg $0xFFFFFFFF  }
0xc1: {  	_ =	task.clear_ibuf [dreg:s7], $0x2FFFF;
	_ =	strace $0x9FFFFFFF  }
0xc2: {  	(tm) =	ssettm $0x7FFFFFFF  }
0xc3: {  	_ =	shalt  }
tec
execute0_lowered:
.L_overlay_start_1:
0x0: {  	(tag) =	ssettag $0x1  }
0x1: {  	s0 =	rddreg [dreg:$0x0]  }
0x2: {  	s1 =	rddreg [dreg:$0x1]  }
0x3: {  	s2 =	srdreg.scid;
	s5 =	simm.s32 $0x0;
	s4 =	stileid.u32  }
0x4: {  	s12 =	simm.s32 $0x80;
	s13 =	simm.s32 $0x16C00;
	s21 =	simm.s32 $0x4400  }
0x5: {  	s22 =	simm.s32 $0x4800;
	s23 =	simm.s32 $0x4C00;
	s2 =	sand.u32 $0x1, s2  }
0x6: {  	s24 =	simm.s32 $0x5000;
	s28 =	simm.s32 $0x5C00;
	s3 =	sshll.u32 s2, $0x4  }
0x7: {  	[smem:$0x7FF] =	sst s5;
	s2 =	ssub.s32 $0x2, s2;
	s4 =	sor.u32 s4, s3  }
0x8: {  	_ =	strace $0x80000047;
	s6 =	sshrl.u32 s2, $0x1;
	s25 =	sshll.u32 s4, $0x7  }
0x9: {  	s3 =	sadd.s32 $0x2400, s1;
	s26 =	ssub.s32 s2, s6;
	s0 =	sadd.s32 s0, s25  }
0xa: {  	s7 =	sadd.s32 s25, s1;
	s31 =	smax.u32 s26, $0x1;
	[dreg:$0x3] =	wrdreg s0  }
0xb: {  	s2 =	simm.s32 $0x0;
	s29 =	sadd.s32 $0x1400, s7;
	[dreg:$0x6] =	wrdreg s31  }
0xc: {  	s25 =	simm.s32 $0x5400;
	s30 =	sadd.s32 $0x400, s7;
	[dreg:$0x4] =	wrdreg s29  }
0xd: {  	vm0 =	vmmov $0xff;
	s26 =	simm.s32 $0x5800;
	s7 =	smul.u32 $0xB6000, s4;
	[dreg:$0x5] =	wrdreg s30  }
.LBB2_1:
0xe: {  	[dreg:$0x7] =	wrdreg s2  }
0xf: {  	s0 =	simm.s32 $0x0;
	s1 =	rddreg [dreg:$0x3];
	s19 =	simm.s32 $0x3  }
0x10: {  	[tilespmem:s0], [sflag:$0x3] =	stream.linear.gather [hbm4b:s1+s0], $0x400, $0x38;
	[tilespmem:$0x6000] =	vst v63  }
0x11: {  	_ =	swait.ge [sflag:s19], $0x400  }
0x12: {  	[sflag:s19] =	ssyncset.done $0x0  }
0x13: {  	s4 =	simm.s32 $0x400;
	s20 =	rddreg [dreg:$0x4];
	[sflag:s19] =	ssyncadd.s32 $0xFFFFFC00  }
0x14: {  	[tilespmem:s4], [sflag:$0x3] =	stream.linear.gather [hbm4b:s20+s0], $0x400, $0x38;
	[tilespmem:$0x6000] =	vst v63  }
0x15: {  	_ =	swait.ge [sflag:s19], $0x400  }
0x16: {  	[sflag:s19] =	ssyncset.done $0x0  }
0x17: {  	s30 =	simm.s32 $0x800;
	s29 =	rddreg [dreg:$0x5];
	[sflag:s19] =	ssyncadd.s32 $0xFFFFFC00  }
0x18: {  	[tilespmem:s30], [sflag:$0x3] =	stream.linear.gather [hbm4b:s29+s0], $0x400, $0x38;
	[tilespmem:$0x6000] =	vst v63  }
0x19: {  	_ =	swait.ge [sflag:s19], $0x400  }
0x1a: {  	[sflag:s19] =	ssyncset.done $0x0  }
0x1b: {  	s31 =	simm.s32 $0x0;
	[sflag:s19] =	ssyncadd.s32 $0xFFFFFC00  }
0x1c: {  	v1 =	vld [tilespmem:s31+$0x400];
	_ =	sdelay $0x4  }
0x1d: {  	v2 =	vbroadcast v1, $0x0  }
0x1e: {  	v0 =	vld [tilespmem:$0x800];
	v3 =	vbroadcast v1, $0x1;
	v4 =	vbroadcast v1, $0x2  }
0x1f: {  	v5 =	vbroadcast v1, $0x3;
	v6 =	vbroadcast v1, $0x5  }
0x20: {  	v59 =	vbroadcast v1, $0x6;
	v7 =	vbroadcast v1, $0x7  }
0x21: {  	v60 =	vbroadcast v1, $0x8;
	v8 =	vbroadcast v1, $0x9  }
0x22: {  	v61 =	vbroadcast v1, $0xA;
	v2 =	vsel vm0, v2, v3;
	v3 =	vbroadcast v1, $0x4  }
0x23: {  	v62 =	vbroadcast v1, $0xC;
	v4 =	vsel vm0, v4, v5;
	v2 =	vadd.f32 v2, v0  }
0x24: {  	s0 =	simm.s32 $0xC40;
	v63 =	vbroadcast v1, $0xD;
	v4 =	vadd.f32 v4, v0;
	v3 =	vsel vm0, v3, v6  }
0x25: {  	v5 =	vsel vm0, v59, v7;
	v6 =	vsel vm0, v60, v8;
	v3 =	vadd.f32 v3, v0;
	[tilespmem:s0+$0xFFFFFFC0] =	vst v2  }
0x26: {  	v5 =	vadd.f32 v5, v0;
	v2 =	vbroadcast v1, $0xB;
	[tilespmem:s0+$0xFFFFFFD0] =	vst v4;
	v6 =	vadd.f32 v6, v0  }
0x27: {  	v4 =	vsel vm0, v62, v63;
	[tilespmem:s0+$0xFFFFFFE0] =	vst v3;
	v3 =	vbroadcast v1, $0xE;
	v1 =	vbroadcast v1, $0xF  }
0x28: {  	[tilespmem:s0+$0xFFFFFFF0] =	vst v5;
	v4 =	vadd.f32 v4, v0;
	v2 =	vsel vm0, v61, v2  }
0x29: {  	[tilespmem:s0+$0x0] =	vst v6;
	v2 =	vadd.f32 v2, v0;
	v1 =	vsel vm0, v3, v1  }
0x2a: {  	[tilespmem:s0+$0x20] =	vst v4;
	v1 =	vadd.f32 v1, v0  }
0x2b: {  	[tilespmem:s0+$0x10] =	vst v2  }
0x2c: {  	s2 =	simm.s32 $0x10;
	s1 =	simm.s32 $0x80;
	[tilespmem:s0+$0x30] =	vst v1  }
.LBB2_2:
0x2d: {  	p0 =	sne.s32 s1, $0x180;
	v1 =	vld [tilespmem:s2+$0x400];
	_ =	sdelay $0x4  }
0x2e: {  	v2 =	vbroadcast v1, $0x0;
	v3 =	vbroadcast v1, $0x1  }
0x2f: {  	v4 =	vbroadcast v1, $0x2;
	v5 =	vbroadcast v1, $0x3  }
0x30: {  	v6 =	vbroadcast v1, $0x5;
	v2 =	vsel vm0, v2, v3;
	v3 =	vbroadcast v1, $0x4  }
0x31: {  	v4 =	vsel vm0, v4, v5;
	v5 =	vbroadcast v1, $0x6;
	v2 =	vadd.f32 v2, v0  }
0x32: {  	s0 =	sadd.s32 $0x400, s0;
	v4 =	vadd.f32 v4, v0;
	v3 =	vsel vm0, v3, v6;
	v6 =	vbroadcast v1, $0x7  }
0x33: {  	v7 =	vbroadcast v1, $0x9;
	[tilespmem:s0+$0xFFFFFFC0] =	vst v2;
	v2 =	vadd.f32 v3, v0;
	v3 =	vbroadcast v1, $0x8  }
0x34: {  	[tilespmem:s0+$0xFFFFFFD0] =	vst v4;
	v4 =	vsel vm0, v5, v6;
	v5 =	vbroadcast v1, $0xA;
	v6 =	vbroadcast v1, $0xB  }
0x35: {  	[tilespmem:s0+$0xFFFFFFE0] =	vst v2;
	v2 =	vadd.f32 v4, v0;
	v3 =	vsel vm0, v3, v7;
	v4 =	vbroadcast v1, $0xC  }
0x36: {  	v3 =	vadd.f32 v3, v0;
	v5 =	vsel vm0, v5, v6;
	v6 =	vbroadcast v1, $0xD  }
0x37: {  	[tilespmem:s0+$0xFFFFFFF0] =	vst v2;
	v2 =	vadd.f32 v5, v0;
	v5 =	vbroadcast v1, $0xE;
	v1 =	vbroadcast v1, $0xF  }
.Ltmp0:
0x38: {  	[tilespmem:s0+$0x0] =	vst v3;
	v3 =	vsel vm0, v4, v6;
	(pc) =	sbr.rel @p0 .LBB2_2-.Ltmp0, $4  }
0x39: {  	[tilespmem:s0+$0x10] =	vst v2;
	v2 =	vadd.f32 v3, v0;
	v1 =	vsel vm0, v5, v1  }
0x3a: {  	v1 =	vadd.f32 v1, v0  }
0x3b: {  	[tilespmem:s0+$0x20] =	vst v2  }
0x3c: {  	s2 =	sshra.s32 s1, $0x2;
	s1 =	sadd.s32 $0x40, s1;
	[tilespmem:s0+$0x30] =	vst v1  }
0x3d: {  	v1 =	vld [tilespmem:s2+$0x400];
	_ =	sdelay $0x4  }
0x3e: {  	v2 =	vbroadcast v1, $0x0  }
0x3f: {  	v3 =	vbroadcast v1, $0x1;
	v4 =	vbroadcast v1, $0x2  }
0x40: {  	v5 =	vbroadcast v1, $0x3;
	v6 =	vbroadcast v1, $0x5  }
0x41: {  	v49 =	vbroadcast v1, $0x6;
	v7 =	vbroadcast v1, $0x7  }
0x42: {  	v50 =	vbroadcast v1, $0x8;
	v8 =	vbroadcast v1, $0x9  }
0x43: {  	v51 =	vbroadcast v1, $0xA;
	v2 =	vsel vm0, v2, v3;
	v3 =	vbroadcast v1, $0x4  }
0x44: {  	v52 =	vbroadcast v1, $0xC;
	v4 =	vsel vm0, v4, v5;
	v2 =	vadd.f32 v2, v0  }
0x45: {  	s0 =	sadd.s32 $0x400, s0;
	v53 =	vbroadcast v1, $0xD;
	v4 =	vadd.f32 v4, v0;
	v3 =	vsel vm0, v3, v6  }
0x46: {  	v5 =	vsel vm0, v49, v7;
	v6 =	vsel vm0, v50, v8;
	v3 =	vadd.f32 v3, v0;
	[tilespmem:s0+$0xFFFFFFC0] =	vst v2  }
0x47: {  	v5 =	vadd.f32 v5, v0;
	v2 =	vbroadcast v1, $0xB;
	[tilespmem:s0+$0xFFFFFFD0] =	vst v4;
	v6 =	vadd.f32 v6, v0  }
0x48: {  	v4 =	vsel vm0, v52, v53;
	[tilespmem:s0+$0xFFFFFFE0] =	vst v3;
	v3 =	vbroadcast v1, $0xE;
	v1 =	vbroadcast v1, $0xF  }
0x49: {  	[tilespmem:s0+$0xFFFFFFF0] =	vst v5;
	v4 =	vadd.f32 v4, v0;
	v2 =	vsel vm0, v51, v2  }
0x4a: {  	[tilespmem:s0+$0x0] =	vst v6;
	v2 =	vadd.f32 v2, v0;
	v1 =	vsel vm0, v3, v1  }
0x4b: {  	[tilespmem:s0+$0x20] =	vst v4;
	v0 =	vadd.f32 v1, v0  }
0x4c: {  	[tilespmem:s0+$0x10] =	vst v2  }
0x4d: {  	s31 =	simm.s32 $0x0;
	[tilespmem:s0+$0x30] =	vst v0  }
0x4e: {  	v1 =	vld [tilespmem:s31+$0x480];
	_ =	sdelay $0x4  }
0x4f: {  	v2 =	vbroadcast v1, $0x0  }
0x50: {  	v0 =	vld [tilespmem:$0x880];
	v3 =	vbroadcast v1, $0x1;
	v54 =	vbroadcast v1, $0x2  }
0x51: {  	v55 =	vbroadcast v1, $0x3;
	v56 =	vbroadcast v1, $0x5  }
0x52: {  	v57 =	vbroadcast v1, $0x6;
	v58 =	vbroadcast v1, $0x7  }
0x53: {  	v59 =	vbroadcast v1, $0x8;
	v60 =	vbroadcast v1, $0x9  }
0x54: {  	v61 =	vbroadcast v1, $0xA;
	v2 =	vsel vm0, v2, v3;
	v3 =	vbroadcast v1, $0x4  }
0x55: {  	v62 =	vbroadcast v1, $0xC;
	v4 =	vsel vm0, v54, v55;
	v2 =	vadd.f32 v2, v0  }
0x56: {  	s0 =	simm.s32 $0xCF0;
	v63 =	vbroadcast v1, $0xD;
	v4 =	vadd.f32 v4, v0;
	v3 =	vsel vm0, v3, v56  }
0x57: {  	v5 =	vsel vm0, v57, v58;
	v6 =	vsel vm0, v59, v60;
	v3 =	vadd.f32 v3, v0;
	[tilespmem:s0+$0xFFFFFF90] =	vst v2  }
0x58: {  	v5 =	vadd.f32 v5, v0;
	v6 =	vadd.f32 v6, v0;
	v2 =	vbroadcast v1, $0xB;
	[tilespmem:s0+$0xFFFFFFA0] =	vst v4  }
0x59: {  	v4 =	vsel vm0, v62, v63;
	[tilespmem:s0+$0xFFFFFFB0] =	vst v3;
	v3 =	vbroadcast v1, $0xE;
	v1 =	vbroadcast v1, $0xF  }
0x5a: {  	[tilespmem:s0+$0xFFFFFFC0] =	vst v5;
	v4 =	vadd.f32 v4, v0;
	v2 =	vsel vm0, v61, v2  }
0x5b: {  	[tilespmem:s0+$0xFFFFFFD0] =	vst v6;
	v2 =	vadd.f32 v2, v0;
	v1 =	vsel vm0, v3, v1  }
0x5c: {  	[tilespmem:s0+$0xFFFFFFF0] =	vst v4;
	v1 =	vadd.f32 v1, v0  }
0x5d: {  	[tilespmem:s0+$0xFFFFFFE0] =	vst v2  }
0x5e: {  	s2 =	simm.s32 $0x10;
	s1 =	simm.s32 $0x80;
	[tilespmem:s0+$0x0] =	vst v1  }
.LBB2_4:
0x5f: {  	p0 =	sne.s32 s1, $0x180;
	v1 =	vld [tilespmem:s2+$0x480];
	_ =	sdelay $0x4  }
0x60: {  	v2 =	vbroadcast v1, $0x0;
	v3 =	vbroadcast v1, $0x1  }
0x61: {  	v4 =	vbroadcast v1, $0x2;
	v5 =	vbroadcast v1, $0x3  }
0x62: {  	v6 =	vbroadcast v1, $0x5;
	v2 =	vsel vm0, v2, v3;
	v3 =	vbroadcast v1, $0x4  }
0x63: {  	v4 =	vsel vm0, v4, v5;
	v5 =	vbroadcast v1, $0x6;
	v2 =	vadd.f32 v2, v0  }
0x64: {  	s0 =	sadd.s32 $0x400, s0;
	v4 =	vadd.f32 v4, v0;
	v3 =	vsel vm0, v3, v6;
	v6 =	vbroadcast v1, $0x7  }
0x65: {  	v7 =	vbroadcast v1, $0x9;
	[tilespmem:s0+$0xFFFFFF90] =	vst v2;
	v2 =	vadd.f32 v3, v0;
	v3 =	vbroadcast v1, $0x8  }
0x66: {  	[tilespmem:s0+$0xFFFFFFA0] =	vst v4;
	v4 =	vsel vm0, v5, v6;
	v5 =	vbroadcast v1, $0xA;
	v6 =	vbroadcast v1, $0xB  }
0x67: {  	[tilespmem:s0+$0xFFFFFFB0] =	vst v2;
	v2 =	vadd.f32 v4, v0;
	v3 =	vsel vm0, v3, v7;
	v4 =	vbroadcast v1, $0xC  }
0x68: {  	v3 =	vadd.f32 v3, v0;
	v5 =	vsel vm0, v5, v6;
	v6 =	vbroadcast v1, $0xD  }
0x69: {  	[tilespmem:s0+$0xFFFFFFC0] =	vst v2;
	v2 =	vadd.f32 v5, v0;
	v5 =	vbroadcast v1, $0xE;
	v1 =	vbroadcast v1, $0xF  }
.Ltmp1:
0x6a: {  	[tilespmem:s0+$0xFFFFFFD0] =	vst v3;
	v3 =	vsel vm0, v4, v6;
	(pc) =	sbr.rel @p0 .LBB2_4-.Ltmp1, $4  }
0x6b: {  	[tilespmem:s0+$0xFFFFFFE0] =	vst v2;
	v2 =	vadd.f32 v3, v0;
	v1 =	vsel vm0, v5, v1  }
0x6c: {  	v1 =	vadd.f32 v1, v0  }
0x6d: {  	[tilespmem:s0+$0xFFFFFFF0] =	vst v2  }
0x6e: {  	s2 =	sshra.s32 s1, $0x2;
	s1 =	sadd.s32 $0x40, s1;
	[tilespmem:s0+$0x0] =	vst v1  }
0x6f: {  	v1 =	vld [tilespmem:s2+$0x480];
	_ =	sdelay $0x4  }
0x70: {  	v2 =	vbroadcast v1, $0x0  }
0x71: {  	v3 =	vbroadcast v1, $0x1;
	v4 =	vbroadcast v1, $0x2  }
0x72: {  	v5 =	vbroadcast v1, $0x3;
	v6 =	vbroadcast v1, $0x5  }
0x73: {  	v49 =	vbroadcast v1, $0x6;
	v7 =	vbroadcast v1, $0x7  }
0x74: {  	v50 =	vbroadcast v1, $0x8;
	v8 =	vbroadcast v1, $0x9  }
0x75: {  	v51 =	vbroadcast v1, $0xA;
	v2 =	vsel vm0, v2, v3;
	v3 =	vbroadcast v1, $0x4  }
0x76: {  	v52 =	vbroadcast v1, $0xC;
	v4 =	vsel vm0, v4, v5;
	v2 =	vadd.f32 v2, v0  }
0x77: {  	s0 =	sadd.s32 $0x400, s0;
	v53 =	vbroadcast v1, $0xD;
	v4 =	vadd.f32 v4, v0;
	v3 =	vsel vm0, v3, v6  }
0x78: {  	v5 =	vsel vm0, v49, v7;
	v6 =	vsel vm0, v50, v8;
	v3 =	vadd.f32 v3, v0;
	[tilespmem:s0+$0xFFFFFF90] =	vst v2  }
0x79: {  	v5 =	vadd.f32 v5, v0;
	v2 =	vbroadcast v1, $0xB;
	[tilespmem:s0+$0xFFFFFFA0] =	vst v4;
	v6 =	vadd.f32 v6, v0  }
0x7a: {  	v4 =	vsel vm0, v52, v53;
	[tilespmem:s0+$0xFFFFFFB0] =	vst v3;
	v3 =	vbroadcast v1, $0xE;
	v1 =	vbroadcast v1, $0xF  }
0x7b: {  	[tilespmem:s0+$0xFFFFFFC0] =	vst v5;
	v4 =	vadd.f32 v4, v0;
	v2 =	vsel vm0, v51, v2  }
0x7c: {  	[tilespmem:s0+$0xFFFFFFD0] =	vst v6;
	v2 =	vadd.f32 v2, v0;
	v1 =	vsel vm0, v3, v1  }
0x7d: {  	[tilespmem:s0+$0xFFFFFFF0] =	vst v4;
	v0 =	vadd.f32 v1, v0  }
0x7e: {  	[tilespmem:s0+$0xFFFFFFE0] =	vst v2  }
0x7f: {  	s31 =	simm.s32 $0x0;
	[tilespmem:s0+$0x0] =	vst v0  }
0x80: {  	v1 =	vld [tilespmem:s31+$0x500];
	_ =	sdelay $0x4  }
0x81: {  	v2 =	vbroadcast v1, $0x0  }
0x82: {  	v0 =	vld [tilespmem:$0x900];
	v3 =	vbroadcast v1, $0x1;
	v54 =	vbroadcast v1, $0x2  }
0x83: {  	v55 =	vbroadcast v1, $0x3;
	v56 =	vbroadcast v1, $0x5  }
0x84: {  	v57 =	vbroadcast v1, $0x6;
	v58 =	vbroadcast v1, $0x7  }
0x85: {  	v59 =	vbroadcast v1, $0x8;
	v60 =	vbroadcast v1, $0x9  }
0x86: {  	v61 =	vbroadcast v1, $0xA;
	v2 =	vsel vm0, v2, v3;
	v3 =	vbroadcast v1, $0x4  }
0x87: {  	v62 =	vbroadcast v1, $0xC;
	v4 =	vsel vm0, v54, v55;
	v2 =	vadd.f32 v2, v0  }
0x88: {  	s0 =	simm.s32 $0xD70;
	v63 =	vbroadcast v1, $0xD;
	v4 =	vadd.f32 v4, v0;
	v3 =	vsel vm0, v3, v56  }
0x89: {  	v5 =	vsel vm0, v57, v58;
	v6 =	vsel vm0, v59, v60;
	v3 =	vadd.f32 v3, v0;
	[tilespmem:s0+$0xFFFFFF90] =	vst v2  }
0x8a: {  	v5 =	vadd.f32 v5, v0;
	v6 =	vadd.f32 v6, v0;
	v2 =	vbroadcast v1, $0xB;
	[tilespmem:s0+$0xFFFFFFA0] =	vst v4  }
0x8b: {  	v4 =	vsel vm0, v62, v63;
	[tilespmem:s0+$0xFFFFFFB0] =	vst v3;
	v3 =	vbroadcast v1, $0xE;
	v1 =	vbroadcast v1, $0xF  }
0x8c: {  	[tilespmem:s0+$0xFFFFFFC0] =	vst v5;
	v4 =	vadd.f32 v4, v0;
	v2 =	vsel vm0, v61, v2  }
0x8d: {  	[tilespmem:s0+$0xFFFFFFD0] =	vst v6;
	v2 =	vadd.f32 v2, v0;
	v1 =	vsel vm0, v3, v1  }
0x8e: {  	[tilespmem:s0+$0xFFFFFFF0] =	vst v4;
	v1 =	vadd.f32 v1, v0  }
0x8f: {  	[tilespmem:s0+$0xFFFFFFE0] =	vst v2  }
0x90: {  	s2 =	simm.s32 $0x10;
	s1 =	simm.s32 $0x80;
	[tilespmem:s0+$0x0] =	vst v1  }
.LBB2_6:
0x91: {  	p0 =	sne.s32 s1, $0x180;
	v1 =	vld [tilespmem:s2+$0x500];
	_ =	sdelay $0x4  }
0x92: {  	v2 =	vbroadcast v1, $0x0;
	v3 =	vbroadcast v1, $0x1  }
0x93: {  	v4 =	vbroadcast v1, $0x2;
	v5 =	vbroadcast v1, $0x3  }
0x94: {  	v6 =	vbroadcast v1, $0x5;
	v2 =	vsel vm0, v2, v3;
	v3 =	vbroadcast v1, $0x4  }
0x95: {  	v4 =	vsel vm0, v4, v5;
	v5 =	vbroadcast v1, $0x6;
	v2 =	vadd.f32 v2, v0  }
0x96: {  	s0 =	sadd.s32 $0x400, s0;
	v4 =	vadd.f32 v4, v0;
	v3 =	vsel vm0, v3, v6;
	v6 =	vbroadcast v1, $0x7  }
0x97: {  	v7 =	vbroadcast v1, $0x9;
	[tilespmem:s0+$0xFFFFFF90] =	vst v2;
	v2 =	vadd.f32 v3, v0;
	v3 =	vbroadcast v1, $0x8  }
0x98: {  	[tilespmem:s0+$0xFFFFFFA0] =	vst v4;
	v4 =	vsel vm0, v5, v6;
	v5 =	vbroadcast v1, $0xA;
	v6 =	vbroadcast v1, $0xB  }
0x99: {  	[tilespmem:s0+$0xFFFFFFB0] =	vst v2;
	v2 =	vadd.f32 v4, v0;
	v3 =	vsel vm0, v3, v7;
	v4 =	vbroadcast v1, $0xC  }
0x9a: {  	v3 =	vadd.f32 v3, v0;
	v5 =	vsel vm0, v5, v6;
	v6 =	vbroadcast v1, $0xD  }
0x9b: {  	[tilespmem:s0+$0xFFFFFFC0] =	vst v2;
	v2 =	vadd.f32 v5, v0;
	v5 =	vbroadcast v1, $0xE;
	v1 =	vbroadcast v1, $0xF  }
.Ltmp2:
0x9c: {  	[tilespmem:s0+$0xFFFFFFD0] =	vst v3;
	v3 =	vsel vm0, v4, v6;
	(pc) =	sbr.rel @p0 .LBB2_6-.Ltmp2, $4  }
0x9d: {  	[tilespmem:s0+$0xFFFFFFE0] =	vst v2;
	v2 =	vadd.f32 v3, v0;
	v1 =	vsel vm0, v5, v1  }
0x9e: {  	v1 =	vadd.f32 v1, v0  }
0x9f: {  	[tilespmem:s0+$0xFFFFFFF0] =	vst v2  }
0xa0: {  	s2 =	sshra.s32 s1, $0x2;
	s1 =	sadd.s32 $0x40, s1;
	[tilespmem:s0+$0x0] =	vst v1  }
0xa1: {  	v1 =	vld [tilespmem:s2+$0x500];
	_ =	sdelay $0x4  }
0xa2: {  	v2 =	vbroadcast v1, $0x0  }
0xa3: {  	v3 =	vbroadcast v1, $0x1;
	v4 =	vbroadcast v1, $0x2  }
0xa4: {  	v5 =	vbroadcast v1, $0x3;
	v6 =	vbroadcast v1, $0x5  }
0xa5: {  	v49 =	vbroadcast v1, $0x6;
	v7 =	vbroadcast v1, $0x7  }
0xa6: {  	v50 =	vbroadcast v1, $0x8;
	v8 =	vbroadcast v1, $0x9  }
0xa7: {  	v51 =	vbroadcast v1, $0xA;
	v2 =	vsel vm0, v2, v3;
	v3 =	vbroadcast v1, $0x4  }
0xa8: {  	v52 =	vbroadcast v1, $0xC;
	v4 =	vsel vm0, v4, v5;
	v2 =	vadd.f32 v2, v0  }
0xa9: {  	s0 =	sadd.s32 $0x400, s0;
	v53 =	vbroadcast v1, $0xD;
	v4 =	vadd.f32 v4, v0;
	v3 =	vsel vm0, v3, v6  }
0xaa: {  	v5 =	vsel vm0, v49, v7;
	v6 =	vsel vm0, v50, v8;
	v3 =	vadd.f32 v3, v0;
	[tilespmem:s0+$0xFFFFFF90] =	vst v2  }
0xab: {  	v5 =	vadd.f32 v5, v0;
	v2 =	vbroadcast v1, $0xB;
	[tilespmem:s0+$0xFFFFFFA0] =	vst v4;
	v6 =	vadd.f32 v6, v0  }
0xac: {  	v4 =	vsel vm0, v52, v53;
	[tilespmem:s0+$0xFFFFFFB0] =	vst v3;
	v3 =	vbroadcast v1, $0xE;
	v1 =	vbroadcast v1, $0xF  }
0xad: {  	[tilespmem:s0+$0xFFFFFFC0] =	vst v5;
	v4 =	vadd.f32 v4, v0;
	v2 =	vsel vm0, v51, v2  }
0xae: {  	[tilespmem:s0+$0xFFFFFFD0] =	vst v6;
	v2 =	vadd.f32 v2, v0;
	v1 =	vsel vm0, v3, v1  }
0xaf: {  	[tilespmem:s0+$0xFFFFFFF0] =	vst v4;
	v0 =	vadd.f32 v1, v0  }
0xb0: {  	[tilespmem:s0+$0xFFFFFFE0] =	vst v2  }
0xb1: {  	s31 =	simm.s32 $0x0;
	[tilespmem:s0+$0x0] =	vst v0  }
0xb2: {  	v1 =	vld [tilespmem:s31+$0x580];
	_ =	sdelay $0x4  }
0xb3: {  	v2 =	vbroadcast v1, $0x0  }
0xb4: {  	v0 =	vld [tilespmem:$0x980];
	v3 =	vbroadcast v1, $0x1;
	v54 =	vbroadcast v1, $0x2  }
0xb5: {  	v55 =	vbroadcast v1, $0x3;
	v56 =	vbroadcast v1, $0x5  }
0xb6: {  	v57 =	vbroadcast v1, $0x6;
	v58 =	vbroadcast v1, $0x7  }
0xb7: {  	v59 =	vbroadcast v1, $0x8;
	v60 =	vbroadcast v1, $0x9  }
0xb8: {  	v61 =	vbroadcast v1, $0xA;
	v2 =	vsel vm0, v2, v3;
	v3 =	vbroadcast v1, $0x4  }
0xb9: {  	v62 =	vbroadcast v1, $0xC;
	v4 =	vsel vm0, v54, v55;
	v2 =	vadd.f32 v2, v0  }
0xba: {  	s0 =	simm.s32 $0xDF0;
	v63 =	vbroadcast v1, $0xD;
	v4 =	vadd.f32 v4, v0;
	v3 =	vsel vm0, v3, v56  }
0xbb: {  	v5 =	vsel vm0, v57, v58;
	v6 =	vsel vm0, v59, v60;
	v3 =	vadd.f32 v3, v0;
	[tilespmem:s0+$0xFFFFFF90] =	vst v2  }
0xbc: {  	v5 =	vadd.f32 v5, v0;
	v6 =	vadd.f32 v6, v0;
	v2 =	vbroadcast v1, $0xB;
	[tilespmem:s0+$0xFFFFFFA0] =	vst v4  }
0xbd: {  	v4 =	vsel vm0, v62, v63;
	[tilespmem:s0+$0xFFFFFFB0] =	vst v3;
	v3 =	vbroadcast v1, $0xE;
	v1 =	vbroadcast v1, $0xF  }
0xbe: {  	[tilespmem:s0+$0xFFFFFFC0] =	vst v5;
	v4 =	vadd.f32 v4, v0;
	v2 =	vsel vm0, v61, v2  }
0xbf: {  	[tilespmem:s0+$0xFFFFFFD0] =	vst v6;
	v2 =	vadd.f32 v2, v0;
	v1 =	vsel vm0, v3, v1  }
0xc0: {  	[tilespmem:s0+$0xFFFFFFF0] =	vst v4;
	v1 =	vadd.f32 v1, v0  }
0xc1: {  	[tilespmem:s0+$0xFFFFFFE0] =	vst v2  }
0xc2: {  	s2 =	simm.s32 $0x10;
	s1 =	simm.s32 $0x80;
	[tilespmem:s0+$0x0] =	vst v1  }
.LBB2_8:
0xc3: {  	p0 =	sne.s32 s1, $0x180;
	v1 =	vld [tilespmem:s2+$0x580];
	_ =	sdelay $0x4  }
0xc4: {  	v2 =	vbroadcast v1, $0x0;
	v3 =	vbroadcast v1, $0x1  }
0xc5: {  	v4 =	vbroadcast v1, $0x2;
	v5 =	vbroadcast v1, $0x3  }
0xc6: {  	v6 =	vbroadcast v1, $0x5;
	v2 =	vsel vm0, v2, v3;
	v3 =	vbroadcast v1, $0x4  }
0xc7: {  	v4 =	vsel vm0, v4, v5;
	v5 =	vbroadcast v1, $0x6;
	v2 =	vadd.f32 v2, v0  }
0xc8: {  	s0 =	sadd.s32 $0x400, s0;
	v4 =	vadd.f32 v4, v0;
	v3 =	vsel vm0, v3, v6;
	v6 =	vbroadcast v1, $0x7  }
0xc9: {  	v7 =	vbroadcast v1, $0x9;
	[tilespmem:s0+$0xFFFFFF90] =	vst v2;
	v2 =	vadd.f32 v3, v0;
	v3 =	vbroadcast v1, $0x8  }
0xca: {  	[tilespmem:s0+$0xFFFFFFA0] =	vst v4;
	v4 =	vsel vm0, v5, v6;
	v5 =	vbroadcast v1, $0xA;
	v6 =	vbroadcast v1, $0xB  }
0xcb: {  	[tilespmem:s0+$0xFFFFFFB0] =	vst v2;
	v2 =	vadd.f32 v4, v0;
	v3 =	vsel vm0, v3, v7;
	v4 =	vbroadcast v1, $0xC  }
0xcc: {  	v3 =	vadd.f32 v3, v0;
	v5 =	vsel vm0, v5, v6;
	v6 =	vbroadcast v1, $0xD  }
0xcd: {  	[tilespmem:s0+$0xFFFFFFC0] =	vst v2;
	v2 =	vadd.f32 v5, v0;
	v5 =	vbroadcast v1, $0xE;
	v1 =	vbroadcast v1, $0xF  }
.Ltmp3:
0xce: {  	[tilespmem:s0+$0xFFFFFFD0] =	vst v3;
	v3 =	vsel vm0, v4, v6;
	(pc) =	sbr.rel @p0 .LBB2_8-.Ltmp3, $4  }
0xcf: {  	[tilespmem:s0+$0xFFFFFFE0] =	vst v2;
	v2 =	vadd.f32 v3, v0;
	v1 =	vsel vm0, v5, v1  }
0xd0: {  	v1 =	vadd.f32 v1, v0  }
0xd1: {  	[tilespmem:s0+$0xFFFFFFF0] =	vst v2  }
0xd2: {  	s2 =	sshra.s32 s1, $0x2;
	s1 =	sadd.s32 $0x40, s1;
	[tilespmem:s0+$0x0] =	vst v1  }
0xd3: {  	v1 =	vld [tilespmem:s2+$0x580];
	_ =	sdelay $0x4  }
0xd4: {  	v2 =	vbroadcast v1, $0x0  }
0xd5: {  	v3 =	vbroadcast v1, $0x1;
	v4 =	vbroadcast v1, $0x2  }
0xd6: {  	v5 =	vbroadcast v1, $0x3;
	v6 =	vbroadcast v1, $0x5  }
0xd7: {  	v49 =	vbroadcast v1, $0x6;
	v7 =	vbroadcast v1, $0x7  }
0xd8: {  	v50 =	vbroadcast v1, $0x8;
	v8 =	vbroadcast v1, $0x9  }
0xd9: {  	v51 =	vbroadcast v1, $0xA;
	v2 =	vsel vm0, v2, v3;
	v3 =	vbroadcast v1, $0x4  }
0xda: {  	v52 =	vbroadcast v1, $0xC;
	v4 =	vsel vm0, v4, v5;
	v2 =	vadd.f32 v2, v0  }
0xdb: {  	s0 =	sadd.s32 $0x400, s0;
	v53 =	vbroadcast v1, $0xD;
	v4 =	vadd.f32 v4, v0;
	v3 =	vsel vm0, v3, v6  }
0xdc: {  	v5 =	vsel vm0, v49, v7;
	v6 =	vsel vm0, v50, v8;
	v3 =	vadd.f32 v3, v0;
	[tilespmem:s0+$0xFFFFFF90] =	vst v2  }
0xdd: {  	v5 =	vadd.f32 v5, v0;
	v2 =	vbroadcast v1, $0xB;
	[tilespmem:s0+$0xFFFFFFA0] =	vst v4;
	v6 =	vadd.f32 v6, v0  }
0xde: {  	v4 =	vsel vm0, v52, v53;
	[tilespmem:s0+$0xFFFFFFB0] =	vst v3;
	v3 =	vbroadcast v1, $0xE;
	v1 =	vbroadcast v1, $0xF  }
0xdf: {  	[tilespmem:s0+$0xFFFFFFC0] =	vst v5;
	v4 =	vadd.f32 v4, v0;
	v2 =	vsel vm0, v51, v2  }
0xe0: {  	[tilespmem:s0+$0xFFFFFFD0] =	vst v6;
	v2 =	vadd.f32 v2, v0;
	v1 =	vsel vm0, v3, v1  }
0xe1: {  	[tilespmem:s0+$0xFFFFFFF0] =	vst v4;
	v0 =	vadd.f32 v1, v0  }
0xe2: {  	[tilespmem:s0+$0xFFFFFFE0] =	vst v2  }
0xe3: {  	s31 =	simm.s32 $0x0;
	[tilespmem:s0+$0x0] =	vst v0  }
0xe4: {  	v1 =	vld [tilespmem:s31+$0x600];
	_ =	sdelay $0x4  }
0xe5: {  	v2 =	vbroadcast v1, $0x0  }
0xe6: {  	v0 =	vld [tilespmem:$0xA00];
	v3 =	vbroadcast v1, $0x1;
	v54 =	vbroadcast v1, $0x2  }
0xe7: {  	v55 =	vbroadcast v1, $0x3;
	v56 =	vbroadcast v1, $0x5  }
0xe8: {  	v57 =	vbroadcast v1, $0x6;
	v58 =	vbroadcast v1, $0x7  }
0xe9: {  	v59 =	vbroadcast v1, $0x8;
	v60 =	vbroadcast v1, $0x9  }
0xea: {  	v61 =	vbroadcast v1, $0xA;
	v2 =	vsel vm0, v2, v3;
	v3 =	vbroadcast v1, $0x4  }
0xeb: {  	v62 =	vbroadcast v1, $0xC;
	v4 =	vsel vm0, v54, v55;
	v2 =	vadd.f32 v2, v0  }
0xec: {  	s0 =	simm.s32 $0xE70;
	v63 =	vbroadcast v1, $0xD;
	v4 =	vadd.f32 v4, v0;
	v3 =	vsel vm0, v3, v56  }
0xed: {  	v5 =	vsel vm0, v57, v58;
	v6 =	vsel vm0, v59, v60;
	v3 =	vadd.f32 v3, v0;
	[tilespmem:s0+$0xFFFFFF90] =	vst v2  }
0xee: {  	v5 =	vadd.f32 v5, v0;
	v6 =	vadd.f32 v6, v0;
	v2 =	vbroadcast v1, $0xB;
	[tilespmem:s0+$0xFFFFFFA0] =	vst v4  }
0xef: {  	v4 =	vsel vm0, v62, v63;
	[tilespmem:s0+$0xFFFFFFB0] =	vst v3;
	v3 =	vbroadcast v1, $0xE;
	v1 =	vbroadcast v1, $0xF  }
0xf0: {  	[tilespmem:s0+$0xFFFFFFC0] =	vst v5;
	v4 =	vadd.f32 v4, v0;
	v2 =	vsel vm0, v61, v2  }
0xf1: {  	[tilespmem:s0+$0xFFFFFFD0] =	vst v6;
	v2 =	vadd.f32 v2, v0;
	v1 =	vsel vm0, v3, v1  }
0xf2: {  	[tilespmem:s0+$0xFFFFFFF0] =	vst v4;
	v1 =	vadd.f32 v1, v0  }
0xf3: {  	[tilespmem:s0+$0xFFFFFFE0] =	vst v2  }
0xf4: {  	s2 =	simm.s32 $0x10;
	s1 =	simm.s32 $0x80;
	[tilespmem:s0+$0x0] =	vst v1  }
.LBB2_10:
0xf5: {  	p0 =	sne.s32 s1, $0x180;
	v1 =	vld [tilespmem:s2+$0x600];
	_ =	sdelay $0x4  }
0xf6: {  	v2 =	vbroadcast v1, $0x0;
	v3 =	vbroadcast v1, $0x1  }
0xf7: {  	v4 =	vbroadcast v1, $0x2;
	v5 =	vbroadcast v1, $0x3  }
0xf8: {  	v6 =	vbroadcast v1, $0x5;
	v2 =	vsel vm0, v2, v3;
	v3 =	vbroadcast v1, $0x4  }
0xf9: {  	v4 =	vsel vm0, v4, v5;
	v5 =	vbroadcast v1, $0x6;
	v2 =	vadd.f32 v2, v0  }
0xfa: {  	s0 =	sadd.s32 $0x400, s0;
	v4 =	vadd.f32 v4, v0;
	v3 =	vsel vm0, v3, v6;
	v6 =	vbroadcast v1, $0x7  }
0xfb: {  	v7 =	vbroadcast v1, $0x9;
	[tilespmem:s0+$0xFFFFFF90] =	vst v2;
	v2 =	vadd.f32 v3, v0;
	v3 =	vbroadcast v1, $0x8  }
0xfc: {  	[tilespmem:s0+$0xFFFFFFA0] =	vst v4;
	v4 =	vsel vm0, v5, v6;
	v5 =	vbroadcast v1, $0xA;
	v6 =	vbroadcast v1, $0xB  }
0xfd: {  	[tilespmem:s0+$0xFFFFFFB0] =	vst v2;
	v2 =	vadd.f32 v4, v0;
	v3 =	vsel vm0, v3, v7;
	v4 =	vbroadcast v1, $0xC  }
0xfe: {  	v3 =	vadd.f32 v3, v0;
	v5 =	vsel vm0, v5, v6;
	v6 =	vbroadcast v1, $0xD  }
0xff: {  	[tilespmem:s0+$0xFFFFFFC0] =	vst v2;
	v2 =	vadd.f32 v5, v0;
	v5 =	vbroadcast v1, $0xE;
	v1 =	vbroadcast v1, $0xF  }
.Ltmp4:
0x100: {  	[tilespmem:s0+$0xFFFFFFD0] =	vst v3;
	v3 =	vsel vm0, v4, v6;
	(pc) =	sbr.rel @p0 .LBB2_10-.Ltmp4, $4  }
0x101: {  	[tilespmem:s0+$0xFFFFFFE0] =	vst v2;
	v2 =	vadd.f32 v3, v0;
	v1 =	vsel vm0, v5, v1  }
0x102: {  	v1 =	vadd.f32 v1, v0  }
0x103: {  	[tilespmem:s0+$0xFFFFFFF0] =	vst v2  }
0x104: {  	s2 =	sshra.s32 s1, $0x2;
	s1 =	sadd.s32 $0x40, s1;
	[tilespmem:s0+$0x0] =	vst v1  }
0x105: {  	v1 =	vld [tilespmem:s2+$0x600];
	_ =	sdelay $0x4  }
0x106: {  	v2 =	vbroadcast v1, $0x0  }
0x107: {  	v3 =	vbroadcast v1, $0x1;
	v4 =	vbroadcast v1, $0x2  }
0x108: {  	v5 =	vbroadcast v1, $0x3;
	v6 =	vbroadcast v1, $0x5  }
0x109: {  	v49 =	vbroadcast v1, $0x6;
	v7 =	vbroadcast v1, $0x7  }
0x10a: {  	v50 =	vbroadcast v1, $0x8;
	v8 =	vbroadcast v1, $0x9  }
0x10b: {  	v51 =	vbroadcast v1, $0xA;
	v2 =	vsel vm0, v2, v3;
	v3 =	vbroadcast v1, $0x4  }
0x10c: {  	v52 =	vbroadcast v1, $0xC;
	v4 =	vsel vm0, v4, v5;
	v2 =	vadd.f32 v2, v0  }
0x10d: {  	s0 =	sadd.s32 $0x400, s0;
	v53 =	vbroadcast v1, $0xD;
	v4 =	vadd.f32 v4, v0;
	v3 =	vsel vm0, v3, v6  }
0x10e: {  	v5 =	vsel vm0, v49, v7;
	v6 =	vsel vm0, v50, v8;
	v3 =	vadd.f32 v3, v0;
	[tilespmem:s0+$0xFFFFFF90] =	vst v2  }
0x10f: {  	v5 =	vadd.f32 v5, v0;
	v2 =	vbroadcast v1, $0xB;
	[tilespmem:s0+$0xFFFFFFA0] =	vst v4;
	v6 =	vadd.f32 v6, v0  }
0x110: {  	v4 =	vsel vm0, v52, v53;
	[tilespmem:s0+$0xFFFFFFB0] =	vst v3;
	v3 =	vbroadcast v1, $0xE;
	v1 =	vbroadcast v1, $0xF  }
0x111: {  	[tilespmem:s0+$0xFFFFFFC0] =	vst v5;
	v4 =	vadd.f32 v4, v0;
	v2 =	vsel vm0, v51, v2  }
0x112: {  	[tilespmem:s0+$0xFFFFFFD0] =	vst v6;
	v2 =	vadd.f32 v2, v0;
	v1 =	vsel vm0, v3, v1  }
0x113: {  	[tilespmem:s0+$0xFFFFFFF0] =	vst v4;
	v0 =	vadd.f32 v1, v0  }
0x114: {  	[tilespmem:s0+$0xFFFFFFE0] =	vst v2  }
0x115: {  	s31 =	simm.s32 $0x0;
	[tilespmem:s0+$0x0] =	vst v0  }
0x116: {  	v1 =	vld [tilespmem:s31+$0x680];
	_ =	sdelay $0x4  }
0x117: {  	v2 =	vbroadcast v1, $0x0  }
0x118: {  	v0 =	vld [tilespmem:$0xA80];
	v3 =	vbroadcast v1, $0x1;
	v54 =	vbroadcast v1, $0x2  }
0x119: {  	v55 =	vbroadcast v1, $0x3;
	v56 =	vbroadcast v1, $0x5  }
0x11a: {  	v57 =	vbroadcast v1, $0x6;
	v58 =	vbroadcast v1, $0x7  }
0x11b: {  	v59 =	vbroadcast v1, $0x8;
	v60 =	vbroadcast v1, $0x9  }
0x11c: {  	v61 =	vbroadcast v1, $0xA;
	v2 =	vsel vm0, v2, v3;
	v3 =	vbroadcast v1, $0x4  }
0x11d: {  	v62 =	vbroadcast v1, $0xC;
	v4 =	vsel vm0, v54, v55;
	v2 =	vadd.f32 v2, v0  }
0x11e: {  	s0 =	simm.s32 $0xEF0;
	v63 =	vbroadcast v1, $0xD;
	v4 =	vadd.f32 v4, v0;
	v3 =	vsel vm0, v3, v56  }
0x11f: {  	v5 =	vsel vm0, v57, v58;
	v6 =	vsel vm0, v59, v60;
	v3 =	vadd.f32 v3, v0;
	[tilespmem:s0+$0xFFFFFF90] =	vst v2  }
0x120: {  	v5 =	vadd.f32 v5, v0;
	v6 =	vadd.f32 v6, v0;
	v2 =	vbroadcast v1, $0xB;
	[tilespmem:s0+$0xFFFFFFA0] =	vst v4  }
0x121: {  	v4 =	vsel vm0, v62, v63;
	[tilespmem:s0+$0xFFFFFFB0] =	vst v3;
	v3 =	vbroadcast v1, $0xE;
	v1 =	vbroadcast v1, $0xF  }
0x122: {  	[tilespmem:s0+$0xFFFFFFC0] =	vst v5;
	v4 =	vadd.f32 v4, v0;
	v2 =	vsel vm0, v61, v2  }
0x123: {  	[tilespmem:s0+$0xFFFFFFD0] =	vst v6;
	v2 =	vadd.f32 v2, v0;
	v1 =	vsel vm0, v3, v1  }
0x124: {  	[tilespmem:s0+$0xFFFFFFF0] =	vst v4;
	v1 =	vadd.f32 v1, v0  }
0x125: {  	[tilespmem:s0+$0xFFFFFFE0] =	vst v2  }
0x126: {  	s2 =	simm.s32 $0x10;
	s1 =	simm.s32 $0x80;
	[tilespmem:s0+$0x0] =	vst v1  }
.LBB2_12:
0x127: {  	p0 =	sne.s32 s1, $0x180;
	v1 =	vld [tilespmem:s2+$0x680];
	_ =	sdelay $0x4  }
0x128: {  	v2 =	vbroadcast v1, $0x0;
	v3 =	vbroadcast v1, $0x1  }
0x129: {  	v4 =	vbroadcast v1, $0x2;
	v5 =	vbroadcast v1, $0x3  }
0x12a: {  	v6 =	vbroadcast v1, $0x5;
	v2 =	vsel vm0, v2, v3;
	v3 =	vbroadcast v1, $0x4  }
0x12b: {  	v4 =	vsel vm0, v4, v5;
	v5 =	vbroadcast v1, $0x6;
	v2 =	vadd.f32 v2, v0  }
0x12c: {  	s0 =	sadd.s32 $0x400, s0;
	v4 =	vadd.f32 v4, v0;
	v3 =	vsel vm0, v3, v6;
	v6 =	vbroadcast v1, $0x7  }
0x12d: {  	v7 =	vbroadcast v1, $0x9;
	[tilespmem:s0+$0xFFFFFF90] =	vst v2;
	v2 =	vadd.f32 v3, v0;
	v3 =	vbroadcast v1, $0x8  }
0x12e: {  	[tilespmem:s0+$0xFFFFFFA0] =	vst v4;
	v4 =	vsel vm0, v5, v6;
	v5 =	vbroadcast v1, $0xA;
	v6 =	vbroadcast v1, $0xB  }
0x12f: {  	[tilespmem:s0+$0xFFFFFFB0] =	vst v2;
	v2 =	vadd.f32 v4, v0;
	v3 =	vsel vm0, v3, v7;
	v4 =	vbroadcast v1, $0xC  }
0x130: {  	v3 =	vadd.f32 v3, v0;
	v5 =	vsel vm0, v5, v6;
	v6 =	vbroadcast v1, $0xD  }
0x131: {  	[tilespmem:s0+$0xFFFFFFC0] =	vst v2;
	v2 =	vadd.f32 v5, v0;
	v5 =	vbroadcast v1, $0xE;
	v1 =	vbroadcast v1, $0xF  }
.Ltmp5:
0x132: {  	[tilespmem:s0+$0xFFFFFFD0] =	vst v3;
	v3 =	vsel vm0, v4, v6;
	(pc) =	sbr.rel @p0 .LBB2_12-.Ltmp5, $4  }
0x133: {  	[tilespmem:s0+$0xFFFFFFE0] =	vst v2;
	v2 =	vadd.f32 v3, v0;
	v1 =	vsel vm0, v5, v1  }
0x134: {  	v1 =	vadd.f32 v1, v0  }
0x135: {  	[tilespmem:s0+$0xFFFFFFF0] =	vst v2  }
0x136: {  	s2 =	sshra.s32 s1, $0x2;
	s1 =	sadd.s32 $0x40, s1;
	[tilespmem:s0+$0x0] =	vst v1  }
0x137: {  	v1 =	vld [tilespmem:s2+$0x680];
	_ =	sdelay $0x4  }
0x138: {  	v2 =	vbroadcast v1, $0x0  }
0x139: {  	v3 =	vbroadcast v1, $0x1;
	v4 =	vbroadcast v1, $0x2  }
0x13a: {  	v5 =	vbroadcast v1, $0x3;
	v6 =	vbroadcast v1, $0x5  }
0x13b: {  	v49 =	vbroadcast v1, $0x6;
	v7 =	vbroadcast v1, $0x7  }
0x13c: {  	v50 =	vbroadcast v1, $0x8;
	v8 =	vbroadcast v1, $0x9  }
0x13d: {  	v51 =	vbroadcast v1, $0xA;
	v2 =	vsel vm0, v2, v3;
	v3 =	vbroadcast v1, $0x4  }
0x13e: {  	v52 =	vbroadcast v1, $0xC;
	v4 =	vsel vm0, v4, v5;
	v2 =	vadd.f32 v2, v0  }
0x13f: {  	s0 =	sadd.s32 $0x400, s0;
	v53 =	vbroadcast v1, $0xD;
	v4 =	vadd.f32 v4, v0;
	v3 =	vsel vm0, v3, v6  }
0x140: {  	v5 =	vsel vm0, v49, v7;
	v6 =	vsel vm0, v50, v8;
	v3 =	vadd.f32 v3, v0;
	[tilespmem:s0+$0xFFFFFF90] =	vst v2  }
0x141: {  	v5 =	vadd.f32 v5, v0;
	v2 =	vbroadcast v1, $0xB;
	[tilespmem:s0+$0xFFFFFFA0] =	vst v4;
	v6 =	vadd.f32 v6, v0  }
0x142: {  	v4 =	vsel vm0, v52, v53;
	[tilespmem:s0+$0xFFFFFFB0] =	vst v3;
	v3 =	vbroadcast v1, $0xE;
	v1 =	vbroadcast v1, $0xF  }
0x143: {  	[tilespmem:s0+$0xFFFFFFC0] =	vst v5;
	v4 =	vadd.f32 v4, v0;
	v2 =	vsel vm0, v51, v2  }
0x144: {  	[tilespmem:s0+$0xFFFFFFD0] =	vst v6;
	v2 =	vadd.f32 v2, v0;
	v1 =	vsel vm0, v3, v1  }
0x145: {  	[tilespmem:s0+$0xFFFFFFF0] =	vst v4;
	v0 =	vadd.f32 v1, v0  }
0x146: {  	[tilespmem:s0+$0xFFFFFFE0] =	vst v2  }
0x147: {  	s31 =	simm.s32 $0x0;
	[tilespmem:s0+$0x0] =	vst v0  }
0x148: {  	v1 =	vld [tilespmem:s31+$0x700];
	_ =	sdelay $0x4  }
0x149: {  	v2 =	vbroadcast v1, $0x0  }
0x14a: {  	v0 =	vld [tilespmem:$0xB00];
	v3 =	vbroadcast v1, $0x1;
	v54 =	vbroadcast v1, $0x2  }
0x14b: {  	v55 =	vbroadcast v1, $0x3;
	v56 =	vbroadcast v1, $0x5  }
0x14c: {  	v57 =	vbroadcast v1, $0x6;
	v58 =	vbroadcast v1, $0x7  }
0x14d: {  	v59 =	vbroadcast v1, $0x8;
	v60 =	vbroadcast v1, $0x9  }
0x14e: {  	v61 =	vbroadcast v1, $0xA;
	v2 =	vsel vm0, v2, v3;
	v3 =	vbroadcast v1, $0x4  }
0x14f: {  	v62 =	vbroadcast v1, $0xC;
	v4 =	vsel vm0, v54, v55;
	v2 =	vadd.f32 v2, v0  }
0x150: {  	s0 =	simm.s32 $0xF70;
	v63 =	vbroadcast v1, $0xD;
	v4 =	vadd.f32 v4, v0;
	v3 =	vsel vm0, v3, v56  }
0x151: {  	v5 =	vsel vm0, v57, v58;
	v6 =	vsel vm0, v59, v60;
	v3 =	vadd.f32 v3, v0;
	[tilespmem:s0+$0xFFFFFF90] =	vst v2  }
0x152: {  	v5 =	vadd.f32 v5, v0;
	v6 =	vadd.f32 v6, v0;
	v2 =	vbroadcast v1, $0xB;
	[tilespmem:s0+$0xFFFFFFA0] =	vst v4  }
0x153: {  	v4 =	vsel vm0, v62, v63;
	[tilespmem:s0+$0xFFFFFFB0] =	vst v3;
	v3 =	vbroadcast v1, $0xE;
	v1 =	vbroadcast v1, $0xF  }
0x154: {  	[tilespmem:s0+$0xFFFFFFC0] =	vst v5;
	v4 =	vadd.f32 v4, v0;
	v2 =	vsel vm0, v61, v2  }
0x155: {  	[tilespmem:s0+$0xFFFFFFD0] =	vst v6;
	v2 =	vadd.f32 v2, v0;
	v1 =	vsel vm0, v3, v1  }
0x156: {  	[tilespmem:s0+$0xFFFFFFF0] =	vst v4;
	v1 =	vadd.f32 v1, v0  }
0x157: {  	[tilespmem:s0+$0xFFFFFFE0] =	vst v2  }
0x158: {  	s2 =	simm.s32 $0x10;
	s1 =	simm.s32 $0x80;
	[tilespmem:s0+$0x0] =	vst v1  }
.LBB2_14:
0x159: {  	p0 =	sne.s32 s1, $0x180;
	v1 =	vld [tilespmem:s2+$0x700];
	_ =	sdelay $0x4  }
0x15a: {  	v2 =	vbroadcast v1, $0x0;
	v3 =	vbroadcast v1, $0x1  }
0x15b: {  	v4 =	vbroadcast v1, $0x2;
	v5 =	vbroadcast v1, $0x3  }
0x15c: {  	v6 =	vbroadcast v1, $0x5;
	v2 =	vsel vm0, v2, v3;
	v3 =	vbroadcast v1, $0x4  }
0x15d: {  	v4 =	vsel vm0, v4, v5;
	v5 =	vbroadcast v1, $0x6;
	v2 =	vadd.f32 v2, v0  }
0x15e: {  	s0 =	sadd.s32 $0x400, s0;
	v4 =	vadd.f32 v4, v0;
	v3 =	vsel vm0, v3, v6;
	v6 =	vbroadcast v1, $0x7  }
0x15f: {  	v7 =	vbroadcast v1, $0x9;
	[tilespmem:s0+$0xFFFFFF90] =	vst v2;
	v2 =	vadd.f32 v3, v0;
	v3 =	vbroadcast v1, $0x8  }
0x160: {  	[tilespmem:s0+$0xFFFFFFA0] =	vst v4;
	v4 =	vsel vm0, v5, v6;
	v5 =	vbroadcast v1, $0xA;
	v6 =	vbroadcast v1, $0xB  }
0x161: {  	[tilespmem:s0+$0xFFFFFFB0] =	vst v2;
	v2 =	vadd.f32 v4, v0;
	v3 =	vsel vm0, v3, v7;
	v4 =	vbroadcast v1, $0xC  }
0x162: {  	v3 =	vadd.f32 v3, v0;
	v5 =	vsel vm0, v5, v6;
	v6 =	vbroadcast v1, $0xD  }
0x163: {  	[tilespmem:s0+$0xFFFFFFC0] =	vst v2;
	v2 =	vadd.f32 v5, v0;
	v5 =	vbroadcast v1, $0xE;
	v1 =	vbroadcast v1, $0xF  }
.Ltmp6:
0x164: {  	[tilespmem:s0+$0xFFFFFFD0] =	vst v3;
	v3 =	vsel vm0, v4, v6;
	(pc) =	sbr.rel @p0 .LBB2_14-.Ltmp6, $4  }
0x165: {  	[tilespmem:s0+$0xFFFFFFE0] =	vst v2;
	v2 =	vadd.f32 v3, v0;
	v1 =	vsel vm0, v5, v1  }
0x166: {  	v1 =	vadd.f32 v1, v0  }
0x167: {  	[tilespmem:s0+$0xFFFFFFF0] =	vst v2  }
0x168: {  	s2 =	sshra.s32 s1, $0x2;
	s1 =	sadd.s32 $0x40, s1;
	[tilespmem:s0+$0x0] =	vst v1  }
0x169: {  	v1 =	vld [tilespmem:s2+$0x700];
	_ =	sdelay $0x4  }
0x16a: {  	v2 =	vbroadcast v1, $0x0  }
0x16b: {  	v3 =	vbroadcast v1, $0x1;
	v4 =	vbroadcast v1, $0x2  }
0x16c: {  	v5 =	vbroadcast v1, $0x3;
	v6 =	vbroadcast v1, $0x5  }
0x16d: {  	v49 =	vbroadcast v1, $0x6;
	v7 =	vbroadcast v1, $0x7  }
0x16e: {  	v50 =	vbroadcast v1, $0x8;
	v8 =	vbroadcast v1, $0x9  }
0x16f: {  	v51 =	vbroadcast v1, $0xA;
	v2 =	vsel vm0, v2, v3;
	v3 =	vbroadcast v1, $0x4  }
0x170: {  	v52 =	vbroadcast v1, $0xC;
	v4 =	vsel vm0, v4, v5;
	v2 =	vadd.f32 v2, v0  }
0x171: {  	s0 =	sadd.s32 $0x400, s0;
	v53 =	vbroadcast v1, $0xD;
	v4 =	vadd.f32 v4, v0;
	v3 =	vsel vm0, v3, v6  }
0x172: {  	v5 =	vsel vm0, v49, v7;
	v6 =	vsel vm0, v50, v8;
	v3 =	vadd.f32 v3, v0;
	[tilespmem:s0+$0xFFFFFF90] =	vst v2  }
0x173: {  	v5 =	vadd.f32 v5, v0;
	v2 =	vbroadcast v1, $0xB;
	[tilespmem:s0+$0xFFFFFFA0] =	vst v4;
	v6 =	vadd.f32 v6, v0  }
0x174: {  	v4 =	vsel vm0, v52, v53;
	[tilespmem:s0+$0xFFFFFFB0] =	vst v3;
	v3 =	vbroadcast v1, $0xE;
	v1 =	vbroadcast v1, $0xF  }
0x175: {  	[tilespmem:s0+$0xFFFFFFC0] =	vst v5;
	v4 =	vadd.f32 v4, v0;
	v2 =	vsel vm0, v51, v2  }
0x176: {  	[tilespmem:s0+$0xFFFFFFD0] =	vst v6;
	v2 =	vadd.f32 v2, v0;
	v1 =	vsel vm0, v3, v1  }
0x177: {  	[tilespmem:s0+$0xFFFFFFF0] =	vst v4;
	v0 =	vadd.f32 v1, v0  }
0x178: {  	[tilespmem:s0+$0xFFFFFFE0] =	vst v2  }
0x179: {  	s31 =	simm.s32 $0x0;
	[tilespmem:s0+$0x0] =	vst v0  }
0x17a: {  	v1 =	vld [tilespmem:s31+$0x780];
	_ =	sdelay $0x4  }
0x17b: {  	v2 =	vbroadcast v1, $0x0  }
0x17c: {  	v0 =	vld [tilespmem:$0xB80];
	v3 =	vbroadcast v1, $0x1;
	v54 =	vbroadcast v1, $0x2  }
0x17d: {  	v55 =	vbroadcast v1, $0x3;
	v56 =	vbroadcast v1, $0x5  }
0x17e: {  	v57 =	vbroadcast v1, $0x6;
	v58 =	vbroadcast v1, $0x7  }
0x17f: {  	v59 =	vbroadcast v1, $0x8;
	v60 =	vbroadcast v1, $0x9  }
0x180: {  	v61 =	vbroadcast v1, $0xA;
	v2 =	vsel vm0, v2, v3;
	v3 =	vbroadcast v1, $0x4  }
0x181: {  	v62 =	vbroadcast v1, $0xC;
	v4 =	vsel vm0, v54, v55;
	v2 =	vadd.f32 v2, v0  }
0x182: {  	s1 =	simm.s32 $0xFF0;
	v63 =	vbroadcast v1, $0xD;
	v4 =	vadd.f32 v4, v0;
	v3 =	vsel vm0, v3, v56  }
0x183: {  	v5 =	vsel vm0, v57, v58;
	v6 =	vsel vm0, v59, v60;
	v3 =	vadd.f32 v3, v0;
	[tilespmem:s1+$0xFFFFFF90] =	vst v2  }
0x184: {  	v5 =	vadd.f32 v5, v0;
	v6 =	vadd.f32 v6, v0;
	v2 =	vbroadcast v1, $0xB;
	[tilespmem:s1+$0xFFFFFFA0] =	vst v4  }
0x185: {  	v4 =	vsel vm0, v62, v63;
	[tilespmem:s1+$0xFFFFFFB0] =	vst v3;
	v3 =	vbroadcast v1, $0xE;
	v1 =	vbroadcast v1, $0xF  }
0x186: {  	[tilespmem:s1+$0xFFFFFFC0] =	vst v5;
	v4 =	vadd.f32 v4, v0;
	v2 =	vsel vm0, v61, v2  }
0x187: {  	[tilespmem:s1+$0xFFFFFFD0] =	vst v6;
	v2 =	vadd.f32 v2, v0;
	v1 =	vsel vm0, v3, v1  }
0x188: {  	[tilespmem:s1+$0xFFFFFFF0] =	vst v4;
	v1 =	vadd.f32 v1, v0  }
0x189: {  	[tilespmem:s1+$0xFFFFFFE0] =	vst v2  }
0x18a: {  	s4 =	simm.s32 $0x10;
	s2 =	simm.s32 $0x80;
	s0 =	simm.s32 $0x0;
	[tilespmem:s1+$0x0] =	vst v1  }
.LBB2_16:
0x18b: {  	p0 =	sne.s32 s2, $0x180;
	v1 =	vld [tilespmem:s4+$0x780];
	_ =	sdelay $0x4  }
0x18c: {  	v2 =	vbroadcast v1, $0x0;
	v3 =	vbroadcast v1, $0x1  }
0x18d: {  	v4 =	vbroadcast v1, $0x2;
	v5 =	vbroadcast v1, $0x3  }
0x18e: {  	v6 =	vbroadcast v1, $0x5;
	v2 =	vsel vm0, v2, v3;
	v3 =	vbroadcast v1, $0x4  }
0x18f: {  	v4 =	vsel vm0, v4, v5;
	v5 =	vbroadcast v1, $0x6;
	v2 =	vadd.f32 v2, v0  }
0x190: {  	s1 =	sadd.s32 $0x400, s1;
	v4 =	vadd.f32 v4, v0;
	v3 =	vsel vm0, v3, v6;
	v6 =	vbroadcast v1, $0x7  }
0x191: {  	v7 =	vbroadcast v1, $0x9;
	[tilespmem:s1+$0xFFFFFF90] =	vst v2;
	v2 =	vadd.f32 v3, v0;
	v3 =	vbroadcast v1, $0x8  }
0x192: {  	[tilespmem:s1+$0xFFFFFFA0] =	vst v4;
	v4 =	vsel vm0, v5, v6;
	v5 =	vbroadcast v1, $0xA;
	v6 =	vbroadcast v1, $0xB  }
0x193: {  	[tilespmem:s1+$0xFFFFFFB0] =	vst v2;
	v2 =	vadd.f32 v4, v0;
	v3 =	vsel vm0, v3, v7;
	v4 =	vbroadcast v1, $0xC  }
0x194: {  	v3 =	vadd.f32 v3, v0;
	v5 =	vsel vm0, v5, v6;
	v6 =	vbroadcast v1, $0xD  }
0x195: {  	[tilespmem:s1+$0xFFFFFFC0] =	vst v2;
	v2 =	vadd.f32 v5, v0;
	v5 =	vbroadcast v1, $0xE;
	v1 =	vbroadcast v1, $0xF  }
.Ltmp7:
0x196: {  	[tilespmem:s1+$0xFFFFFFD0] =	vst v3;
	v3 =	vsel vm0, v4, v6;
	(pc) =	sbr.rel @p0 .LBB2_16-.Ltmp7, $4  }
0x197: {  	[tilespmem:s1+$0xFFFFFFE0] =	vst v2;
	v2 =	vadd.f32 v3, v0;
	v1 =	vsel vm0, v5, v1  }
0x198: {  	v1 =	vadd.f32 v1, v0  }
0x199: {  	[tilespmem:s1+$0xFFFFFFF0] =	vst v2  }
0x19a: {  	s4 =	sshra.s32 s2, $0x2;
	s2 =	sadd.s32 $0x40, s2;
	[tilespmem:s1+$0x0] =	vst v1  }
0x19b: {  	v1 =	vld [tilespmem:s4+$0x780];
	_ =	sdelay $0x4  }
0x19c: {  	v2 =	vbroadcast v1, $0x0  }
0x19d: {  	v3 =	vbroadcast v1, $0x1;
	v4 =	vbroadcast v1, $0x2  }
0x19e: {  	v5 =	vbroadcast v1, $0x3;
	v55 =	vbroadcast v1, $0x4  }
0x19f: {  	v6 =	vbroadcast v1, $0x5;
	v56 =	vbroadcast v1, $0x6  }
0x1a0: {  	v7 =	vbroadcast v1, $0x7;
	v57 =	vbroadcast v1, $0x8  }
0x1a1: {  	v8 =	vbroadcast v1, $0x9;
	v58 =	vbroadcast v1, $0xA  }
0x1a2: {  	v59 =	vbroadcast v1, $0xB;
	v60 =	vbroadcast v1, $0xC;
	v2 =	vsel vm0, v2, v3  }
0x1a3: {  	v61 =	vbroadcast v1, $0xD;
	v4 =	vsel vm0, v4, v5;
	v2 =	vadd.f32 v2, v0  }
0x1a4: {  	s1 =	sadd.s32 $0x400, s1;
	v62 =	vbroadcast v1, $0xE;
	v3 =	vsel vm0, v55, v6;
	v4 =	vadd.f32 v4, v0  }
0x1a5: {  	v1 =	vbroadcast v1, $0xF;
	v5 =	vsel vm0, v56, v7;
	v3 =	vadd.f32 v3, v0;
	[tilespmem:s1+$0xFFFFFF90] =	vst v2  }
0x1a6: {  	v6 =	vsel vm0, v57, v8;
	v5 =	vadd.f32 v5, v0;
	[tilespmem:s1+$0xFFFFFFA0] =	vst v4  }
0x1a7: {  	v1 =	vsel vm0, v62, v1;
	v6 =	vadd.f32 v6, v0;
	[tilespmem:s1+$0xFFFFFFB0] =	vst v3  }
0x1a8: {  	v63 =	vadd.f32 v1, v0;
	v2 =	vsel vm0, v58, v59;
	[tilespmem:s1+$0xFFFFFFC0] =	vst v5  }
0x1a9: {  	v4 =	vsel vm0, v60, v61;
	[tilespmem:s1+$0xFFFFFFD0] =	vst v6;
	v2 =	vadd.f32 v2, v0  }
0x1aa: {  	[tilespmem:s1+$0x0] =	vst v63;
	v4 =	vadd.f32 v4, v0  }
0x1ab: {  	[tilespmem:s1+$0xFFFFFFE0] =	vst v2  }
0x1ac: {  	[tilespmem:s1+$0xFFFFFFF0] =	vst v4  }
.LBB2_18:
0x1ad: {  	s1 =	sshll.u32 s0, $0x1  }
0x1ae: {  	v0 =	vld [tilespmem:s1+$0x0]  }
0x1af: {  	v1 =	vld [tilespmem:s1+$0x80]  }
0x1b0: {  	v2 =	vld [tilespmem:s1+$0x100]  }
0x1b1: {  	v3 =	vld [tilespmem:s1+$0x180]  }
0x1b2: {  	v5 =	vld [tilespmem:s1+$0x200]  }
0x1b3: {  	p0 =	seq.s32 s0, $0x0;
	v4 =	vld [tilespmem:s1+$0x280]  }
0x1b4: {  	v6 =	vld [tilespmem:s1+$0x300];
	s2 =	simm.s32 @!p0 $0x1  }
0x1b5: {  	v7 =	vld [tilespmem:s1+$0x380];
	s1 =	simm.s32 $0x0;
	_ =	swait.ge @!p0 [sflag:s2], $0x1C00  }
0x1b6: {  	s4 =	sand.u32 $0x60, s1;
	s5 =	sand.u32 $0x1C00, s1;
	[sflag:s2] =	ssyncset.done @!p0 $0x0  }
0x1b7: {  	s19 =	sor.u32 s4, s5;
	[sflag:s2] =	ssyncadd.s32 @!p0 $0xFFFFE400  }
0x1b8: {  	v11 =	vld [tilespmem:s19+$0xE90]  }
0x1b9: {  	v12 =	vld [tilespmem:s19+$0xE10]  }
0x1ba: {  	v13 =	vld [tilespmem:s19+$0xC90]  }
0x1bb: {  	v14 =	vld [tilespmem:s19+$0xE00];
	v8 =	vbroadcast v4, $0x0  }
0x1bc: {  	v15 =	vld [tilespmem:s19+$0xD90];
	v9 =	vbroadcast v5, $0x0  }
0x1bd: {  	v16 =	vld [tilespmem:s19+$0xD10];
	v10 =	vbroadcast v1, $0x0;
	v17 =	vadd.f32 v11, v8  }
0x1be: {  	v18 =	vld [tilespmem:s19+$0xD00];
	v19 =	vadd.f32 v12, v9  }
0x1bf: {  	v20 =	vld [tilespmem:s19+$0xD80];
	v11 =	vbroadcast v3, $0x0;
	v13 =	vadd.f32 v13, v10;
	[tilespmem:s19+$0x2A90] =	vst v17  }
0x1c0: {  	v12 =	vbroadcast v2, $0x0;
	v14 =	vadd.f32 v14, v9;
	v17 =	vld [tilespmem:s19+$0xC80];
	[tilespmem:s19+$0x2A10] =	vst v19  }
0x1c1: {  	v19 =	vld [tilespmem:s19+$0xC10];
	[tilespmem:s19+$0x2890] =	vst v13;
	v13 =	vadd.f32 v15, v11  }
0x1c2: {  	v15 =	vadd.f32 v16, v12;
	[tilespmem:s19+$0x2A00] =	vst v14;
	v14 =	vld [tilespmem:s19+$0xE80]  }
0x1c3: {  	v16 =	vld [tilespmem:s19+$0xC00];
	v18 =	vadd.f32 v18, v12;
	[tilespmem:s19+$0x2990] =	vst v13  }
0x1c4: {  	v13 =	vbroadcast v0, $0x0;
	[tilespmem:s19+$0x2910] =	vst v15;
	v15 =	vadd.f32 v20, v11  }
0x1c5: {  	[tilespmem:s19+$0x2900] =	vst v18;
	v17 =	vadd.f32 v17, v10  }
0x1c6: {  	[tilespmem:s19+$0x2980] =	vst v15;
	v18 =	vadd.f32 v19, v13  }
0x1c7: {  	s20 =	sand.u32 $0x3, s1;
	v14 =	vadd.f32 v14, v8;
	[tilespmem:s19+$0x2880] =	vst v17  }
0x1c8: {  	s4 =	sshll.u32 s20, $0x5;
	v15 =	vadd.f32 v16, v13;
	[tilespmem:s19+$0x2810] =	vst v18  }
0x1c9: {  	s4 =	sadd.s32 $0x0, s4;
	[tilespmem:s19+$0x2A80] =	vst v14  }
0x1ca: {  	s29 =	sor.u32 $0x300, s4;
	[tilespmem:s19+$0x2800] =	vst v15  }
0x1cb: {  	v14 =	vld [tilespmem:s29+$0xC00];
	_ =	sdelay $0x2  }
0x1cc: {  	v15 =	vbroadcast v6, $0x0;
	_ =	sdelay $0x1  }
0x1cd: {  	v14 =	vadd.f32 v14, v15  }
0x1ce: {  	s6 =	sadd.s32 $0x10, s4  }
0x1cf: {  	s30 =	sor.u32 $0x300, s6;
	[tilespmem:s29+$0x2800] =	vst v14  }
0x1d0: {  	v14 =	vld [tilespmem:s30+$0xC00];
	_ =	sdelay $0x4  }
0x1d1: {  	v14 =	vadd.f32 v14, v15  }
0x1d2: {  	s31 =	sor.u32 s1, s1  }
0x1d3: {  	s8 =	sor.u32 $0x380, s31;
	[tilespmem:s30+$0x2800] =	vst v14  }
0x1d4: {  	s2 =	simm.s32 $0x20;
	s4 =	simm.s32 $0x0;
	v14 =	vbroadcast v7, $0x0;
	v16 =	vld [tilespmem:s8+$0xC00]  }
.LBB2_19:
0x1d5: {  	_ =	sdelay $0x2  }
0x1d6: {  	p1 =	sne.s32 s2, $0x300;
	s1 =	sadd.s32 $0x100, s1;
	s4 =	sadd.s32 $0x1, s4  }
0x1d7: {  	s5 =	smov.u32 s2;
	s2 =	sadd.s32 $0x20, s2;
	v16 =	vadd.f32 v16, v14;
	_ =	sdelay $0x1  }
0x1d8: {  	s6 =	sor.u32 $0x380, s6;
	[tilespmem:s8+$0x2800] =	vst v16  }
0x1d9: {  	v16 =	vld [tilespmem:s6+$0xC00];
	_ =	sdelay $0x4  }
0x1da: {  	v16 =	vadd.f32 v16, v14  }
0x1db: {  	s9 =	sand.u32 $0x1C00, s1;
	s8 =	sand.u32 $0x60, s5  }
0x1dc: {  	s8 =	sor.u32 s8, s9;
	[tilespmem:s6+$0x2800] =	vst v16  }
0x1dd: {  	v16 =	vld [tilespmem:s8+$0xE90]  }
0x1de: {  	v17 =	vld [tilespmem:s8+$0xE10]  }
0x1df: {  	v18 =	vld [tilespmem:s8+$0xC90]  }
0x1e0: {  	v19 =	vld [tilespmem:s8+$0xE00]  }
0x1e1: {  	v20 =	vld [tilespmem:s8+$0xD90]  }
0x1e2: {  	v21 =	vld [tilespmem:s8+$0xD10];
	v16 =	vadd.f32 v16, v8  }
0x1e3: {  	v22 =	vld [tilespmem:s8+$0xD00];
	v17 =	vadd.f32 v17, v9  }
0x1e4: {  	v18 =	vadd.f32 v18, v10;
	v23 =	vld [tilespmem:s8+$0xD80];
	[tilespmem:s8+$0x2A90] =	vst v16  }
0x1e5: {  	v16 =	vld [tilespmem:s8+$0xC80];
	v19 =	vadd.f32 v19, v9;
	[tilespmem:s8+$0x2A10] =	vst v17  }
0x1e6: {  	v17 =	vld [tilespmem:s8+$0xC10];
	[tilespmem:s8+$0x2890] =	vst v18;
	v18 =	vadd.f32 v20, v11  }
0x1e7: {  	v20 =	vadd.f32 v21, v12;
	[tilespmem:s8+$0x2A00] =	vst v19;
	v19 =	vld [tilespmem:s8+$0xE80]  }
0x1e8: {  	v21 =	vld [tilespmem:s8+$0xC00];
	v22 =	vadd.f32 v22, v12;
	[tilespmem:s8+$0x2990] =	vst v18  }
0x1e9: {  	[tilespmem:s8+$0x2910] =	vst v20;
	v18 =	vadd.f32 v23, v11  }
0x1ea: {  	v16 =	vadd.f32 v16, v10;
	[tilespmem:s8+$0x2900] =	vst v22  }
0x1eb: {  	v17 =	vadd.f32 v17, v13;
	[tilespmem:s8+$0x2980] =	vst v18  }
0x1ec: {  	s6 =	sand.u32 $0x3, s4;
	[tilespmem:s8+$0x2880] =	vst v16;
	v16 =	vadd.f32 v19, v8  }
0x1ed: {  	s6 =	sshll.u32 s6, $0x5;
	v18 =	vadd.f32 v21, v13;
	[tilespmem:s8+$0x2810] =	vst v17  }
0x1ee: {  	s6 =	sadd.s32 s6, s1;
	[tilespmem:s8+$0x2A80] =	vst v16  }
0x1ef: {  	[tilespmem:s8+$0x2800] =	vst v18;
	s8 =	sor.u32 $0x300, s6;
	s6 =	sadd.s32 $0x10, s6  }
0x1f0: {  	v16 =	vld [tilespmem:s8+$0xC00];
	_ =	sdelay $0x4  }
0x1f1: {  	v16 =	vadd.f32 v16, v15;
	_ =	sdelay $0x1  }
0x1f2: {  	[tilespmem:s8+$0x2800] =	vst v16;
	s8 =	sor.u32 $0x300, s6  }
0x1f3: {  	v16 =	vld [tilespmem:s8+$0xC00];
	_ =	sdelay $0x3  }
.Ltmp8:
0x1f4: {  	(pc) =	sbr.rel @p1 .LBB2_19-.Ltmp8, $4  }
0x1f5: {  	v16 =	vadd.f32 v16, v15  }
0x1f6: {  	s5 =	sor.u32 s1, s5  }
0x1f7: {  	[tilespmem:s8+$0x2800] =	vst v16;
	s8 =	sor.u32 $0x380, s5  }
0x1f8: {  	v16 =	vld [tilespmem:s8+$0xC00]  }
0x1f9: {  	_ =	sdelay $0x3  }
0x1fa: {  	v8 =	vadd.f32 v16, v14;
	_ =	sdelay $0x1  }
0x1fb: {  	s2 =	sor.u32 $0x380, s6;
	[tilespmem:s8+$0x2800] =	vst v8  }
0x1fc: {  	v8 =	vld [tilespmem:s2+$0xC00]  }
0x1fd: {  	s1 =	sshrl.u32 s0, $0x2  }
0x1fe: {  	s1 =	smul.u32 $0x1C00, s1  }
0x1ff: {  	s4 =	sshll.u32 s0, $0x8  }
0x200: {  	s4 =	sand.u32 $0x300, s4;
	s1 =	sadd.s32 s7, s1  }
0x201: {  	s1 =	sor.u32 s4, s1;
	v8 =	vadd.f32 v8, v14  }
0x202: {  	s1 =	sshrl.u32 s1, $0x3  }
0x203: {  	s20 =	simm.s32 $0x2800;
	s19 =	sadd.s32 s3, s1;
	[tilespmem:s2+$0x2800] =	vst v8  }
0x204: {  	[hbm4b:s19+s12] =	stream.strided.scatter [tilespmem:s20], [sflag:$0x1], $0x400, s13, s12, $0x38;
	[tilespmem:$0x6000] =	vst v63  }
0x205: {  	s5 =	simm.s32 $0x2C00;
	s29 =	sadd.s32 $0x80, s19  }
0x206: {  	[hbm4b:s29+s12] =	stream.strided.scatter [tilespmem:s5], [sflag:$0x1], $0x400, s13, s12, $0x38;
	[tilespmem:$0x6000] =	vst v63  }
0x207: {  	s31 =	simm.s32 $0x3000;
	s30 =	sadd.s32 $0x100, s19  }
0x208: {  	[hbm4b:s30+s12] =	stream.strided.scatter [tilespmem:s31], [sflag:$0x1], $0x400, s13, s12, $0x38;
	[tilespmem:$0x6000] =	vst v63  }
0x209: {  	s8 =	simm.s32 $0x3400;
	s6 =	sadd.s32 $0x180, s19  }
0x20a: {  	[hbm4b:s6+s12] =	stream.strided.scatter [tilespmem:s8], [sflag:$0x1], $0x400, s13, s12, $0x38;
	[tilespmem:$0x6000] =	vst v63  }
0x20b: {  	s10 =	simm.s32 $0x3800;
	s9 =	sadd.s32 $0x200, s19  }
0x20c: {  	[hbm4b:s9+s12] =	stream.strided.scatter [tilespmem:s10], [sflag:$0x1], $0x400, s13, s12, $0x38;
	[tilespmem:$0x6000] =	vst v63  }
0x20d: {  	s14 =	simm.s32 $0x3C00;
	s11 =	sadd.s32 $0x280, s19  }
0x20e: {  	[hbm4b:s11+s12] =	stream.strided.scatter [tilespmem:s14], [sflag:$0x1], $0x400, s13, s12, $0x38;
	[tilespmem:$0x6000] =	vst v63  }
0x20f: {  	s15 =	simm.s32 $0x4000;
	s2 =	sadd.s32 $0x300, s19  }
0x210: {  	[hbm4b:s2+s12] =	stream.strided.scatter [tilespmem:s15], [sflag:$0x1], $0x400, s13, s12, $0x38;
	[tilespmem:$0x6000] =	vst v63  }
0x211: {  	s6 =	simm.s32 $0x0;
	s2 =	simm.s32 @!p0 $0x2  }
0x212: {  	s5 =	sand.u32 $0x1C00, s6;
	_ =	swait.ge @!p0 [sflag:s2], $0x1C00  }
0x213: {  	s4 =	sand.u32 $0x60, s6;
	s16 =	sadd.s32 $0xC00, s5;
	[sflag:s2] =	ssyncset.done @!p0 $0x0  }
0x214: {  	s9 =	sor.u32 s4, s16;
	[sflag:s2] =	ssyncadd.s32 @!p0 $0xFFFFE400  }
0x215: {  	v8 =	vld [tilespmem:s9+$0x0];
	_ =	sdelay $0x2  }
0x216: {  	v0 =	vbroadcast v0, $0x1;
	_ =	sdelay $0x1  }
0x217: {  	s10 =	sadd.s32 $0x4400, s5;
	v8 =	vadd.f32 v8, v0  }
0x218: {  	s11 =	sor.u32 s4, s10;
	s2 =	sor.u32 $0x10, s4  }
0x219: {  	s8 =	sor.u32 s2, s16;
	[tilespmem:s11+$0x0] =	vst v8  }
0x21a: {  	v8 =	vld [tilespmem:s8+$0x0];
	_ =	sdelay $0x4  }
0x21b: {  	v8 =	vadd.f32 v8, v0  }
0x21c: {  	s10 =	sor.u32 s2, s10  }
0x21d: {  	[tilespmem:s10+$0x0] =	vst v8  }
0x21e: {  	v8 =	vld [tilespmem:s9+$0x80];
	_ =	sdelay $0x2  }
0x21f: {  	v1 =	vbroadcast v1, $0x1;
	_ =	sdelay $0x1  }
0x220: {  	s17 =	sadd.s32 $0x4480, s5;
	v8 =	vadd.f32 v8, v1  }
0x221: {  	s18 =	sor.u32 s4, s17  }
0x222: {  	[tilespmem:s18+$0x0] =	vst v8  }
0x223: {  	v8 =	vld [tilespmem:s8+$0x80];
	_ =	sdelay $0x4  }
0x224: {  	v8 =	vadd.f32 v8, v1  }
0x225: {  	s10 =	sor.u32 s2, s17  }
0x226: {  	[tilespmem:s10+$0x0] =	vst v8  }
0x227: {  	v8 =	vld [tilespmem:s9+$0x100];
	_ =	sdelay $0x2  }
0x228: {  	v2 =	vbroadcast v2, $0x1;
	_ =	sdelay $0x1  }
0x229: {  	s19 =	sadd.s32 $0x4500, s5;
	v8 =	vadd.f32 v8, v2  }
0x22a: {  	s20 =	sor.u32 s4, s19  }
0x22b: {  	[tilespmem:s20+$0x0] =	vst v8  }
0x22c: {  	v8 =	vld [tilespmem:s8+$0x100];
	_ =	sdelay $0x4  }
0x22d: {  	v8 =	vadd.f32 v8, v2  }
0x22e: {  	s10 =	sor.u32 s2, s19  }
0x22f: {  	[tilespmem:s10+$0x0] =	vst v8  }
0x230: {  	v8 =	vld [tilespmem:s9+$0x180];
	_ =	sdelay $0x2  }
0x231: {  	v3 =	vbroadcast v3, $0x1;
	_ =	sdelay $0x1  }
0x232: {  	s29 =	sadd.s32 $0x4580, s5;
	v8 =	vadd.f32 v8, v3  }
0x233: {  	s30 =	sor.u32 s4, s29  }
0x234: {  	[tilespmem:s30+$0x0] =	vst v8  }
0x235: {  	v8 =	vld [tilespmem:s8+$0x180];
	_ =	sdelay $0x4  }
0x236: {  	v8 =	vadd.f32 v8, v3  }
0x237: {  	s10 =	sor.u32 s2, s29  }
0x238: {  	[tilespmem:s10+$0x0] =	vst v8  }
0x239: {  	v8 =	vld [tilespmem:s9+$0x200];
	_ =	sdelay $0x2  }
0x23a: {  	v5 =	vbroadcast v5, $0x1;
	_ =	sdelay $0x1  }
0x23b: {  	s31 =	sadd.s32 $0x4600, s5;
	v8 =	vadd.f32 v8, v5  }
0x23c: {  	s14 =	sor.u32 s4, s31  }
0x23d: {  	[tilespmem:s14+$0x0] =	vst v8  }
0x23e: {  	v8 =	vld [tilespmem:s8+$0x200];
	_ =	sdelay $0x4  }
0x23f: {  	v8 =	vadd.f32 v8, v5  }
0x240: {  	s10 =	sor.u32 s2, s31  }
0x241: {  	[tilespmem:s10+$0x0] =	vst v8  }
0x242: {  	v8 =	vld [tilespmem:s9+$0x280];
	_ =	sdelay $0x2  }
0x243: {  	v4 =	vbroadcast v4, $0x1;
	_ =	sdelay $0x1  }
0x244: {  	s15 =	sadd.s32 $0x4680, s5;
	v8 =	vadd.f32 v8, v4  }
0x245: {  	s16 =	sor.u32 s4, s15  }
0x246: {  	[tilespmem:s16+$0x0] =	vst v8  }
0x247: {  	v8 =	vld [tilespmem:s8+$0x280];
	_ =	sdelay $0x3  }
0x248: {  	s17 =	sand.u32 $0x3, s6  }
0x249: {  	s8 =	sshll.u32 s17, $0x5;
	v8 =	vadd.f32 v8, v4  }
0x24a: {  	s9 =	sor.u32 s2, s15;
	s8 =	sadd.s32 $0x0, s8  }
0x24b: {  	s18 =	sor.u32 $0x300, s8;
	[tilespmem:s9+$0x0] =	vst v8  }
0x24c: {  	v8 =	vld [tilespmem:s18+$0xC00];
	_ =	sdelay $0x2  }
0x24d: {  	v6 =	vbroadcast v6, $0x1;
	_ =	sdelay $0x1  }
0x24e: {  	s19 =	sadd.s32 $0x4700, s5;
	v8 =	vadd.f32 v8, v6  }
0x24f: {  	s20 =	sor.u32 s4, s19;
	s8 =	sadd.s32 $0x10, s8  }
0x250: {  	s29 =	sor.u32 $0x300, s8;
	[tilespmem:s20+$0x0] =	vst v8  }
0x251: {  	v8 =	vld [tilespmem:s29+$0xC00];
	_ =	sdelay $0x4  }
0x252: {  	v8 =	vadd.f32 v8, v6  }
0x253: {  	s6 =	sor.u32 s6, s6;
	s9 =	sor.u32 s2, s19  }
0x254: {  	s6 =	sor.u32 $0x380, s6;
	[tilespmem:s9+$0x0] =	vst v8  }
0x255: {  	v8 =	vld [tilespmem:s6+$0xC00];
	_ =	sdelay $0x2  }
0x256: {  	v7 =	vbroadcast v7, $0x1;
	_ =	sdelay $0x1  }
0x257: {  	s30 =	sadd.s32 $0x4780, s5;
	v8 =	vadd.f32 v8, v7  }
0x258: {  	s4 =	sor.u32 s4, s30  }
0x259: {  	s31 =	sor.u32 $0x380, s8;
	[tilespmem:s4+$0x0] =	vst v8  }
0x25a: {  	v8 =	vld [tilespmem:s31+$0xC00];
	_ =	sdelay $0x1  }
0x25b: {  	s11 =	simm.s32 $0x100  }
0x25c: {  	s5 =	simm.s32 $0x1;
	s10 =	simm.s32 $0x20;
	s15 =	sand.u32 $0x1C00, s11  }
0x25d: {  	s17 =	sadd.s32 $0x4480, s15;
	s2 =	sor.u32 s2, s30;
	s19 =	sadd.s32 $0x4400, s15  }
0x25e: {  	s20 =	sadd.s32 $0xC00, s15;
	s6 =	simm.s32 $0x40;
	s4 =	sand.u32 $0x60, s10;
	v8 =	vadd.f32 v8, v7  }
.LBB2_21:
0x25f: {  	s31 =	sor.u32 s4, s20  }
0x260: {  	s18 =	sadd.s32 $0x4500, s15;
	s16 =	sadd.s32 $0x4580, s15;
	[tilespmem:s2+$0x0] =	vst v8;
	s29 =	smov.u32 s6  }
0x261: {  	s14 =	sadd.s32 $0x4600, s15;
	s9 =	sadd.s32 $0x4680, s15;
	s30 =	sadd.s32 $0x4700, s15;
	v8 =	vld [tilespmem:s31+$0x0]  }
0x262: {  	p0 =	sne.s32 s6, $0x300;
	s6 =	sadd.s32 $0x20, s6;
	s8 =	sadd.s32 $0x4780, s15  }
0x263: {  	_ =	sdelay $0x2  }
0x264: {  	v8 =	vadd.f32 v8, v0  }
0x265: {  	s15 =	sor.u32 s4, s19;
	s2 =	sor.u32 $0x10, s4  }
0x266: {  	[tilespmem:s15+$0x0] =	vst v8;
	s15 =	sor.u32 s2, s20  }
0x267: {  	v8 =	vld [tilespmem:s15+$0x0];
	_ =	sdelay $0x4  }
0x268: {  	v8 =	vadd.f32 v8, v0  }
0x269: {  	s19 =	sor.u32 s2, s19  }
0x26a: {  	[tilespmem:s19+$0x0] =	vst v8  }
0x26b: {  	v8 =	vld [tilespmem:s31+$0x80];
	_ =	sdelay $0x4  }
0x26c: {  	v8 =	vadd.f32 v8, v1  }
0x26d: {  	s19 =	sor.u32 s4, s17  }
0x26e: {  	[tilespmem:s19+$0x0] =	vst v8  }
0x26f: {  	v8 =	vld [tilespmem:s15+$0x80];
	_ =	sdelay $0x4  }
0x270: {  	v8 =	vadd.f32 v8, v1  }
0x271: {  	s17 =	sor.u32 s2, s17  }
0x272: {  	[tilespmem:s17+$0x0] =	vst v8  }
0x273: {  	v8 =	vld [tilespmem:s31+$0x100];
	_ =	sdelay $0x4  }
0x274: {  	v8 =	vadd.f32 v8, v2  }
0x275: {  	s17 =	sor.u32 s4, s18  }
0x276: {  	[tilespmem:s17+$0x0] =	vst v8  }
0x277: {  	v8 =	vld [tilespmem:s15+$0x100];
	_ =	sdelay $0x4  }
0x278: {  	v8 =	vadd.f32 v8, v2  }
0x279: {  	s17 =	sor.u32 s2, s18  }
0x27a: {  	[tilespmem:s17+$0x0] =	vst v8  }
0x27b: {  	v8 =	vld [tilespmem:s31+$0x180];
	_ =	sdelay $0x4  }
0x27c: {  	v8 =	vadd.f32 v8, v3  }
0x27d: {  	s17 =	sor.u32 s4, s16  }
0x27e: {  	[tilespmem:s17+$0x0] =	vst v8  }
0x27f: {  	v8 =	vld [tilespmem:s15+$0x180];
	_ =	sdelay $0x4  }
0x280: {  	v8 =	vadd.f32 v8, v3  }
0x281: {  	s16 =	sor.u32 s2, s16  }
0x282: {  	[tilespmem:s16+$0x0] =	vst v8  }
0x283: {  	v8 =	vld [tilespmem:s31+$0x200];
	_ =	sdelay $0x4  }
0x284: {  	v8 =	vadd.f32 v8, v5  }
0x285: {  	s16 =	sor.u32 s4, s14  }
0x286: {  	[tilespmem:s16+$0x0] =	vst v8  }
0x287: {  	v8 =	vld [tilespmem:s15+$0x200];
	_ =	sdelay $0x4  }
0x288: {  	v8 =	vadd.f32 v8, v5  }
0x289: {  	s14 =	sor.u32 s2, s14  }
0x28a: {  	[tilespmem:s14+$0x0] =	vst v8  }
0x28b: {  	v8 =	vld [tilespmem:s31+$0x280];
	_ =	sdelay $0x4  }
0x28c: {  	v8 =	vadd.f32 v8, v4  }
0x28d: {  	s14 =	sor.u32 s4, s9  }
0x28e: {  	[tilespmem:s14+$0x0] =	vst v8  }
0x28f: {  	v8 =	vld [tilespmem:s15+$0x280];
	_ =	sdelay $0x3  }
0x290: {  	s14 =	sand.u32 $0x3, s5  }
0x291: {  	s14 =	sshll.u32 s14, $0x5;
	v8 =	vadd.f32 v8, v4  }
0x292: {  	s9 =	sor.u32 s2, s9;
	s14 =	sadd.s32 s14, s11  }
0x293: {  	[tilespmem:s9+$0x0] =	vst v8;
	s9 =	sor.u32 $0x300, s14;
	s14 =	sadd.s32 $0x10, s14  }
0x294: {  	v8 =	vld [tilespmem:s9+$0xC00];
	_ =	sdelay $0x4  }
0x295: {  	v8 =	vadd.f32 v8, v6  }
0x296: {  	s9 =	sor.u32 s4, s30  }
0x297: {  	[tilespmem:s9+$0x0] =	vst v8;
	s9 =	sor.u32 $0x300, s14  }
0x298: {  	v8 =	vld [tilespmem:s9+$0xC00];
	_ =	sdelay $0x4  }
0x299: {  	v8 =	vadd.f32 v8, v6  }
0x29a: {  	s15 =	sor.u32 s11, s10;
	s10 =	smov.u32 s29;
	s9 =	sor.u32 s2, s30  }
0x29b: {  	[tilespmem:s9+$0x0] =	vst v8;
	s9 =	sor.u32 $0x380, s15  }
0x29c: {  	v8 =	vld [tilespmem:s9+$0xC00];
	_ =	sdelay $0x4  }
0x29d: {  	v8 =	vadd.f32 v8, v7  }
0x29e: {  	s4 =	sor.u32 s4, s8  }
0x29f: {  	[tilespmem:s4+$0x0] =	vst v8;
	s4 =	sor.u32 $0x380, s14  }
0x2a0: {  	v8 =	vld [tilespmem:s4+$0xC00];
	_ =	sdelay $0x1  }
.Ltmp9:
0x2a1: {  	(pc) =	sbr.rel @p0 .LBB2_21-.Ltmp9, $4  }
0x2a2: {  	_ = 	snop  }
0x2a3: {  	s5 =	sadd.s32 $0x1, s5;
	s11 =	sadd.s32 $0x100, s11  }
0x2a4: {  	s2 =	sor.u32 s2, s8;
	s15 =	sand.u32 $0x1C00, s11;
	s4 =	sand.u32 $0x60, s10;
	v8 =	vadd.f32 v8, v7  }
0x2a5: {  	s20 =	sadd.s32 $0xC00, s15;
	s19 =	sadd.s32 $0x4400, s15;
	s17 =	sadd.s32 $0x4480, s15  }
0x2a6: {  	s6 =	sor.u32 s4, s20;
	[tilespmem:s2+$0x0] =	vst v8  }
0x2a7: {  	v8 =	vld [tilespmem:s6+$0x0];
	_ =	sdelay $0x4  }
0x2a8: {  	v8 =	vadd.f32 v8, v0  }
0x2a9: {  	s8 =	sor.u32 s4, s19;
	s2 =	sor.u32 $0x10, s4  }
0x2aa: {  	[tilespmem:s8+$0x0] =	vst v8;
	s8 =	sor.u32 s2, s20  }
0x2ab: {  	v8 =	vld [tilespmem:s8+$0x0];
	_ =	sdelay $0x4  }
0x2ac: {  	v63 =	vadd.f32 v8, v0  }
0x2ad: {  	s9 =	sor.u32 s2, s19  }
0x2ae: {  	[tilespmem:s9+$0x0] =	vst v63  }
0x2af: {  	v0 =	vld [tilespmem:s6+$0x80];
	_ =	sdelay $0x4  }
0x2b0: {  	v0 =	vadd.f32 v0, v1  }
0x2b1: {  	s20 =	sor.u32 s4, s17  }
0x2b2: {  	[tilespmem:s20+$0x0] =	vst v0  }
0x2b3: {  	v0 =	vld [tilespmem:s8+$0x80];
	_ =	sdelay $0x4  }
0x2b4: {  	v0 =	vadd.f32 v0, v1  }
0x2b5: {  	s29 =	sor.u32 s2, s17  }
0x2b6: {  	[tilespmem:s29+$0x0] =	vst v0  }
0x2b7: {  	v0 =	vld [tilespmem:s6+$0x100];
	_ =	sdelay $0x4  }
0x2b8: {  	s30 =	sadd.s32 $0x4500, s15;
	v0 =	vadd.f32 v0, v2  }
0x2b9: {  	s14 =	sor.u32 s4, s30  }
0x2ba: {  	[tilespmem:s14+$0x0] =	vst v0  }
0x2bb: {  	v0 =	vld [tilespmem:s8+$0x100];
	_ =	sdelay $0x4  }
0x2bc: {  	v0 =	vadd.f32 v0, v2  }
0x2bd: {  	s9 =	sor.u32 s2, s30  }
0x2be: {  	[tilespmem:s9+$0x0] =	vst v0  }
0x2bf: {  	v0 =	vld [tilespmem:s6+$0x180];
	_ =	sdelay $0x4  }
0x2c0: {  	s31 =	sadd.s32 $0x4580, s15;
	v0 =	vadd.f32 v0, v3  }
0x2c1: {  	s16 =	sor.u32 s4, s31  }
0x2c2: {  	[tilespmem:s16+$0x0] =	vst v0  }
0x2c3: {  	v0 =	vld [tilespmem:s8+$0x180];
	_ =	sdelay $0x4  }
0x2c4: {  	v0 =	vadd.f32 v0, v3  }
0x2c5: {  	s9 =	sor.u32 s2, s31  }
0x2c6: {  	[tilespmem:s9+$0x0] =	vst v0  }
0x2c7: {  	v0 =	vld [tilespmem:s6+$0x200];
	_ =	sdelay $0x4  }
0x2c8: {  	s17 =	sadd.s32 $0x4600, s15;
	v0 =	vadd.f32 v0, v5  }
0x2c9: {  	s18 =	sor.u32 s4, s17  }
0x2ca: {  	[tilespmem:s18+$0x0] =	vst v0  }
0x2cb: {  	v0 =	vld [tilespmem:s8+$0x200];
	_ =	sdelay $0x4  }
0x2cc: {  	v0 =	vadd.f32 v0, v5  }
0x2cd: {  	s9 =	sor.u32 s2, s17  }
0x2ce: {  	[tilespmem:s9+$0x0] =	vst v0  }
0x2cf: {  	v0 =	vld [tilespmem:s6+$0x280];
	_ =	sdelay $0x4  }
0x2d0: {  	s19 =	sadd.s32 $0x4680, s15;
	v0 =	vadd.f32 v0, v4  }
0x2d1: {  	s20 =	sor.u32 s4, s19  }
0x2d2: {  	[tilespmem:s20+$0x0] =	vst v0  }
0x2d3: {  	v0 =	vld [tilespmem:s8+$0x280];
	_ =	sdelay $0x3  }
0x2d4: {  	s5 =	sand.u32 $0x3, s5  }
0x2d5: {  	s5 =	sshll.u32 s5, $0x5;
	v0 =	vadd.f32 v0, v4  }
0x2d6: {  	s5 =	sadd.s32 s5, s11;
	s6 =	sor.u32 s2, s19  }
0x2d7: {  	s29 =	sor.u32 $0x300, s5;
	[tilespmem:s6+$0x0] =	vst v0  }
0x2d8: {  	v0 =	vld [tilespmem:s29+$0xC00];
	_ =	sdelay $0x4  }
0x2d9: {  	s30 =	sadd.s32 $0x4700, s15;
	v0 =	vadd.f32 v0, v6  }
0x2da: {  	s5 =	sadd.s32 $0x10, s5;
	s31 =	sor.u32 s4, s30  }
0x2db: {  	s9 =	sor.u32 $0x300, s5;
	[tilespmem:s31+$0x0] =	vst v0  }
0x2dc: {  	v0 =	vld [tilespmem:s9+$0xC00];
	_ =	sdelay $0x4  }
0x2dd: {  	v0 =	vadd.f32 v0, v6  }
0x2de: {  	s11 =	sor.u32 s11, s10;
	s6 =	sor.u32 s2, s30  }
0x2df: {  	s14 =	sor.u32 $0x380, s11;
	[tilespmem:s6+$0x0] =	vst v0  }
0x2e0: {  	v0 =	vld [tilespmem:s14+$0xC00];
	_ =	sdelay $0x4  }
0x2e1: {  	s15 =	sadd.s32 $0x4780, s15;
	v0 =	vadd.f32 v0, v7  }
0x2e2: {  	s16 =	sor.u32 s4, s15  }
0x2e3: {  	s17 =	sor.u32 $0x380, s5;
	[tilespmem:s16+$0x0] =	vst v0  }
0x2e4: {  	v0 =	vld [tilespmem:s17+$0xC00];
	_ =	sdelay $0x4  }
0x2e5: {  	v0 =	vadd.f32 v0, v7  }
0x2e6: {  	s1 =	sadd.s32 s1, s3;
	s2 =	sor.u32 s2, s15  }
0x2e7: {  	s18 =	sadd.s32 $0x10, s1;
	[tilespmem:s2+$0x0] =	vst v0  }
0x2e8: {  	[hbm4b:s18+s12] =	stream.strided.scatter [tilespmem:s21], [sflag:$0x2], $0x400, s13, s12, $0x38;
	[tilespmem:$0x6000] =	vst v63  }
0x2e9: {  	s19 =	sadd.s32 $0x90, s1  }
0x2ea: {  	[hbm4b:s19+s12] =	stream.strided.scatter [tilespmem:s22], [sflag:$0x2], $0x400, s13, s12, $0x38;
	[tilespmem:$0x6000] =	vst v63  }
0x2eb: {  	s20 =	sadd.s32 $0x110, s1  }
0x2ec: {  	[hbm4b:s20+s12] =	stream.strided.scatter [tilespmem:s23], [sflag:$0x2], $0x400, s13, s12, $0x38;
	[tilespmem:$0x6000] =	vst v63  }
0x2ed: {  	s0 =	sadd.s32 $0x1, s0;
	s29 =	sadd.s32 $0x190, s1  }
0x2ee: {  	[hbm4b:s29+s12] =	stream.strided.scatter [tilespmem:s24], [sflag:$0x2], $0x400, s13, s12, $0x38;
	[tilespmem:$0x6000] =	vst v63  }
0x2ef: {  	p0 =	sne.s32 s0, $0x32;
	s30 =	sadd.s32 $0x210, s1  }
0x2f0: {  	[hbm4b:s30+s12] =	stream.strided.scatter [tilespmem:s25], [sflag:$0x2], $0x400, s13, s12, $0x38;
	[tilespmem:$0x6000] =	vst v63  }
.Ltmp10:
0x2f1: {  	_ = 	snop;
	(pc) =	sbr.rel @p0 .LBB2_18-.Ltmp10, $4  }
0x2f2: {  	s31 =	sadd.s32 $0x290, s1  }
0x2f3: {  	[hbm4b:s31+s12] =	stream.strided.scatter [tilespmem:s26], [sflag:$0x2], $0x400, s13, s12, $0x38;
	[tilespmem:$0x6000] =	vst v63  }
0x2f4: {  	s1 =	sadd.s32 $0x310, s1  }
0x2f5: {  	[hbm4b:s1+s12] =	stream.strided.scatter [tilespmem:s28], [sflag:$0x2], $0x400, s13, s12, $0x38;
	[tilespmem:$0x6000] =	vst v63  }
0x2f6: {  	s0 =	simm.s32 $0x1  }
0x2f7: {  	_ =	swait.ge [sflag:s0], $0x1C00  }
0x2f8: {  	[sflag:s0] =	ssyncset.done $0x0  }
0x2f9: {  	s1 =	simm.s32 $0x2;
	[sflag:s0] =	ssyncadd.s32 $0xFFFFE400  }
0x2fa: {  	_ =	swait.ge [sflag:s1], $0x1C00  }
0x2fb: {  	s2 =	rddreg [dreg:$0x7]  }
0x2fc: {  	s31 =	rddreg [dreg:$0x6];
	s2 =	sadd.s32 $0x1, s2  }
0x2fd: {  	p0 =	sne.s32 s2, s31  }
.Ltmp11:
0x2fe: {  	_ = 	snop;
	(pc) =	sbr.rel @p0 .LBB2_1-.Ltmp11, $3  }
0x2ff: {  	_ =	sdelay $0x1  }
0x300: {  	[sflag:s1] =	ssyncset.done $0x0  }
0x301: {  	[sflag:s1] =	ssyncadd.s32 $0xFFFFE400  }
0x302: {  	_ =	sfence.sel $0x180000  }
0x303: {  	[bflag:$0x0] =	sbarrier.arrive $0xFFFF  }
0x304: {  	_ =	strace $0x90000047  }
0x305: {  	s0 =	stileid.u32;
	[bflag:$0x2] =	sbarrier.arrive $0xFFFF  }
0x306: {  	p0 =	sne.s32 s0, $0x0;
	s0 =	rddreg [dreg:$0x2]  }
0x307: {  	s0 =	sadd.s32 @!p0 $0x100000, s0  }
0x308: {  	[sflag:s0] =	ssyncadd.tile.s32 @!p0 $0x1;
	_ =	shalt  }
.Lfunc_end2:
_tile_overlayer_lowered:
.L_overlay_start_2:
0x309: {  	(tag) =	ssettag $0x2  }
0x30a: {  	s0 =	rddreg [dreg:$0x0];
	s2 =	stileid.u32  }
0x30b: {  	s1 =	rddreg [dreg:$0x1];
	p0 =	sne.s32 s2, $0x0  }
0x30c: {  	s3 =	rddreg [dreg:$0x2];
	[bflag:$0x3] =	sbarrier.arrive $0xFFFF;
	s2 =	simm.s32 @!p0 $0x1C03  }
0x30d: {  	[timem:s3], [sflag:s2] =	dma.local @!p0 [hbm:s0], s1  }
0x30e: {  	s0 =	simm.s32 @!p0 $0x3  }
0x30f: {  	_ =	swait.ge @!p0 [sflag:s0], s1  }
0x310: {  	s1 =	ssub.s32 @!p0 $0x0, s1;
	[sflag:s0] =	ssyncset.done @!p0 $0x0  }
0x311: {  	[sflag:s0] =	ssyncadd.s32 @!p0 s1  }
0x312: {  	[bflag:$0x3] =	sbarrier.arrive $0xFFFF  }
0x313: {  	_ =	shalt  }

</sc_bundles>
